<compile_context>
chip_gen: v7x
topology: tpu7x:2x2x1
jax: 0.10.2.dev20260603
libtpu: 0.0.44.dev20260713+nightly
codegen_flags: <defaults>
</compile_context>

<pallas_src>
import functools

import jax
import jax.numpy as jnp
from jax import lax
from jax.experimental import pallas as pl
from jax.experimental.pallas import tpu as pltpu
from jax.experimental.pallas import tpu_sc as plsc

NUM_Q = 4
C = 8192
D = 32
N = 32768
TB = 1024
NC, NS, L = 2, 16, 16
NW = NC * NS
CHUNK = N // NW
GCH = 128



def _argmin_body(res_ref, cbt_ref, idx_ref):
    r = res_ref[...]
    cbt = cbt_ref[...]
    rb = (2.0 * r).astype(jnp.bfloat16)
    cbb = cbt.astype(jnp.bfloat16)
    mm2 = lax.dot_general(rb, cbb, (((1,), (0,)), ((), ())),
                          preferred_element_type=jnp.float32)
    sq = r * r
    s8 = ((sq[:, 0:8] + sq[:, 8:16]) + sq[:, 16:24]) + sq[:, 24:32]
    p4 = s8[:, 0:4] + s8[:, 4:8]
    q2 = p4[:, 0:2] + p4[:, 2:4]
    r2 = q2[:, 0:1] + q2[:, 1:2]
    sqe = cbt * cbt
    e8 = ((sqe[0:8] + sqe[8:16]) + sqe[16:24]) + sqe[24:32]
    ep4 = e8[0:4] + e8[4:8]
    eq2 = ep4[0:2] + ep4[2:4]
    e2 = eq2[0:1] + eq2[1:2]
    dist = -((r2 - mm2) + e2)
    H = C // 2
    col = lax.broadcasted_iota(jnp.int32, (TB, H), 1)
    d1 = dist[:, :H]
    d2 = dist[:, H:]
    m1 = jnp.max(d1, axis=1, keepdims=True)
    m2 = jnp.max(d2, axis=1, keepdims=True)
    i1 = jnp.min(jnp.where(d1 == m1, col, C), axis=1)
    i2 = jnp.min(jnp.where(d2 == m2, col + H, C), axis=1)
    m1b = m1.astype(jnp.bfloat16).astype(jnp.float32)
    idx = jnp.where(m2[:, 0] > m1b[:, 0], i2, i1).astype(jnp.int32)
    idx_ref[...] = idx.reshape(1, 1, TB)


def _tc_argmin(res, cbt):
    g = N // TB
    out = pl.pallas_call(
        _argmin_body,
        grid=(g,),
        in_specs=[
            pl.BlockSpec((TB, D), lambda i: (i, 0)),
            pl.BlockSpec((D, C), lambda i: (0, 0)),
        ],
        out_specs=pl.BlockSpec((1, 1, TB), lambda i: (i, 0, 0)),
        out_shape=jax.ShapeDtypeStruct((g, 1, TB), jnp.int32),
        compiler_params=pltpu.CompilerParams(
            dimension_semantics=("arbitrary",)),
    )(res, cbt)
    return out.reshape(N)



_SC_MESH = plsc.VectorSubcoreMesh(
    core_axis_name="c", subcore_axis_name="s", num_cores=NC, num_subcores=NS)


def _sc_gather_start(cb_hbm, idx_hbm, idx_v, rows_v, sem, base):
    pltpu.sync_copy(idx_hbm.at[pl.ds(base, CHUNK)], idx_v)
    return [
        pltpu.async_copy(cb_hbm.at[idx_v.at[pl.ds(j * GCH, GCH)]],
                         rows_v.at[pl.ds(j * GCH, GCH)], sem)
        for j in range(CHUNK // GCH)
    ]


def _sc_update_body(cb_hbm, idx_hbm, res_hbm, nres_hbm, loss_hbm,
                    idx_v, rows_v, res_v, acc_v, sem):
    wid = lax.axis_index("s") * NC + lax.axis_index("c")
    base = wid * CHUNK
    copies = _sc_gather_start(cb_hbm, idx_hbm, idx_v, rows_v, sem, base)
    pltpu.sync_copy(res_hbm.at[pl.ds(base, CHUNK)], res_v)
    for cp in copies:
        cp.wait()

    def tok(t, acc):
        for h in (0, L):
            res = res_v[t, pl.ds(h, L)]
            u = rows_v[t, pl.ds(h, L)] - res
            v = res + u
            res_v[t, pl.ds(h, L)] = res - v
            w = v - res
            acc = acc + w * w
        return acc

    acc = lax.fori_loop(0, CHUNK, tok, jnp.zeros((L,), jnp.float32))
    acc_v[...] = acc
    pltpu.sync_copy(res_v, nres_hbm.at[pl.ds(base, CHUNK)])
    pltpu.sync_copy(acc_v, loss_hbm.at[wid])


def _sc_update(cb, idx, res):
    return pl.kernel(
        _sc_update_body,
        out_type=(
            jax.ShapeDtypeStruct((N, D), jnp.float32),
            jax.ShapeDtypeStruct((NW, L), jnp.float32),
        ),
        mesh=_SC_MESH,
        scratch_types=[
            pltpu.VMEM((CHUNK,), jnp.int32),
            pltpu.VMEM((CHUNK, D), jnp.float32),
            pltpu.VMEM((CHUNK, D), jnp.float32),
            pltpu.VMEM((L,), jnp.float32),
            pltpu.SemaphoreType.DMA,
        ],
        compiler_params=pltpu.CompilerParams(use_tc_tiling_on_sc=False),
    )(cb, idx, res)


def _sc_update_last_body(cb_hbm, idx_hbm, res_hbm, x_hbm, qout_hbm, loss_hbm,
                         idx_v, rows_v, res_v, x_v, acc_v, sem):
    wid = lax.axis_index("s") * NC + lax.axis_index("c")
    base = wid * CHUNK
    copies = _sc_gather_start(cb_hbm, idx_hbm, idx_v, rows_v, sem, base)
    pltpu.sync_copy(res_hbm.at[pl.ds(base, CHUNK)], res_v)
    pltpu.sync_copy(x_hbm.at[pl.ds(base, CHUNK)], x_v)
    for cp in copies:
        cp.wait()

    def tok(t, acc):
        for h in (0, L):
            res = res_v[t, pl.ds(h, L)]
            u = rows_v[t, pl.ds(h, L)] - res
            v = res + u
            nr = res - v
            x_v[t, pl.ds(h, L)] = x_v[t, pl.ds(h, L)] - nr
            w = v - res
            acc = acc + w * w
        return acc

    acc = lax.fori_loop(0, CHUNK, tok, jnp.zeros((L,), jnp.float32))
    acc_v[...] = acc
    pltpu.sync_copy(x_v, qout_hbm.at[pl.ds(base, CHUNK)])
    pltpu.sync_copy(acc_v, loss_hbm.at[wid])


def _sc_update_last(cb, idx, res, x):
    return pl.kernel(
        _sc_update_last_body,
        out_type=(
            jax.ShapeDtypeStruct((N, D), jnp.float32),
            jax.ShapeDtypeStruct((NW, L), jnp.float32),
        ),
        mesh=_SC_MESH,
        scratch_types=[
            pltpu.VMEM((CHUNK,), jnp.int32),
            pltpu.VMEM((CHUNK, D), jnp.float32),
            pltpu.VMEM((CHUNK, D), jnp.float32),
            pltpu.VMEM((CHUNK, D), jnp.float32),
            pltpu.VMEM((L,), jnp.float32),
            pltpu.SemaphoreType.DMA,
        ],
        compiler_params=pltpu.CompilerParams(use_tc_tiling_on_sc=False),
    )(cb, idx, res, x)



@jax.jit
def _rvq(x, codebooks):
    b, n, _ = x.shape
    xf = x.reshape(N, D)
    cbt = codebooks.transpose(0, 2, 1)
    res = xf
    idxs = []
    losses = []
    qout = None
    for q in range(NUM_Q):
        idx = _tc_argmin(res, cbt[q])
        if q < NUM_Q - 1:
            res, lp = _sc_update(codebooks[q], idx, res)
        else:
            qout, lp = _sc_update_last(codebooks[q], idx, res, xf)
        idxs.append(idx)
        losses.append(jnp.sum(lp) / (N * D))
    all_idx = jnp.stack(idxs, axis=-1).reshape(b, n, NUM_Q)
    all_losses = jnp.stack(losses)
    return qout.reshape(x.shape), all_idx, all_losses


def kernel(x, codebooks):
    return _rvq(x, codebooks)

# --- scband reference (transcript-rebuilt; emitter-appended) ---
"""Pipeline reference for scband-residual-vq-14096082665621 (READ-ONLY COPY).

The authoritative reference and input builder live on the scoring server;
editing this copy changes nothing except your own understanding.
"""

import jax, jax.numpy as jnp
import numpy as np

NUM_Q = 4
CODEBOOK_SIZE = 8192
DIM = 32


def setup_inputs(seed: int = 0) -> dict:
    key = jax.random.key(seed)
    k1, k2 = jax.random.split(key)
    x = jax.random.normal(k1, (32, 1024, DIM), dtype=jnp.float32)
    # learned codebooks for each residual quantizer (uniform codebook size)
    codebooks = jax.random.normal(k2, (NUM_Q, CODEBOOK_SIZE, DIM), dtype=jnp.float32)
    return {"x": x, "codebooks": codebooks}


def _vq_layer(residual, embed):
    # residual: [b, n, d], embed: [c, d]
    b, n, d = residual.shape
    flat = residual.reshape(-1, d)
    # negative squared euclidean distance (as in euclidean codebook of vector-quantize-pytorch)
    dist = -(jnp.sum(flat ** 2, axis=-1, keepdims=True)
             - 2.0 * flat @ embed.T
             + jnp.sum(embed ** 2, axis=-1)[None, :])
    idx = jnp.argmax(dist, axis=-1)
    quantize = jnp.take(embed, idx, axis=0).reshape(b, n, d)
    idx = idx.reshape(b, n)
    # straight-through estimator (ema-updated codebook, not learnable)
    quantize_st = residual + jax.lax.stop_gradient(quantize - residual)
    commit_loss = jnp.mean((jax.lax.stop_gradient(quantize_st) - residual) ** 2)
    return quantize_st, idx, commit_loss


def reference(x, codebooks):
    # Follows Algorithm 1 of SoundStream residual VQ (no quantize dropout at eval,
    # no implicit neural codebook, no beam search -> greedy nearest neighbor per layer)
    quantized_out = jnp.zeros_like(x)
    residual = x
    all_indices = []
    all_losses = []
    for q in range(NUM_Q):
        quantize, idx, loss = _vq_layer(residual, codebooks[q])
        # residual = residual - quantized.detach()
        residual = residual - jax.lax.stop_gradient(quantize)
        quantized_out = quantized_out + quantize
        all_indices.append(idx)
        all_losses.append(loss)
    all_indices = jnp.stack(all_indices, axis=-1)  # [b, n, q]
    all_losses = jnp.stack(all_losses)             # [q]
    return quantized_out, all_indices, all_losses

if __name__ == "__main__":
    import jax
    _d = setup_inputs()
    print(jax.jit(kernel)(*tuple(_d.values())))

</pallas_src>

<mosaic_0001>
#map = affine_map<(d0, d1) -> (0, 0)>
#map1 = affine_map<(d0, d1) -> (0)>
module attributes {stable_mosaic.version = 14 : i64} {
  func.func @_sc_update_body(%arg0: i32, %arg1: i32, %arg2: memref<8192x32xf32, #tpu.memory_space<hbm>>, %arg3: memref<32768xi32, #tpu.memory_space<hbm>>, %arg4: memref<32768x32xf32, #tpu.memory_space<hbm>>, %arg5: memref<32768x32xf32, #tpu.memory_space<hbm>>, %arg6: memref<32x16xf32, #tpu.memory_space<hbm>>, %arg7: memref<1024xi32, #tpu.memory_space<vmem>>, %arg8: memref<1024x32xf32, #tpu.memory_space<vmem>>, %arg9: memref<1024x32xf32, #tpu.memory_space<vmem>>, %arg10: memref<16xf32, #tpu.memory_space<vmem>>, %arg11: memref<!tpu.dma_semaphore, #tpu.memory_space<semaphore_mem>>) attributes {dimension_semantics = [#tpu.dimension_semantics<core_parallel>, #tpu.dimension_semantics<subcore_parallel>], iteration_bounds = array<i64: 2, 16>, scalar_prefetch = 0 : i64, scratch_operands = 5 : i64, tpu.core_type = #tpu.core_type<sc_vector_subcore>, window_params = [{transform_indices = #map}, {transform_indices = #map1}, {transform_indices = #map}, {transform_indices = #map}, {transform_indices = #map}]} {
    %mul3A = arith.constant 2 : i32
    %mul3A_0 = arith.muli %arg1, %mul3A : i32
    %add3A = arith.addi %mul3A_0, %arg0 : i32
    %mul3A_1 = arith.constant 1024 : i32
    %mul3A_2 = arith.muli %add3A, %mul3A_1 : i32
    "tpu.region"() ({
      %run_scoped3A = tpu.sem_alloc : memref<!tpu.dma_semaphore, #tpu.memory_space<semaphore_mem>>
      %dma_start3A_138 = tpu.memref_slice %arg3[%mul3A_2] : memref<32768xi32, #tpu.memory_space<hbm>> -> memref<1024xi32, #tpu.memory_space<hbm>>
      %dma_start3A_139 = tpu.memref_slice %arg3[%mul3A_2] : memref<32768xi32, #tpu.memory_space<hbm>> -> memref<1024xi32, #tpu.memory_space<hbm>>
      tpu.enqueue_dma source(%dma_start3A_139 : memref<1024xi32, #tpu.memory_space<hbm>>) target(%arg7 : memref<1024xi32, #tpu.memory_space<vmem>>) target_semaphore(%run_scoped3A : memref<!tpu.dma_semaphore, #tpu.memory_space<semaphore_mem>>)
      %dma_wait3A_140 = tpu.memref_slice %arg3[%mul3A_2] : memref<32768xi32, #tpu.memory_space<hbm>> -> memref<1024xi32, #tpu.memory_space<hbm>>
      %dma_wait3A_141 = tpu.memref_slice %arg3[%mul3A_2] : memref<32768xi32, #tpu.memory_space<hbm>> -> memref<1024xi32, #tpu.memory_space<hbm>>
      tpu.wait_dma2 semaphore(%run_scoped3A : memref<!tpu.dma_semaphore, #tpu.memory_space<semaphore_mem>>) src(%dma_wait3A_141 : memref<1024xi32, #tpu.memory_space<hbm>>) dst(%arg7 : memref<1024xi32, #tpu.memory_space<vmem>>)
      tpu.yield
    }) : () -> ()
    %dma_start3A = arith.constant 0 : i32
    %dma_start3A_3 = arith.constant 0 : i32
    %dma_start3A_4 = tpu.memref_slice %arg8[%dma_start3A, %dma_start3A_3] : memref<1024x32xf32, #tpu.memory_space<vmem>> -> memref<128x32xf32, #tpu.memory_space<vmem>>
    %dma_start3A_5 = arith.constant 0 : i32
    %dma_start3A_6 = tpu.memref_slice %arg7[%dma_start3A_5] : memref<1024xi32, #tpu.memory_space<vmem>> -> memref<128xi32, #tpu.memory_space<vmem>>
    %dma_start3A_7 = arith.constant 0 : i32
    %dma_start3A_8 = arith.constant 0 : i32
    %dma_start3A_9 = tpu.memref_slice %arg2[%dma_start3A_7, %dma_start3A_8] : memref<8192x32xf32, #tpu.memory_space<hbm>> -> memref<8192x32xf32, #tpu.memory_space<hbm>>
    tpu.enqueue_indirect_dma source(%dma_start3A_9 : memref<8192x32xf32, #tpu.memory_space<hbm>>) target(%dma_start3A_4 : memref<128x32xf32, #tpu.memory_space<vmem>>) offsets(%dma_start3A_6 : memref<128xi32, #tpu.memory_space<vmem>>) semaphore(%arg11 : memref<!tpu.dma_semaphore, #tpu.memory_space<semaphore_mem>>)
    %dma_start3A_10 = arith.constant 128 : i32
    %dma_start3A_11 = arith.constant 0 : i32
    %dma_start3A_12 = tpu.memref_slice %arg8[%dma_start3A_10, %dma_start3A_11] : memref<1024x32xf32, #tpu.memory_space<vmem>> -> memref<128x32xf32, #tpu.memory_space<vmem>>
    %dma_start3A_13 = arith.constant 128 : i32
    %dma_start3A_14 = tpu.memref_slice %arg7[%dma_start3A_13] : memref<1024xi32, #tpu.memory_space<vmem>> -> memref<128xi32, #tpu.memory_space<vmem>>
    %dma_start3A_15 = arith.constant 0 : i32
    %dma_start3A_16 = arith.constant 0 : i32
    %dma_start3A_17 = tpu.memref_slice %arg2[%dma_start3A_15, %dma_start3A_16] : memref<8192x32xf32, #tpu.memory_space<hbm>> -> memref<8192x32xf32, #tpu.memory_space<hbm>>
    tpu.enqueue_indirect_dma source(%dma_start3A_17 : memref<8192x32xf32, #tpu.memory_space<hbm>>) target(%dma_start3A_12 : memref<128x32xf32, #tpu.memory_space<vmem>>) offsets(%dma_start3A_14 : memref<128xi32, #tpu.memory_space<vmem>>) semaphore(%arg11 : memref<!tpu.dma_semaphore, #tpu.memory_space<semaphore_mem>>)
    %dma_start3A_18 = arith.constant 256 : i32
    %dma_start3A_19 = arith.constant 0 : i32
    %dma_start3A_20 = tpu.memref_slice %arg8[%dma_start3A_18, %dma_start3A_19] : memref<1024x32xf32, #tpu.memory_space<vmem>> -> memref<128x32xf32, #tpu.memory_space<vmem>>
    %dma_start3A_21 = arith.constant 256 : i32
    %dma_start3A_22 = tpu.memref_slice %arg7[%dma_start3A_21] : memref<1024xi32, #tpu.memory_space<vmem>> -> memref<128xi32, #tpu.memory_space<vmem>>
    %dma_start3A_23 = arith.constant 0 : i32
    %dma_start3A_24 = arith.constant 0 : i32
    %dma_start3A_25 = tpu.memref_slice %arg2[%dma_start3A_23, %dma_start3A_24] : memref<8192x32xf32, #tpu.memory_space<hbm>> -> memref<8192x32xf32, #tpu.memory_space<hbm>>
    tpu.enqueue_indirect_dma source(%dma_start3A_25 : memref<8192x32xf32, #tpu.memory_space<hbm>>) target(%dma_start3A_20 : memref<128x32xf32, #tpu.memory_space<vmem>>) offsets(%dma_start3A_22 : memref<128xi32, #tpu.memory_space<vmem>>) semaphore(%arg11 : memref<!tpu.dma_semaphore, #tpu.memory_space<semaphore_mem>>)
    %dma_start3A_26 = arith.constant 384 : i32
    %dma_start3A_27 = arith.constant 0 : i32
    %dma_start3A_28 = tpu.memref_slice %arg8[%dma_start3A_26, %dma_start3A_27] : memref<1024x32xf32, #tpu.memory_space<vmem>> -> memref<128x32xf32, #tpu.memory_space<vmem>>
    %dma_start3A_29 = arith.constant 384 : i32
    %dma_start3A_30 = tpu.memref_slice %arg7[%dma_start3A_29] : memref<1024xi32, #tpu.memory_space<vmem>> -> memref<128xi32, #tpu.memory_space<vmem>>
    %dma_start3A_31 = arith.constant 0 : i32
    %dma_start3A_32 = arith.constant 0 : i32
    %dma_start3A_33 = tpu.memref_slice %arg2[%dma_start3A_31, %dma_start3A_32] : memref<8192x32xf32, #tpu.memory_space<hbm>> -> memref<8192x32xf32, #tpu.memory_space<hbm>>
    tpu.enqueue_indirect_dma source(%dma_start3A_33 : memref<8192x32xf32, #tpu.memory_space<hbm>>) target(%dma_start3A_28 : memref<128x32xf32, #tpu.memory_space<vmem>>) offsets(%dma_start3A_30 : memref<128xi32, #tpu.memory_space<vmem>>) semaphore(%arg11 : memref<!tpu.dma_semaphore, #tpu.memory_space<semaphore_mem>>)
    %dma_start3A_34 = arith.constant 512 : i32
    %dma_start3A_35 = arith.constant 0 : i32
    %dma_start3A_36 = tpu.memref_slice %arg8[%dma_start3A_34, %dma_start3A_35] : memref<1024x32xf32, #tpu.memory_space<vmem>> -> memref<128x32xf32, #tpu.memory_space<vmem>>
    %dma_start3A_37 = arith.constant 512 : i32
    %dma_start3A_38 = tpu.memref_slice %arg7[%dma_start3A_37] : memref<1024xi32, #tpu.memory_space<vmem>> -> memref<128xi32, #tpu.memory_space<vmem>>
    %dma_start3A_39 = arith.constant 0 : i32
    %dma_start3A_40 = arith.constant 0 : i32
    %dma_start3A_41 = tpu.memref_slice %arg2[%dma_start3A_39, %dma_start3A_40] : memref<8192x32xf32, #tpu.memory_space<hbm>> -> memref<8192x32xf32, #tpu.memory_space<hbm>>
    tpu.enqueue_indirect_dma source(%dma_start3A_41 : memref<8192x32xf32, #tpu.memory_space<hbm>>) target(%dma_start3A_36 : memref<128x32xf32, #tpu.memory_space<vmem>>) offsets(%dma_start3A_38 : memref<128xi32, #tpu.memory_space<vmem>>) semaphore(%arg11 : memref<!tpu.dma_semaphore, #tpu.memory_space<semaphore_mem>>)
    %dma_start3A_42 = arith.constant 640 : i32
    %dma_start3A_43 = arith.constant 0 : i32
    %dma_start3A_44 = tpu.memref_slice %arg8[%dma_start3A_42, %dma_start3A_43] : memref<1024x32xf32, #tpu.memory_space<vmem>> -> memref<128x32xf32, #tpu.memory_space<vmem>>
    %dma_start3A_45 = arith.constant 640 : i32
    %dma_start3A_46 = tpu.memref_slice %arg7[%dma_start3A_45] : memref<1024xi32, #tpu.memory_space<vmem>> -> memref<128xi32, #tpu.memory_space<vmem>>
    %dma_start3A_47 = arith.constant 0 : i32
    %dma_start3A_48 = arith.constant 0 : i32
    %dma_start3A_49 = tpu.memref_slice %arg2[%dma_start3A_47, %dma_start3A_48] : memref<8192x32xf32, #tpu.memory_space<hbm>> -> memref<8192x32xf32, #tpu.memory_space<hbm>>
    tpu.enqueue_indirect_dma source(%dma_start3A_49 : memref<8192x32xf32, #tpu.memory_space<hbm>>) target(%dma_start3A_44 : memref<128x32xf32, #tpu.memory_space<vmem>>) offsets(%dma_start3A_46 : memref<128xi32, #tpu.memory_space<vmem>>) semaphore(%arg11 : memref<!tpu.dma_semaphore, #tpu.memory_space<semaphore_mem>>)
    %dma_start3A_50 = arith.constant 768 : i32
    %dma_start3A_51 = arith.constant 0 : i32
    %dma_start3A_52 = tpu.memref_slice %arg8[%dma_start3A_50, %dma_start3A_51] : memref<1024x32xf32, #tpu.memory_space<vmem>> -> memref<128x32xf32, #tpu.memory_space<vmem>>
    %dma_start3A_53 = arith.constant 768 : i32
    %dma_start3A_54 = tpu.memref_slice %arg7[%dma_start3A_53] : memref<1024xi32, #tpu.memory_space<vmem>> -> memref<128xi32, #tpu.memory_space<vmem>>
    %dma_start3A_55 = arith.constant 0 : i32
    %dma_start3A_56 = arith.constant 0 : i32
    %dma_start3A_57 = tpu.memref_slice %arg2[%dma_start3A_55, %dma_start3A_56] : memref<8192x32xf32, #tpu.memory_space<hbm>> -> memref<8192x32xf32, #tpu.memory_space<hbm>>
    tpu.enqueue_indirect_dma source(%dma_start3A_57 : memref<8192x32xf32, #tpu.memory_space<hbm>>) target(%dma_start3A_52 : memref<128x32xf32, #tpu.memory_space<vmem>>) offsets(%dma_start3A_54 : memref<128xi32, #tpu.memory_space<vmem>>) semaphore(%arg11 : memref<!tpu.dma_semaphore, #tpu.memory_space<semaphore_mem>>)
    %dma_start3A_58 = arith.constant 896 : i32
    %dma_start3A_59 = arith.constant 0 : i32
    %dma_start3A_60 = tpu.memref_slice %arg8[%dma_start3A_58, %dma_start3A_59] : memref<1024x32xf32, #tpu.memory_space<vmem>> -> memref<128x32xf32, #tpu.memory_space<vmem>>
    %dma_start3A_61 = arith.constant 896 : i32
    %dma_start3A_62 = tpu.memref_slice %arg7[%dma_start3A_61] : memref<1024xi32, #tpu.memory_space<vmem>> -> memref<128xi32, #tpu.memory_space<vmem>>
    %dma_start3A_63 = arith.constant 0 : i32
    %dma_start3A_64 = arith.constant 0 : i32
    %dma_start3A_65 = tpu.memref_slice %arg2[%dma_start3A_63, %dma_start3A_64] : memref<8192x32xf32, #tpu.memory_space<hbm>> -> memref<8192x32xf32, #tpu.memory_space<hbm>>
    tpu.enqueue_indirect_dma source(%dma_start3A_65 : memref<8192x32xf32, #tpu.memory_space<hbm>>) target(%dma_start3A_60 : memref<128x32xf32, #tpu.memory_space<vmem>>) offsets(%dma_start3A_62 : memref<128xi32, #tpu.memory_space<vmem>>) semaphore(%arg11 : memref<!tpu.dma_semaphore, #tpu.memory_space<semaphore_mem>>)
    "tpu.region"() ({
      %run_scoped3A = tpu.sem_alloc : memref<!tpu.dma_semaphore, #tpu.memory_space<semaphore_mem>>
      %dma_start3A_138 = arith.constant 0 : i32
      %dma_start3A_139 = tpu.memref_slice %arg4[%mul3A_2, %dma_start3A_138] : memref<32768x32xf32, #tpu.memory_space<hbm>> -> memref<1024x32xf32, #tpu.memory_space<hbm>>
      %dma_start3A_140 = arith.constant 0 : i32
      %dma_start3A_141 = tpu.memref_slice %arg4[%mul3A_2, %dma_start3A_140] : memref<32768x32xf32, #tpu.memory_space<hbm>> -> memref<1024x32xf32, #tpu.memory_space<hbm>>
      tpu.enqueue_dma source(%dma_start3A_141 : memref<1024x32xf32, #tpu.memory_space<hbm>>) target(%arg9 : memref<1024x32xf32, #tpu.memory_space<vmem>>) target_semaphore(%run_scoped3A : memref<!tpu.dma_semaphore, #tpu.memory_space<semaphore_mem>>)
      %dma_wait3A_142 = arith.constant 0 : i32
      %dma_wait3A_143 = tpu.memref_slice %arg4[%mul3A_2, %dma_wait3A_142] : memref<32768x32xf32, #tpu.memory_space<hbm>> -> memref<1024x32xf32, #tpu.memory_space<hbm>>
      %dma_wait3A_144 = arith.constant 0 : i32
      %dma_wait3A_145 = tpu.memref_slice %arg4[%mul3A_2, %dma_wait3A_144] : memref<32768x32xf32, #tpu.memory_space<hbm>> -> memref<1024x32xf32, #tpu.memory_space<hbm>>
      tpu.wait_dma2 semaphore(%run_scoped3A : memref<!tpu.dma_semaphore, #tpu.memory_space<semaphore_mem>>) src(%dma_wait3A_145 : memref<1024x32xf32, #tpu.memory_space<hbm>>) dst(%arg9 : memref<1024x32xf32, #tpu.memory_space<vmem>>)
      tpu.yield
    }) : () -> ()
    %dma_wait3A = arith.constant 0 : i32
    %dma_wait3A_66 = arith.constant 0 : i32
    %dma_wait3A_67 = tpu.memref_slice %arg8[%dma_wait3A, %dma_wait3A_66] : memref<1024x32xf32, #tpu.memory_space<vmem>> -> memref<128x32xf32, #tpu.memory_space<vmem>>
    %dma_wait3A_68 = arith.constant 0 : i32
    %dma_wait3A_69 = tpu.memref_slice %arg7[%dma_wait3A_68] : memref<1024xi32, #tpu.memory_space<vmem>> -> memref<128xi32, #tpu.memory_space<vmem>>
    %dma_wait3A_70 = arith.constant 0 : i32
    %dma_wait3A_71 = arith.constant 0 : i32
    %dma_wait3A_72 = tpu.memref_slice %arg2[%dma_wait3A_70, %dma_wait3A_71] : memref<8192x32xf32, #tpu.memory_space<hbm>> -> memref<8192x32xf32, #tpu.memory_space<hbm>>
    tpu.wait_indirect_dma semaphore(%arg11 : memref<!tpu.dma_semaphore, #tpu.memory_space<semaphore_mem>>) src(%dma_wait3A_72 : memref<8192x32xf32, #tpu.memory_space<hbm>>) dst(%dma_wait3A_67 : memref<128x32xf32, #tpu.memory_space<vmem>>)
    %dma_wait3A_73 = arith.constant 128 : i32
    %dma_wait3A_74 = arith.constant 0 : i32
    %dma_wait3A_75 = tpu.memref_slice %arg8[%dma_wait3A_73, %dma_wait3A_74] : memref<1024x32xf32, #tpu.memory_space<vmem>> -> memref<128x32xf32, #tpu.memory_space<vmem>>
    %dma_wait3A_76 = arith.constant 128 : i32
    %dma_wait3A_77 = tpu.memref_slice %arg7[%dma_wait3A_76] : memref<1024xi32, #tpu.memory_space<vmem>> -> memref<128xi32, #tpu.memory_space<vmem>>
    %dma_wait3A_78 = arith.constant 0 : i32
    %dma_wait3A_79 = arith.constant 0 : i32
    %dma_wait3A_80 = tpu.memref_slice %arg2[%dma_wait3A_78, %dma_wait3A_79] : memref<8192x32xf32, #tpu.memory_space<hbm>> -> memref<8192x32xf32, #tpu.memory_space<hbm>>
    tpu.wait_indirect_dma semaphore(%arg11 : memref<!tpu.dma_semaphore, #tpu.memory_space<semaphore_mem>>) src(%dma_wait3A_80 : memref<8192x32xf32, #tpu.memory_space<hbm>>) dst(%dma_wait3A_75 : memref<128x32xf32, #tpu.memory_space<vmem>>)
    %dma_wait3A_81 = arith.constant 256 : i32
    %dma_wait3A_82 = arith.constant 0 : i32
    %dma_wait3A_83 = tpu.memref_slice %arg8[%dma_wait3A_81, %dma_wait3A_82] : memref<1024x32xf32, #tpu.memory_space<vmem>> -> memref<128x32xf32, #tpu.memory_space<vmem>>
    %dma_wait3A_84 = arith.constant 256 : i32
    %dma_wait3A_85 = tpu.memref_slice %arg7[%dma_wait3A_84] : memref<1024xi32, #tpu.memory_space<vmem>> -> memref<128xi32, #tpu.memory_space<vmem>>
    %dma_wait3A_86 = arith.constant 0 : i32
    %dma_wait3A_87 = arith.constant 0 : i32
    %dma_wait3A_88 = tpu.memref_slice %arg2[%dma_wait3A_86, %dma_wait3A_87] : memref<8192x32xf32, #tpu.memory_space<hbm>> -> memref<8192x32xf32, #tpu.memory_space<hbm>>
    tpu.wait_indirect_dma semaphore(%arg11 : memref<!tpu.dma_semaphore, #tpu.memory_space<semaphore_mem>>) src(%dma_wait3A_88 : memref<8192x32xf32, #tpu.memory_space<hbm>>) dst(%dma_wait3A_83 : memref<128x32xf32, #tpu.memory_space<vmem>>)
    %dma_wait3A_89 = arith.constant 384 : i32
    %dma_wait3A_90 = arith.constant 0 : i32
    %dma_wait3A_91 = tpu.memref_slice %arg8[%dma_wait3A_89, %dma_wait3A_90] : memref<1024x32xf32, #tpu.memory_space<vmem>> -> memref<128x32xf32, #tpu.memory_space<vmem>>
    %dma_wait3A_92 = arith.constant 384 : i32
    %dma_wait3A_93 = tpu.memref_slice %arg7[%dma_wait3A_92] : memref<1024xi32, #tpu.memory_space<vmem>> -> memref<128xi32, #tpu.memory_space<vmem>>
    %dma_wait3A_94 = arith.constant 0 : i32
    %dma_wait3A_95 = arith.constant 0 : i32
    %dma_wait3A_96 = tpu.memref_slice %arg2[%dma_wait3A_94, %dma_wait3A_95] : memref<8192x32xf32, #tpu.memory_space<hbm>> -> memref<8192x32xf32, #tpu.memory_space<hbm>>
    tpu.wait_indirect_dma semaphore(%arg11 : memref<!tpu.dma_semaphore, #tpu.memory_space<semaphore_mem>>) src(%dma_wait3A_96 : memref<8192x32xf32, #tpu.memory_space<hbm>>) dst(%dma_wait3A_91 : memref<128x32xf32, #tpu.memory_space<vmem>>)
    %dma_wait3A_97 = arith.constant 512 : i32
    %dma_wait3A_98 = arith.constant 0 : i32
    %dma_wait3A_99 = tpu.memref_slice %arg8[%dma_wait3A_97, %dma_wait3A_98] : memref<1024x32xf32, #tpu.memory_space<vmem>> -> memref<128x32xf32, #tpu.memory_space<vmem>>
    %dma_wait3A_100 = arith.constant 512 : i32
    %dma_wait3A_101 = tpu.memref_slice %arg7[%dma_wait3A_100] : memref<1024xi32, #tpu.memory_space<vmem>> -> memref<128xi32, #tpu.memory_space<vmem>>
    %dma_wait3A_102 = arith.constant 0 : i32
    %dma_wait3A_103 = arith.constant 0 : i32
    %dma_wait3A_104 = tpu.memref_slice %arg2[%dma_wait3A_102, %dma_wait3A_103] : memref<8192x32xf32, #tpu.memory_space<hbm>> -> memref<8192x32xf32, #tpu.memory_space<hbm>>
    tpu.wait_indirect_dma semaphore(%arg11 : memref<!tpu.dma_semaphore, #tpu.memory_space<semaphore_mem>>) src(%dma_wait3A_104 : memref<8192x32xf32, #tpu.memory_space<hbm>>) dst(%dma_wait3A_99 : memref<128x32xf32, #tpu.memory_space<vmem>>)
    %dma_wait3A_105 = arith.constant 640 : i32
    %dma_wait3A_106 = arith.constant 0 : i32
    %dma_wait3A_107 = tpu.memref_slice %arg8[%dma_wait3A_105, %dma_wait3A_106] : memref<1024x32xf32, #tpu.memory_space<vmem>> -> memref<128x32xf32, #tpu.memory_space<vmem>>
    %dma_wait3A_108 = arith.constant 640 : i32
    %dma_wait3A_109 = tpu.memref_slice %arg7[%dma_wait3A_108] : memref<1024xi32, #tpu.memory_space<vmem>> -> memref<128xi32, #tpu.memory_space<vmem>>
    %dma_wait3A_110 = arith.constant 0 : i32
    %dma_wait3A_111 = arith.constant 0 : i32
    %dma_wait3A_112 = tpu.memref_slice %arg2[%dma_wait3A_110, %dma_wait3A_111] : memref<8192x32xf32, #tpu.memory_space<hbm>> -> memref<8192x32xf32, #tpu.memory_space<hbm>>
    tpu.wait_indirect_dma semaphore(%arg11 : memref<!tpu.dma_semaphore, #tpu.memory_space<semaphore_mem>>) src(%dma_wait3A_112 : memref<8192x32xf32, #tpu.memory_space<hbm>>) dst(%dma_wait3A_107 : memref<128x32xf32, #tpu.memory_space<vmem>>)
    %dma_wait3A_113 = arith.constant 768 : i32
    %dma_wait3A_114 = arith.constant 0 : i32
    %dma_wait3A_115 = tpu.memref_slice %arg8[%dma_wait3A_113, %dma_wait3A_114] : memref<1024x32xf32, #tpu.memory_space<vmem>> -> memref<128x32xf32, #tpu.memory_space<vmem>>
    %dma_wait3A_116 = arith.constant 768 : i32
    %dma_wait3A_117 = tpu.memref_slice %arg7[%dma_wait3A_116] : memref<1024xi32, #tpu.memory_space<vmem>> -> memref<128xi32, #tpu.memory_space<vmem>>
    %dma_wait3A_118 = arith.constant 0 : i32
    %dma_wait3A_119 = arith.constant 0 : i32
    %dma_wait3A_120 = tpu.memref_slice %arg2[%dma_wait3A_118, %dma_wait3A_119] : memref<8192x32xf32, #tpu.memory_space<hbm>> -> memref<8192x32xf32, #tpu.memory_space<hbm>>
    tpu.wait_indirect_dma semaphore(%arg11 : memref<!tpu.dma_semaphore, #tpu.memory_space<semaphore_mem>>) src(%dma_wait3A_120 : memref<8192x32xf32, #tpu.memory_space<hbm>>) dst(%dma_wait3A_115 : memref<128x32xf32, #tpu.memory_space<vmem>>)
    %dma_wait3A_121 = arith.constant 896 : i32
    %dma_wait3A_122 = arith.constant 0 : i32
    %dma_wait3A_123 = tpu.memref_slice %arg8[%dma_wait3A_121, %dma_wait3A_122] : memref<1024x32xf32, #tpu.memory_space<vmem>> -> memref<128x32xf32, #tpu.memory_space<vmem>>
    %dma_wait3A_124 = arith.constant 896 : i32
    %dma_wait3A_125 = tpu.memref_slice %arg7[%dma_wait3A_124] : memref<1024xi32, #tpu.memory_space<vmem>> -> memref<128xi32, #tpu.memory_space<vmem>>
    %dma_wait3A_126 = arith.constant 0 : i32
    %dma_wait3A_127 = arith.constant 0 : i32
    %dma_wait3A_128 = tpu.memref_slice %arg2[%dma_wait3A_126, %dma_wait3A_127] : memref<8192x32xf32, #tpu.memory_space<hbm>> -> memref<8192x32xf32, #tpu.memory_space<hbm>>
    tpu.wait_indirect_dma semaphore(%arg11 : memref<!tpu.dma_semaphore, #tpu.memory_space<semaphore_mem>>) src(%dma_wait3A_128 : memref<8192x32xf32, #tpu.memory_space<hbm>>) dst(%dma_wait3A_123 : memref<128x32xf32, #tpu.memory_space<vmem>>)
    %broadcast_in_dim3A = arith.constant 0.000000e+00 : f32
    %broadcast_in_dim3A_129 = vector.broadcast %broadcast_in_dim3A : f32 to vector<16xf32>
    %scan3A = arith.constant 0 : i32
    %scan3A_130 = arith.constant 1024 : i32
    %scan3A_131 = arith.addi %scan3A, %scan3A_130 : i32
    %scan3A_132 = arith.constant 1 : i32
    %scan3A_133 = scf.for %scan3A_138 = %scan3A to %scan3A_131 step %scan3A_132 iter_args(%scan3A_139 = %broadcast_in_dim3A_129) -> (vector<16xf32>)  : i32 {
      %get3A = arith.index_cast %scan3A_138 : i32 to index
      %get3A_140 = arith.constant 0 : index
      %get3A_141 = tpu.vector_load %arg9[%get3A, %get3A_140] {strides = array<i32>} : memref<1024x32xf32, #tpu.memory_space<vmem>>, vector<1x16xf32>,
      %get3A_142 = vector.shape_cast %get3A_141 : vector<1x16xf32> to vector<16xf32>
      %get3A_143 = arith.index_cast %scan3A_138 : i32 to index
      %get3A_144 = arith.constant 0 : index
      %get3A_145 = tpu.vector_load %arg8[%get3A_143, %get3A_144] {strides = array<i32>} : memref<1024x32xf32, #tpu.memory_space<vmem>>, vector<1x16xf32>,
      %get3A_146 = vector.shape_cast %get3A_145 : vector<1x16xf32> to vector<16xf32>
      %sub3A = arith.subf %get3A_146, %get3A_142 : vector<16xf32>
      %add3A_147 = arith.addf %get3A_142, %sub3A : vector<16xf32>
      %sub3A_148 = arith.subf %get3A_142, %add3A_147 : vector<16xf32>
      %swap3A_149 = arith.index_cast %scan3A_138 : i32 to index
      %swap3A_150 = arith.constant 0 : index
      %swap3A_151 = tpu.vector_load %arg9[%swap3A_149, %swap3A_150] {strides = array<i32>} : memref<1024x32xf32, #tpu.memory_space<vmem>>, vector<1x16xf32>,
      %swap3A_152 = vector.shape_cast %swap3A_151 : vector<1x16xf32> to vector<16xf32>
      %swap3A_153 = vector.shape_cast %sub3A_148 : vector<16xf32> to vector<1x16xf32>
      tpu.vector_store %arg9[%swap3A_149, %swap3A_150], %swap3A_153 {strides = array<i32>} : memref<1024x32xf32, #tpu.memory_space<vmem>>, vector<1x16xf32>,
      %sub3A_154 = arith.subf %add3A_147, %get3A_142 : vector<16xf32>
      %mul3A_155 = arith.mulf %sub3A_154, %sub3A_154 : vector<16xf32>
      %add3A_156 = arith.addf %scan3A_139, %mul3A_155 : vector<16xf32>
      %get3A_157 = arith.index_cast %scan3A_138 : i32 to index
      %get3A_158 = arith.constant 16 : index
      %get3A_159 = tpu.vector_load %arg9[%get3A_157, %get3A_158] {strides = array<i32>} : memref<1024x32xf32, #tpu.memory_space<vmem>>, vector<1x16xf32>,
      %get3A_160 = vector.shape_cast %get3A_159 : vector<1x16xf32> to vector<16xf32>
      %get3A_161 = arith.index_cast %scan3A_138 : i32 to index
      %get3A_162 = arith.constant 16 : index
      %get3A_163 = tpu.vector_load %arg8[%get3A_161, %get3A_162] {strides = array<i32>} : memref<1024x32xf32, #tpu.memory_space<vmem>>, vector<1x16xf32>,
      %get3A_164 = vector.shape_cast %get3A_163 : vector<1x16xf32> to vector<16xf32>
      %sub3A_165 = arith.subf %get3A_164, %get3A_160 : vector<16xf32>
      %add3A_166 = arith.addf %get3A_160, %sub3A_165 : vector<16xf32>
      %sub3A_167 = arith.subf %get3A_160, %add3A_166 : vector<16xf32>
      %swap3A_168 = arith.index_cast %scan3A_138 : i32 to index
      %swap3A_169 = arith.constant 16 : index
      %swap3A_170 = tpu.vector_load %arg9[%swap3A_168, %swap3A_169] {strides = array<i32>} : memref<1024x32xf32, #tpu.memory_space<vmem>>, vector<1x16xf32>,
      %swap3A_171 = vector.shape_cast %swap3A_170 : vector<1x16xf32> to vector<16xf32>
      %swap3A_172 = vector.shape_cast %sub3A_167 : vector<16xf32> to vector<1x16xf32>
      tpu.vector_store %arg9[%swap3A_168, %swap3A_169], %swap3A_172 {strides = array<i32>} : memref<1024x32xf32, #tpu.memory_space<vmem>>, vector<1x16xf32>,
      %sub3A_173 = arith.subf %add3A_166, %get3A_160 : vector<16xf32>
      %mul3A_174 = arith.mulf %sub3A_173, %sub3A_173 : vector<16xf32>
      %add3A_175 = arith.addf %add3A_156, %mul3A_174 : vector<16xf32>
      scf.yield %add3A_175 : vector<16xf32>
    }
    %scan3A_134 = arith.constant 1024 : i32
    %swap3A = arith.constant 0 : index
    %swap3A_135 = tpu.vector_load %arg10[%swap3A] {strides = array<i32>} : memref<16xf32, #tpu.memory_space<vmem>>, vector<16xf32>,
    %swap3A_136 = vector.shape_cast %swap3A_135 : vector<16xf32> to vector<16xf32>
    %swap3A_137 = vector.shape_cast %scan3A_133 : vector<16xf32> to vector<16xf32>
    tpu.vector_store %arg10[%swap3A], %swap3A_137 {strides = array<i32>} : memref<16xf32, #tpu.memory_space<vmem>>, vector<16xf32>,
    "tpu.region"() ({
      %run_scoped3A = tpu.sem_alloc : memref<!tpu.dma_semaphore, #tpu.memory_space<semaphore_mem>>
      %dma_start3A_138 = arith.constant 0 : i32
      %dma_start3A_139 = tpu.memref_slice %arg5[%mul3A_2, %dma_start3A_138] : memref<32768x32xf32, #tpu.memory_space<hbm>> -> memref<1024x32xf32, #tpu.memory_space<hbm>>
      %dma_start3A_140 = arith.constant 0 : i32
      %dma_start3A_141 = tpu.memref_slice %arg5[%mul3A_2, %dma_start3A_140] : memref<32768x32xf32, #tpu.memory_space<hbm>> -> memref<1024x32xf32, #tpu.memory_space<hbm>>
      tpu.enqueue_dma source(%arg9 : memref<1024x32xf32, #tpu.memory_space<vmem>>) target(%dma_start3A_141 : memref<1024x32xf32, #tpu.memory_space<hbm>>) target_semaphore(%run_scoped3A : memref<!tpu.dma_semaphore, #tpu.memory_space<semaphore_mem>>)
      %dma_wait3A_142 = arith.constant 0 : i32
      %dma_wait3A_143 = tpu.memref_slice %arg5[%mul3A_2, %dma_wait3A_142] : memref<32768x32xf32, #tpu.memory_space<hbm>> -> memref<1024x32xf32, #tpu.memory_space<hbm>>
      %dma_wait3A_144 = arith.constant 0 : i32
      %dma_wait3A_145 = tpu.memref_slice %arg5[%mul3A_2, %dma_wait3A_144] : memref<32768x32xf32, #tpu.memory_space<hbm>> -> memref<1024x32xf32, #tpu.memory_space<hbm>>
      tpu.wait_dma2 semaphore(%run_scoped3A : memref<!tpu.dma_semaphore, #tpu.memory_space<semaphore_mem>>) src(%arg9 : memref<1024x32xf32, #tpu.memory_space<vmem>>) dst(%dma_wait3A_145 : memref<1024x32xf32, #tpu.memory_space<hbm>>)
      tpu.yield
    }) : () -> ()
    "tpu.region"() ({
      %run_scoped3A = tpu.sem_alloc : memref<!tpu.dma_semaphore, #tpu.memory_space<semaphore_mem>>
      %dma_start3A_138 = arith.constant 0 : i32
      %dma_start3A_139 = tpu.memref_slice %arg6[%add3A, %dma_start3A_138] : memref<32x16xf32, #tpu.memory_space<hbm>> -> memref<1x16xf32, #tpu.memory_space<hbm>>
      %dma_start3A_140 = tpu.memref_squeeze %dma_start3A_139 : memref<1x16xf32, #tpu.memory_space<hbm>> -> memref<16xf32, #tpu.memory_space<hbm>>
      %dma_start3A_141 = arith.constant 0 : i32
      %dma_start3A_142 = tpu.memref_slice %arg6[%add3A, %dma_start3A_141] : memref<32x16xf32, #tpu.memory_space<hbm>> -> memref<1x16xf32, #tpu.memory_space<hbm>>
      %dma_start3A_143 = tpu.memref_squeeze %dma_start3A_142 : memref<1x16xf32, #tpu.memory_space<hbm>> -> memref<16xf32, #tpu.memory_space<hbm>>
      tpu.enqueue_dma source(%arg10 : memref<16xf32, #tpu.memory_space<vmem>>) target(%dma_start3A_143 : memref<16xf32, #tpu.memory_space<hbm>>) target_semaphore(%run_scoped3A : memref<!tpu.dma_semaphore, #tpu.memory_space<semaphore_mem>>)
      %dma_wait3A_144 = arith.constant 0 : i32
      %dma_wait3A_145 = tpu.memref_slice %arg6[%add3A, %dma_wait3A_144] : memref<32x16xf32, #tpu.memory_space<hbm>> -> memref<1x16xf32, #tpu.memory_space<hbm>>
      %dma_wait3A_146 = tpu.memref_squeeze %dma_wait3A_145 : memref<1x16xf32, #tpu.memory_space<hbm>> -> memref<16xf32, #tpu.memory_space<hbm>>
      %dma_wait3A_147 = arith.constant 0 : i32
      %dma_wait3A_148 = tpu.memref_slice %arg6[%add3A, %dma_wait3A_147] : memref<32x16xf32, #tpu.memory_space<hbm>> -> memref<1x16xf32, #tpu.memory_space<hbm>>
      %dma_wait3A_149 = tpu.memref_squeeze %dma_wait3A_148 : memref<1x16xf32, #tpu.memory_space<hbm>> -> memref<16xf32, #tpu.memory_space<hbm>>
      tpu.wait_dma2 semaphore(%run_scoped3A : memref<!tpu.dma_semaphore, #tpu.memory_space<semaphore_mem>>) src(%arg10 : memref<16xf32, #tpu.memory_space<vmem>>) dst(%dma_wait3A_149 : memref<16xf32, #tpu.memory_space<hbm>>)
      tpu.yield
    }) : () -> ()
    return
  }
}

#map = affine_map<(d0, d1) -> (0, 0)>
#map1 = affine_map<(d0, d1) -> (0)>
module attributes {stable_mosaic.version = 14 : i64} {
  func.func @_sc_update_body(%arg0: i32, %arg1: i32, %arg2: memref<8192x32xf32, #tpu.memory_space<hbm>>, %arg3: memref<32768xi32, #tpu.memory_space<hbm>>, %arg4: memref<32768x32xf32, #tpu.memory_space<hbm>>, %arg5: memref<32768x32xf32, #tpu.memory_space<hbm>>, %arg6: memref<32x16xf32, #tpu.memory_space<hbm>>, %arg7: memref<1024xi32, #tpu.memory_space<vmem>>, %arg8: memref<1024x32xf32, #tpu.memory_space<vmem>>, %arg9: memref<1024x32xf32, #tpu.memory_space<vmem>>, %arg10: memref<16xf32, #tpu.memory_space<vmem>>, %arg11: memref<!tpu.dma_semaphore, #tpu.memory_space<semaphore_mem>>) attributes {dimension_semantics = [#tpu.dimension_semantics<core_parallel>, #tpu.dimension_semantics<subcore_parallel>], iteration_bounds = array<i64: 2, 16>, scalar_prefetch = 0 : i64, scratch_operands = 5 : i64, tpu.core_type = #tpu.core_type<sc_vector_subcore>, window_params = [{transform_indices = #map}, {transform_indices = #map1}, {transform_indices = #map}, {transform_indices = #map}, {transform_indices = #map}]} {
    %mul3A = arith.constant 2 : i32
    %mul3A_0 = arith.muli %arg1, %mul3A : i32
    %add3A = arith.addi %mul3A_0, %arg0 : i32
    %mul3A_1 = arith.constant 1024 : i32
    %mul3A_2 = arith.muli %add3A, %mul3A_1 : i32
    "tpu.region"() ({
      %run_scoped3A = tpu.sem_alloc : memref<!tpu.dma_semaphore, #tpu.memory_space<semaphore_mem>>
      %dma_start3A_138 = tpu.memref_slice %arg3[%mul3A_2] : memref<32768xi32, #tpu.memory_space<hbm>> -> memref<1024xi32, #tpu.memory_space<hbm>>
      %dma_start3A_139 = tpu.memref_slice %arg3[%mul3A_2] : memref<32768xi32, #tpu.memory_space<hbm>> -> memref<1024xi32, #tpu.memory_space<hbm>>
      tpu.enqueue_dma source(%dma_start3A_139 : memref<1024xi32, #tpu.memory_space<hbm>>) target(%arg7 : memref<1024xi32, #tpu.memory_space<vmem>>) target_semaphore(%run_scoped3A : memref<!tpu.dma_semaphore, #tpu.memory_space<semaphore_mem>>)
      %dma_wait3A_140 = tpu.memref_slice %arg3[%mul3A_2] : memref<32768xi32, #tpu.memory_space<hbm>> -> memref<1024xi32, #tpu.memory_space<hbm>>
      %dma_wait3A_141 = tpu.memref_slice %arg3[%mul3A_2] : memref<32768xi32, #tpu.memory_space<hbm>> -> memref<1024xi32, #tpu.memory_space<hbm>>
      tpu.wait_dma2 semaphore(%run_scoped3A : memref<!tpu.dma_semaphore, #tpu.memory_space<semaphore_mem>>) src(%dma_wait3A_141 : memref<1024xi32, #tpu.memory_space<hbm>>) dst(%arg7 : memref<1024xi32, #tpu.memory_space<vmem>>)
      tpu.yield
    }) : () -> ()
    %dma_start3A = arith.constant 0 : i32
    %dma_start3A_3 = arith.constant 0 : i32
    %dma_start3A_4 = tpu.memref_slice %arg8[%dma_start3A, %dma_start3A_3] : memref<1024x32xf32, #tpu.memory_space<vmem>> -> memref<128x32xf32, #tpu.memory_space<vmem>>
    %dma_start3A_5 = arith.constant 0 : i32
    %dma_start3A_6 = tpu.memref_slice %arg7[%dma_start3A_5] : memref<1024xi32, #tpu.memory_space<vmem>> -> memref<128xi32, #tpu.memory_space<vmem>>
    %dma_start3A_7 = arith.constant 0 : i32
    %dma_start3A_8 = arith.constant 0 : i32
    %dma_start3A_9 = tpu.memref_slice %arg2[%dma_start3A_7, %dma_start3A_8] : memref<8192x32xf32, #tpu.memory_space<hbm>> -> memref<8192x32xf32, #tpu.memory_space<hbm>>
    tpu.enqueue_indirect_dma source(%dma_start3A_9 : memref<8192x32xf32, #tpu.memory_space<hbm>>) target(%dma_start3A_4 : memref<128x32xf32, #tpu.memory_space<vmem>>) offsets(%dma_start3A_6 : memref<128xi32, #tpu.memory_space<vmem>>) semaphore(%arg11 : memref<!tpu.dma_semaphore, #tpu.memory_space<semaphore_mem>>)
    %dma_start3A_10 = arith.constant 128 : i32
    %dma_start3A_11 = arith.constant 0 : i32
    %dma_start3A_12 = tpu.memref_slice %arg8[%dma_start3A_10, %dma_start3A_11] : memref<1024x32xf32, #tpu.memory_space<vmem>> -> memref<128x32xf32, #tpu.memory_space<vmem>>
    %dma_start3A_13 = arith.constant 128 : i32
    %dma_start3A_14 = tpu.memref_slice %arg7[%dma_start3A_13] : memref<1024xi32, #tpu.memory_space<vmem>> -> memref<128xi32, #tpu.memory_space<vmem>>
    %dma_start3A_15 = arith.constant 0 : i32
    %dma_start3A_16 = arith.constant 0 : i32
    %dma_start3A_17 = tpu.memref_slice %arg2[%dma_start3A_15, %dma_start3A_16] : memref<8192x32xf32, #tpu.memory_space<hbm>> -> memref<8192x32xf32, #tpu.memory_space<hbm>>
    tpu.enqueue_indirect_dma source(%dma_start3A_17 : memref<8192x32xf32, #tpu.memory_space<hbm>>) target(%dma_start3A_12 : memref<128x32xf32, #tpu.memory_space<vmem>>) offsets(%dma_start3A_14 : memref<128xi32, #tpu.memory_space<vmem>>) semaphore(%arg11 : memref<!tpu.dma_semaphore, #tpu.memory_space<semaphore_mem>>)
    %dma_start3A_18 = arith.constant 256 : i32
    %dma_start3A_19 = arith.constant 0 : i32
    %dma_start3A_20 = tpu.memref_slice %arg8[%dma_start3A_18, %dma_start3A_19] : memref<1024x32xf32, #tpu.memory_space<vmem>> -> memref<128x32xf32, #tpu.memory_space<vmem>>
    %dma_start3A_21 = arith.constant 256 : i32
    %dma_start3A_22 = tpu.memref_slice %arg7[%dma_start3A_21] : memref<1024xi32, #tpu.memory_space<vmem>> -> memref<128xi32, #tpu.memory_space<vmem>>
    %dma_start3A_23 = arith.constant 0 : i32
    %dma_start3A_24 = arith.constant 0 : i32
    %dma_start3A_25 = tpu.memref_slice %arg2[%dma_start3A_23, %dma_start3A_24] : memref<8192x32xf32, #tpu.memory_space<hbm>> -> memref<8192x32xf32, #tpu.memory_space<hbm>>
    tpu.enqueue_indirect_dma source(%dma_start3A_25 : memref<8192x32xf32, #tpu.memory_space<hbm>>) target(%dma_start3A_20 : memref<128x32xf32, #tpu.memory_space<vmem>>) offsets(%dma_start3A_22 : memref<128xi32, #tpu.memory_space<vmem>>) semaphore(%arg11 : memref<!tpu.dma_semaphore, #tpu.memory_space<semaphore_mem>>)
    %dma_start3A_26 = arith.constant 384 : i32
    %dma_start3A_27 = arith.constant 0 : i32
    %dma_start3A_28 = tpu.memref_slice %arg8[%dma_start3A_26, %dma_start3A_27] : memref<1024x32xf32, #tpu.memory_space<vmem>> -> memref<128x32xf32, #tpu.memory_space<vmem>>
    %dma_start3A_29 = arith.constant 384 : i32
    %dma_start3A_30 = tpu.memref_slice %arg7[%dma_start3A_29] : memref<1024xi32, #tpu.memory_space<vmem>> -> memref<128xi32, #tpu.memory_space<vmem>>
    %dma_start3A_31 = arith.constant 0 : i32
    %dma_start3A_32 = arith.constant 0 : i32
    %dma_start3A_33 = tpu.memref_slice %arg2[%dma_start3A_31, %dma_start3A_32] : memref<8192x32xf32, #tpu.memory_space<hbm>> -> memref<8192x32xf32, #tpu.memory_space<hbm>>
    tpu.enqueue_indirect_dma source(%dma_start3A_33 : memref<8192x32xf32, #tpu.memory_space<hbm>>) target(%dma_start3A_28 : memref<128x32xf32, #tpu.memory_space<vmem>>) offsets(%dma_start3A_30 : memref<128xi32, #tpu.memory_space<vmem>>) semaphore(%arg11 : memref<!tpu.dma_semaphore, #tpu.memory_space<semaphore_mem>>)
    %dma_start3A_34 = arith.constant 512 : i32
    %dma_start3A_35 = arith.constant 0 : i32
    %dma_start3A_36 = tpu.memref_slice %arg8[%dma_start3A_34, %dma_start3A_35] : memref<1024x32xf32, #tpu.memory_space<vmem>> -> memref<128x32xf32, #tpu.memory_space<vmem>>
    %dma_start3A_37 = arith.constant 512 : i32
    %dma_start3A_38 = tpu.memref_slice %arg7[%dma_start3A_37] : memref<1024xi32, #tpu.memory_space<vmem>> -> memref<128xi32, #tpu.memory_space<vmem>>
    %dma_start3A_39 = arith.constant 0 : i32
    %dma_start3A_40 = arith.constant 0 : i32
    %dma_start3A_41 = tpu.memref_slice %arg2[%dma_start3A_39, %dma_start3A_40] : memref<8192x32xf32, #tpu.memory_space<hbm>> -> memref<8192x32xf32, #tpu.memory_space<hbm>>
    tpu.enqueue_indirect_dma source(%dma_start3A_41 : memref<8192x32xf32, #tpu.memory_space<hbm>>) target(%dma_start3A_36 : memref<128x32xf32, #tpu.memory_space<vmem>>) offsets(%dma_start3A_38 : memref<128xi32, #tpu.memory_space<vmem>>) semaphore(%arg11 : memref<!tpu.dma_semaphore, #tpu.memory_space<semaphore_mem>>)
    %dma_start3A_42 = arith.constant 640 : i32
    %dma_start3A_43 = arith.constant 0 : i32
    %dma_start3A_44 = tpu.memref_slice %arg8[%dma_start3A_42, %dma_start3A_43] : memref<1024x32xf32, #tpu.memory_space<vmem>> -> memref<128x32xf32, #tpu.memory_space<vmem>>
    %dma_start3A_45 = arith.constant 640 : i32
    %dma_start3A_46 = tpu.memref_slice %arg7[%dma_start3A_45] : memref<1024xi32, #tpu.memory_space<vmem>> -> memref<128xi32, #tpu.memory_space<vmem>>
    %dma_start3A_47 = arith.constant 0 : i32
    %dma_start3A_48 = arith.constant 0 : i32
    %dma_start3A_49 = tpu.memref_slice %arg2[%dma_start3A_47, %dma_start3A_48] : memref<8192x32xf32, #tpu.memory_space<hbm>> -> memref<8192x32xf32, #tpu.memory_space<hbm>>
    tpu.enqueue_indirect_dma source(%dma_start3A_49 : memref<8192x32xf32, #tpu.memory_space<hbm>>) target(%dma_start3A_44 : memref<128x32xf32, #tpu.memory_space<vmem>>) offsets(%dma_start3A_46 : memref<128xi32, #tpu.memory_space<vmem>>) semaphore(%arg11 : memref<!tpu.dma_semaphore, #tpu.memory_space<semaphore_mem>>)
    %dma_start3A_50 = arith.constant 768 : i32
    %dma_start3A_51 = arith.constant 0 : i32
    %dma_start3A_52 = tpu.memref_slice %arg8[%dma_start3A_50, %dma_start3A_51] : memref<1024x32xf32, #tpu.memory_space<vmem>> -> memref<128x32xf32, #tpu.memory_space<vmem>>
    %dma_start3A_53 = arith.constant 768 : i32
    %dma_start3A_54 = tpu.memref_slice %arg7[%dma_start3A_53] : memref<1024xi32, #tpu.memory_space<vmem>> -> memref<128xi32, #tpu.memory_space<vmem>>
    %dma_start3A_55 = arith.constant 0 : i32
    %dma_start3A_56 = arith.constant 0 : i32
    %dma_start3A_57 = tpu.memref_slice %arg2[%dma_start3A_55, %dma_start3A_56] : memref<8192x32xf32, #tpu.memory_space<hbm>> -> memref<8192x32xf32, #tpu.memory_space<hbm>>
    tpu.enqueue_indirect_dma source(%dma_start3A_57 : memref<8192x32xf32, #tpu.memory_space<hbm>>) target(%dma_start3A_52 : memref<128x32xf32, #tpu.memory_space<vmem>>) offsets(%dma_start3A_54 : memref<128xi32, #tpu.memory_space<vmem>>) semaphore(%arg11 : memref<!tpu.dma_semaphore, #tpu.memory_space<semaphore_mem>>)
    %dma_start3A_58 = arith.constant 896 : i32
    %dma_start3A_59 = arith.constant 0 : i32
    %dma_start3A_60 = tpu.memref_slice %arg8[%dma_start3A_58, %dma_start3A_59] : memref<1024x32xf32, #tpu.memory_space<vmem>> -> memref<128x32xf32, #tpu.memory_space<vmem>>
    %dma_start3A_61 = arith.constant 896 : i32
    %dma_start3A_62 = tpu.memref_slice %arg7[%dma_start3A_61] : memref<1024xi32, #tpu.memory_space<vmem>> -> memref<128xi32, #tpu.memory_space<vmem>>
    %dma_start3A_63 = arith.constant 0 : i32
    %dma_start3A_64 = arith.constant 0 : i32
    %dma_start3A_65 = tpu.memref_slice %arg2[%dma_start3A_63, %dma_start3A_64] : memref<8192x32xf32, #tpu.memory_space<hbm>> -> memref<8192x32xf32, #tpu.memory_space<hbm>>
    tpu.enqueue_indirect_dma source(%dma_start3A_65 : memref<8192x32xf32, #tpu.memory_space<hbm>>) target(%dma_start3A_60 : memref<128x32xf32, #tpu.memory_space<vmem>>) offsets(%dma_start3A_62 : memref<128xi32, #tpu.memory_space<vmem>>) semaphore(%arg11 : memref<!tpu.dma_semaphore, #tpu.memory_space<semaphore_mem>>)
    "tpu.region"() ({
      %run_scoped3A = tpu.sem_alloc : memref<!tpu.dma_semaphore, #tpu.memory_space<semaphore_mem>>
      %dma_start3A_138 = arith.constant 0 : i32
      %dma_start3A_139 = tpu.memref_slice %arg4[%mul3A_2, %dma_start3A_138] : memref<32768x32xf32, #tpu.memory_space<hbm>> -> memref<1024x32xf32, #tpu.memory_space<hbm>>
      %dma_start3A_140 = arith.constant 0 : i32
      %dma_start3A_141 = tpu.memref_slice %arg4[%mul3A_2, %dma_start3A_140] : memref<32768x32xf32, #tpu.memory_space<hbm>> -> memref<1024x32xf32, #tpu.memory_space<hbm>>
      tpu.enqueue_dma source(%dma_start3A_141 : memref<1024x32xf32, #tpu.memory_space<hbm>>) target(%arg9 : memref<1024x32xf32, #tpu.memory_space<vmem>>) target_semaphore(%run_scoped3A : memref<!tpu.dma_semaphore, #tpu.memory_space<semaphore_mem>>)
      %dma_wait3A_142 = arith.constant 0 : i32
      %dma_wait3A_143 = tpu.memref_slice %arg4[%mul3A_2, %dma_wait3A_142] : memref<32768x32xf32, #tpu.memory_space<hbm>> -> memref<1024x32xf32, #tpu.memory_space<hbm>>
      %dma_wait3A_144 = arith.constant 0 : i32
      %dma_wait3A_145 = tpu.memref_slice %arg4[%mul3A_2, %dma_wait3A_144] : memref<32768x32xf32, #tpu.memory_space<hbm>> -> memref<1024x32xf32, #tpu.memory_space<hbm>>
      tpu.wait_dma2 semaphore(%run_scoped3A : memref<!tpu.dma_semaphore, #tpu.memory_space<semaphore_mem>>) src(%dma_wait3A_145 : memref<1024x32xf32, #tpu.memory_space<hbm>>) dst(%arg9 : memref<1024x32xf32, #tpu.memory_space<vmem>>)
      tpu.yield
    }) : () -> ()
    %dma_wait3A = arith.constant 0 : i32
    %dma_wait3A_66 = arith.constant 0 : i32
    %dma_wait3A_67 = tpu.memref_slice %arg8[%dma_wait3A, %dma_wait3A_66] : memref<1024x32xf32, #tpu.memory_space<vmem>> -> memref<128x32xf32, #tpu.memory_space<vmem>>
    %dma_wait3A_68 = arith.constant 0 : i32
    %dma_wait3A_69 = tpu.memref_slice %arg7[%dma_wait3A_68] : memref<1024xi32, #tpu.memory_space<vmem>> -> memref<128xi32, #tpu.memory_space<vmem>>
    %dma_wait3A_70 = arith.constant 0 : i32
    %dma_wait3A_71 = arith.constant 0 : i32
    %dma_wait3A_72 = tpu.memref_slice %arg2[%dma_wait3A_70, %dma_wait3A_71] : memref<8192x32xf32, #tpu.memory_space<hbm>> -> memref<8192x32xf32, #tpu.memory_space<hbm>>
    tpu.wait_indirect_dma semaphore(%arg11 : memref<!tpu.dma_semaphore, #tpu.memory_space<semaphore_mem>>) src(%dma_wait3A_72 : memref<8192x32xf32, #tpu.memory_space<hbm>>) dst(%dma_wait3A_67 : memref<128x32xf32, #tpu.memory_space<vmem>>)
    %dma_wait3A_73 = arith.constant 128 : i32
    %dma_wait3A_74 = arith.constant 0 : i32
    %dma_wait3A_75 = tpu.memref_slice %arg8[%dma_wait3A_73, %dma_wait3A_74] : memref<1024x32xf32, #tpu.memory_space<vmem>> -> memref<128x32xf32, #tpu.memory_space<vmem>>
    %dma_wait3A_76 = arith.constant 128 : i32
    %dma_wait3A_77 = tpu.memref_slice %arg7[%dma_wait3A_76] : memref<1024xi32, #tpu.memory_space<vmem>> -> memref<128xi32, #tpu.memory_space<vmem>>
    %dma_wait3A_78 = arith.constant 0 : i32
    %dma_wait3A_79 = arith.constant 0 : i32
    %dma_wait3A_80 = tpu.memref_slice %arg2[%dma_wait3A_78, %dma_wait3A_79] : memref<8192x32xf32, #tpu.memory_space<hbm>> -> memref<8192x32xf32, #tpu.memory_space<hbm>>
    tpu.wait_indirect_dma semaphore(%arg11 : memref<!tpu.dma_semaphore, #tpu.memory_space<semaphore_mem>>) src(%dma_wait3A_80 : memref<8192x32xf32, #tpu.memory_space<hbm>>) dst(%dma_wait3A_75 : memref<128x32xf32, #tpu.memory_space<vmem>>)
    %dma_wait3A_81 = arith.constant 256 : i32
    %dma_wait3A_82 = arith.constant 0 : i32
    %dma_wait3A_83 = tpu.memref_slice %arg8[%dma_wait3A_81, %dma_wait3A_82] : memref<1024x32xf32, #tpu.memory_space<vmem>> -> memref<128x32xf32, #tpu.memory_space<vmem>>
    %dma_wait3A_84 = arith.constant 256 : i32
    %dma_wait3A_85 = tpu.memref_slice %arg7[%dma_wait3A_84] : memref<1024xi32, #tpu.memory_space<vmem>> -> memref<128xi32, #tpu.memory_space<vmem>>
    %dma_wait3A_86 = arith.constant 0 : i32
    %dma_wait3A_87 = arith.constant 0 : i32
    %dma_wait3A_88 = tpu.memref_slice %arg2[%dma_wait3A_86, %dma_wait3A_87] : memref<8192x32xf32, #tpu.memory_space<hbm>> -> memref<8192x32xf32, #tpu.memory_space<hbm>>
    tpu.wait_indirect_dma semaphore(%arg11 : memref<!tpu.dma_semaphore, #tpu.memory_space<semaphore_mem>>) src(%dma_wait3A_88 : memref<8192x32xf32, #tpu.memory_space<hbm>>) dst(%dma_wait3A_83 : memref<128x32xf32, #tpu.memory_space<vmem>>)
    %dma_wait3A_89 = arith.constant 384 : i32
    %dma_wait3A_90 = arith.constant 0 : i32
    %dma_wait3A_91 = tpu.memref_slice %arg8[%dma_wait3A_89, %dma_wait3A_90] : memref<1024x32xf32, #tpu.memory_space<vmem>> -> memref<128x32xf32, #tpu.memory_space<vmem>>
    %dma_wait3A_92 = arith.constant 384 : i32
    %dma_wait3A_93 = tpu.memref_slice %arg7[%dma_wait3A_92] : memref<1024xi32, #tpu.memory_space<vmem>> -> memref<128xi32, #tpu.memory_space<vmem>>
    %dma_wait3A_94 = arith.constant 0 : i32
    %dma_wait3A_95 = arith.constant 0 : i32
    %dma_wait3A_96 = tpu.memref_slice %arg2[%dma_wait3A_94, %dma_wait3A_95] : memref<8192x32xf32, #tpu.memory_space<hbm>> -> memref<8192x32xf32, #tpu.memory_space<hbm>>
    tpu.wait_indirect_dma semaphore(%arg11 : memref<!tpu.dma_semaphore, #tpu.memory_space<semaphore_mem>>) src(%dma_wait3A_96 : memref<8192x32xf32, #tpu.memory_space<hbm>>) dst(%dma_wait3A_91 : memref<128x32xf32, #tpu.memory_space<vmem>>)
    %dma_wait3A_97 = arith.constant 512 : i32
    %dma_wait3A_98 = arith.constant 0 : i32
    %dma_wait3A_99 = tpu.memref_slice %arg8[%dma_wait3A_97, %dma_wait3A_98] : memref<1024x32xf32, #tpu.memory_space<vmem>> -> memref<128x32xf32, #tpu.memory_space<vmem>>
    %dma_wait3A_100 = arith.constant 512 : i32
    %dma_wait3A_101 = tpu.memref_slice %arg7[%dma_wait3A_100] : memref<1024xi32, #tpu.memory_space<vmem>> -> memref<128xi32, #tpu.memory_space<vmem>>
    %dma_wait3A_102 = arith.constant 0 : i32
    %dma_wait3A_103 = arith.constant 0 : i32
    %dma_wait3A_104 = tpu.memref_slice %arg2[%dma_wait3A_102, %dma_wait3A_103] : memref<8192x32xf32, #tpu.memory_space<hbm>> -> memref<8192x32xf32, #tpu.memory_space<hbm>>
    tpu.wait_indirect_dma semaphore(%arg11 : memref<!tpu.dma_semaphore, #tpu.memory_space<semaphore_mem>>) src(%dma_wait3A_104 : memref<8192x32xf32, #tpu.memory_space<hbm>>) dst(%dma_wait3A_99 : memref<128x32xf32, #tpu.memory_space<vmem>>)
    %dma_wait3A_105 = arith.constant 640 : i32
    %dma_wait3A_106 = arith.constant 0 : i32
    %dma_wait3A_107 = tpu.memref_slice %arg8[%dma_wait3A_105, %dma_wait3A_106] : memref<1024x32xf32, #tpu.memory_space<vmem>> -> memref<128x32xf32, #tpu.memory_space<vmem>>
    %dma_wait3A_108 = arith.constant 640 : i32
    %dma_wait3A_109 = tpu.memref_slice %arg7[%dma_wait3A_108] : memref<1024xi32, #tpu.memory_space<vmem>> -> memref<128xi32, #tpu.memory_space<vmem>>
    %dma_wait3A_110 = arith.constant 0 : i32
    %dma_wait3A_111 = arith.constant 0 : i32
    %dma_wait3A_112 = tpu.memref_slice %arg2[%dma_wait3A_110, %dma_wait3A_111] : memref<8192x32xf32, #tpu.memory_space<hbm>> -> memref<8192x32xf32, #tpu.memory_space<hbm>>
    tpu.wait_indirect_dma semaphore(%arg11 : memref<!tpu.dma_semaphore, #tpu.memory_space<semaphore_mem>>) src(%dma_wait3A_112 : memref<8192x32xf32, #tpu.memory_space<hbm>>) dst(%dma_wait3A_107 : memref<128x32xf32, #tpu.memory_space<vmem>>)
    %dma_wait3A_113 = arith.constant 768 : i32
    %dma_wait3A_114 = arith.constant 0 : i32
    %dma_wait3A_115 = tpu.memref_slice %arg8[%dma_wait3A_113, %dma_wait3A_114] : memref<1024x32xf32, #tpu.memory_space<vmem>> -> memref<128x32xf32, #tpu.memory_space<vmem>>
    %dma_wait3A_116 = arith.constant 768 : i32
    %dma_wait3A_117 = tpu.memref_slice %arg7[%dma_wait3A_116] : memref<1024xi32, #tpu.memory_space<vmem>> -> memref<128xi32, #tpu.memory_space<vmem>>
    %dma_wait3A_118 = arith.constant 0 : i32
    %dma_wait3A_119 = arith.constant 0 : i32
    %dma_wait3A_120 = tpu.memref_slice %arg2[%dma_wait3A_118, %dma_wait3A_119] : memref<8192x32xf32, #tpu.memory_space<hbm>> -> memref<8192x32xf32, #tpu.memory_space<hbm>>
    tpu.wait_indirect_dma semaphore(%arg11 : memref<!tpu.dma_semaphore, #tpu.memory_space<semaphore_mem>>) src(%dma_wait3A_120 : memref<8192x32xf32, #tpu.memory_space<hbm>>) dst(%dma_wait3A_115 : memref<128x32xf32, #tpu.memory_space<vmem>>)
    %dma_wait3A_121 = arith.constant 896 : i32
    %dma_wait3A_122 = arith.constant 0 : i32
    %dma_wait3A_123 = tpu.memref_slice %arg8[%dma_wait3A_121, %dma_wait3A_122] : memref<1024x32xf32, #tpu.memory_space<vmem>> -> memref<128x32xf32, #tpu.memory_space<vmem>>
    %dma_wait3A_124 = arith.constant 896 : i32
    %dma_wait3A_125 = tpu.memref_slice %arg7[%dma_wait3A_124] : memref<1024xi32, #tpu.memory_space<vmem>> -> memref<128xi32, #tpu.memory_space<vmem>>
    %dma_wait3A_126 = arith.constant 0 : i32
    %dma_wait3A_127 = arith.constant 0 : i32
    %dma_wait3A_128 = tpu.memref_slice %arg2[%dma_wait3A_126, %dma_wait3A_127] : memref<8192x32xf32, #tpu.memory_space<hbm>> -> memref<8192x32xf32, #tpu.memory_space<hbm>>
    tpu.wait_indirect_dma semaphore(%arg11 : memref<!tpu.dma_semaphore, #tpu.memory_space<semaphore_mem>>) src(%dma_wait3A_128 : memref<8192x32xf32, #tpu.memory_space<hbm>>) dst(%dma_wait3A_123 : memref<128x32xf32, #tpu.memory_space<vmem>>)
    %broadcast_in_dim3A = arith.constant 0.000000e+00 : f32
    %broadcast_in_dim3A_129 = vector.broadcast %broadcast_in_dim3A : f32 to vector<16xf32>
    %scan3A = arith.constant 0 : i32
    %scan3A_130 = arith.constant 1024 : i32
    %scan3A_131 = arith.addi %scan3A, %scan3A_130 : i32
    %scan3A_132 = arith.constant 1 : i32
    %scan3A_133 = scf.for %scan3A_138 = %scan3A to %scan3A_131 step %scan3A_132 iter_args(%scan3A_139 = %broadcast_in_dim3A_129) -> (vector<16xf32>)  : i32 {
      %get3A = arith.index_cast %scan3A_138 : i32 to index
      %get3A_140 = arith.constant 0 : index
      %get3A_141 = tpu.vector_load %arg9[%get3A, %get3A_140] {strides = array<i32>} : memref<1024x32xf32, #tpu.memory_space<vmem>>, vector<1x16xf32>,
      %get3A_142 = vector.shape_cast %get3A_141 : vector<1x16xf32> to vector<16xf32>
      %get3A_143 = arith.index_cast %scan3A_138 : i32 to index
      %get3A_144 = arith.constant 0 : index
      %get3A_145 = tpu.vector_load %arg8[%get3A_143, %get3A_144] {strides = array<i32>} : memref<1024x32xf32, #tpu.memory_space<vmem>>, vector<1x16xf32>,
      %get3A_146 = vector.shape_cast %get3A_145 : vector<1x16xf32> to vector<16xf32>
      %sub3A = arith.subf %get3A_146, %get3A_142 : vector<16xf32>
      %add3A_147 = arith.addf %get3A_142, %sub3A : vector<16xf32>
      %sub3A_148 = arith.subf %get3A_142, %add3A_147 : vector<16xf32>
      %swap3A_149 = arith.index_cast %scan3A_138 : i32 to index
      %swap3A_150 = arith.constant 0 : index
      %swap3A_151 = tpu.vector_load %arg9[%swap3A_149, %swap3A_150] {strides = array<i32>} : memref<1024x32xf32, #tpu.memory_space<vmem>>, vector<1x16xf32>,
      %swap3A_152 = vector.shape_cast %swap3A_151 : vector<1x16xf32> to vector<16xf32>
      %swap3A_153 = vector.shape_cast %sub3A_148 : vector<16xf32> to vector<1x16xf32>
      tpu.vector_store %arg9[%swap3A_149, %swap3A_150], %swap3A_153 {strides = array<i32>} : memref<1024x32xf32, #tpu.memory_space<vmem>>, vector<1x16xf32>,
      %sub3A_154 = arith.subf %add3A_147, %get3A_142 : vector<16xf32>
      %mul3A_155 = arith.mulf %sub3A_154, %sub3A_154 : vector<16xf32>
      %add3A_156 = arith.addf %scan3A_139, %mul3A_155 : vector<16xf32>
      %get3A_157 = arith.index_cast %scan3A_138 : i32 to index
      %get3A_158 = arith.constant 16 : index
      %get3A_159 = tpu.vector_load %arg9[%get3A_157, %get3A_158] {strides = array<i32>} : memref<1024x32xf32, #tpu.memory_space<vmem>>, vector<1x16xf32>,
      %get3A_160 = vector.shape_cast %get3A_159 : vector<1x16xf32> to vector<16xf32>
      %get3A_161 = arith.index_cast %scan3A_138 : i32 to index
      %get3A_162 = arith.constant 16 : index
      %get3A_163 = tpu.vector_load %arg8[%get3A_161, %get3A_162] {strides = array<i32>} : memref<1024x32xf32, #tpu.memory_space<vmem>>, vector<1x16xf32>,
      %get3A_164 = vector.shape_cast %get3A_163 : vector<1x16xf32> to vector<16xf32>
      %sub3A_165 = arith.subf %get3A_164, %get3A_160 : vector<16xf32>
      %add3A_166 = arith.addf %get3A_160, %sub3A_165 : vector<16xf32>
      %sub3A_167 = arith.subf %get3A_160, %add3A_166 : vector<16xf32>
      %swap3A_168 = arith.index_cast %scan3A_138 : i32 to index
      %swap3A_169 = arith.constant 16 : index
      %swap3A_170 = tpu.vector_load %arg9[%swap3A_168, %swap3A_169] {strides = array<i32>} : memref<1024x32xf32, #tpu.memory_space<vmem>>, vector<1x16xf32>,
      %swap3A_171 = vector.shape_cast %swap3A_170 : vector<1x16xf32> to vector<16xf32>
      %swap3A_172 = vector.shape_cast %sub3A_167 : vector<16xf32> to vector<1x16xf32>
      tpu.vector_store %arg9[%swap3A_168, %swap3A_169], %swap3A_172 {strides = array<i32>} : memref<1024x32xf32, #tpu.memory_space<vmem>>, vector<1x16xf32>,
      %sub3A_173 = arith.subf %add3A_166, %get3A_160 : vector<16xf32>
      %mul3A_174 = arith.mulf %sub3A_173, %sub3A_173 : vector<16xf32>
      %add3A_175 = arith.addf %add3A_156, %mul3A_174 : vector<16xf32>
      scf.yield %add3A_175 : vector<16xf32>
    }
    %scan3A_134 = arith.constant 1024 : i32
    %swap3A = arith.constant 0 : index
    %swap3A_135 = tpu.vector_load %arg10[%swap3A] {strides = array<i32>} : memref<16xf32, #tpu.memory_space<vmem>>, vector<16xf32>,
    %swap3A_136 = vector.shape_cast %swap3A_135 : vector<16xf32> to vector<16xf32>
    %swap3A_137 = vector.shape_cast %scan3A_133 : vector<16xf32> to vector<16xf32>
    tpu.vector_store %arg10[%swap3A], %swap3A_137 {strides = array<i32>} : memref<16xf32, #tpu.memory_space<vmem>>, vector<16xf32>,
    "tpu.region"() ({
      %run_scoped3A = tpu.sem_alloc : memref<!tpu.dma_semaphore, #tpu.memory_space<semaphore_mem>>
      %dma_start3A_138 = arith.constant 0 : i32
      %dma_start3A_139 = tpu.memref_slice %arg5[%mul3A_2, %dma_start3A_138] : memref<32768x32xf32, #tpu.memory_space<hbm>> -> memref<1024x32xf32, #tpu.memory_space<hbm>>
      %dma_start3A_140 = arith.constant 0 : i32
      %dma_start3A_141 = tpu.memref_slice %arg5[%mul3A_2, %dma_start3A_140] : memref<32768x32xf32, #tpu.memory_space<hbm>> -> memref<1024x32xf32, #tpu.memory_space<hbm>>
      tpu.enqueue_dma source(%arg9 : memref<1024x32xf32, #tpu.memory_space<vmem>>) target(%dma_start3A_141 : memref<1024x32xf32, #tpu.memory_space<hbm>>) target_semaphore(%run_scoped3A : memref<!tpu.dma_semaphore, #tpu.memory_space<semaphore_mem>>)
      %dma_wait3A_142 = arith.constant 0 : i32
      %dma_wait3A_143 = tpu.memref_slice %arg5[%mul3A_2, %dma_wait3A_142] : memref<32768x32xf32, #tpu.memory_space<hbm>> -> memref<1024x32xf32, #tpu.memory_space<hbm>>
      %dma_wait3A_144 = arith.constant 0 : i32
      %dma_wait3A_145 = tpu.memref_slice %arg5[%mul3A_2, %dma_wait3A_144] : memref<32768x32xf32, #tpu.memory_space<hbm>> -> memref<1024x32xf32, #tpu.memory_space<hbm>>
      tpu.wait_dma2 semaphore(%run_scoped3A : memref<!tpu.dma_semaphore, #tpu.memory_space<semaphore_mem>>) src(%arg9 : memref<1024x32xf32, #tpu.memory_space<vmem>>) dst(%dma_wait3A_145 : memref<1024x32xf32, #tpu.memory_space<hbm>>)
      tpu.yield
    }) : () -> ()
    "tpu.region"() ({
      %run_scoped3A = tpu.sem_alloc : memref<!tpu.dma_semaphore, #tpu.memory_space<semaphore_mem>>
      %dma_start3A_138 = arith.constant 0 : i32
      %dma_start3A_139 = tpu.memref_slice %arg6[%add3A, %dma_start3A_138] : memref<32x16xf32, #tpu.memory_space<hbm>> -> memref<1x16xf32, #tpu.memory_space<hbm>>
      %dma_start3A_140 = tpu.memref_squeeze %dma_start3A_139 : memref<1x16xf32, #tpu.memory_space<hbm>> -> memref<16xf32, #tpu.memory_space<hbm>>
      %dma_start3A_141 = arith.constant 0 : i32
      %dma_start3A_142 = tpu.memref_slice %arg6[%add3A, %dma_start3A_141] : memref<32x16xf32, #tpu.memory_space<hbm>> -> memref<1x16xf32, #tpu.memory_space<hbm>>
      %dma_start3A_143 = tpu.memref_squeeze %dma_start3A_142 : memref<1x16xf32, #tpu.memory_space<hbm>> -> memref<16xf32, #tpu.memory_space<hbm>>
      tpu.enqueue_dma source(%arg10 : memref<16xf32, #tpu.memory_space<vmem>>) target(%dma_start3A_143 : memref<16xf32, #tpu.memory_space<hbm>>) target_semaphore(%run_scoped3A : memref<!tpu.dma_semaphore, #tpu.memory_space<semaphore_mem>>)
      %dma_wait3A_144 = arith.constant 0 : i32
      %dma_wait3A_145 = tpu.memref_slice %arg6[%add3A, %dma_wait3A_144] : memref<32x16xf32, #tpu.memory_space<hbm>> -> memref<1x16xf32, #tpu.memory_space<hbm>>
      %dma_wait3A_146 = tpu.memref_squeeze %dma_wait3A_145 : memref<1x16xf32, #tpu.memory_space<hbm>> -> memref<16xf32, #tpu.memory_space<hbm>>
      %dma_wait3A_147 = arith.constant 0 : i32
      %dma_wait3A_148 = tpu.memref_slice %arg6[%add3A, %dma_wait3A_147] : memref<32x16xf32, #tpu.memory_space<hbm>> -> memref<1x16xf32, #tpu.memory_space<hbm>>
      %dma_wait3A_149 = tpu.memref_squeeze %dma_wait3A_148 : memref<1x16xf32, #tpu.memory_space<hbm>> -> memref<16xf32, #tpu.memory_space<hbm>>
      tpu.wait_dma2 semaphore(%run_scoped3A : memref<!tpu.dma_semaphore, #tpu.memory_space<semaphore_mem>>) src(%arg10 : memref<16xf32, #tpu.memory_space<vmem>>) dst(%dma_wait3A_149 : memref<16xf32, #tpu.memory_space<hbm>>)
      tpu.yield
    }) : () -> ()
    return
  }
}

#map = affine_map<(d0, d1) -> (0, 0)>
#map1 = affine_map<(d0, d1) -> (0)>
module attributes {stable_mosaic.version = 14 : i64} {
  func.func @_sc_update_body(%arg0: i32, %arg1: i32, %arg2: memref<8192x32xf32, #tpu.memory_space<hbm>>, %arg3: memref<32768xi32, #tpu.memory_space<hbm>>, %arg4: memref<32768x32xf32, #tpu.memory_space<hbm>>, %arg5: memref<32768x32xf32, #tpu.memory_space<hbm>>, %arg6: memref<32x16xf32, #tpu.memory_space<hbm>>, %arg7: memref<1024xi32, #tpu.memory_space<vmem>>, %arg8: memref<1024x32xf32, #tpu.memory_space<vmem>>, %arg9: memref<1024x32xf32, #tpu.memory_space<vmem>>, %arg10: memref<16xf32, #tpu.memory_space<vmem>>, %arg11: memref<!tpu.dma_semaphore, #tpu.memory_space<semaphore_mem>>) attributes {dimension_semantics = [#tpu.dimension_semantics<core_parallel>, #tpu.dimension_semantics<subcore_parallel>], iteration_bounds = array<i64: 2, 16>, scalar_prefetch = 0 : i64, scratch_operands = 5 : i64, tpu.core_type = #tpu.core_type<sc_vector_subcore>, window_params = [{transform_indices = #map}, {transform_indices = #map1}, {transform_indices = #map}, {transform_indices = #map}, {transform_indices = #map}]} {
    %mul3A = arith.constant 2 : i32
    %mul3A_0 = arith.muli %arg1, %mul3A : i32
    %add3A = arith.addi %mul3A_0, %arg0 : i32
    %mul3A_1 = arith.constant 1024 : i32
    %mul3A_2 = arith.muli %add3A, %mul3A_1 : i32
    "tpu.region"() ({
      %run_scoped3A = tpu.sem_alloc : memref<!tpu.dma_semaphore, #tpu.memory_space<semaphore_mem>>
      %dma_start3A_138 = tpu.memref_slice %arg3[%mul3A_2] : memref<32768xi32, #tpu.memory_space<hbm>> -> memref<1024xi32, #tpu.memory_space<hbm>>
      %dma_start3A_139 = tpu.memref_slice %arg3[%mul3A_2] : memref<32768xi32, #tpu.memory_space<hbm>> -> memref<1024xi32, #tpu.memory_space<hbm>>
      tpu.enqueue_dma source(%dma_start3A_139 : memref<1024xi32, #tpu.memory_space<hbm>>) target(%arg7 : memref<1024xi32, #tpu.memory_space<vmem>>) target_semaphore(%run_scoped3A : memref<!tpu.dma_semaphore, #tpu.memory_space<semaphore_mem>>)
      %dma_wait3A_140 = tpu.memref_slice %arg3[%mul3A_2] : memref<32768xi32, #tpu.memory_space<hbm>> -> memref<1024xi32, #tpu.memory_space<hbm>>
      %dma_wait3A_141 = tpu.memref_slice %arg3[%mul3A_2] : memref<32768xi32, #tpu.memory_space<hbm>> -> memref<1024xi32, #tpu.memory_space<hbm>>
      tpu.wait_dma2 semaphore(%run_scoped3A : memref<!tpu.dma_semaphore, #tpu.memory_space<semaphore_mem>>) src(%dma_wait3A_141 : memref<1024xi32, #tpu.memory_space<hbm>>) dst(%arg7 : memref<1024xi32, #tpu.memory_space<vmem>>)
      tpu.yield
    }) : () -> ()
    %dma_start3A = arith.constant 0 : i32
    %dma_start3A_3 = arith.constant 0 : i32
    %dma_start3A_4 = tpu.memref_slice %arg8[%dma_start3A, %dma_start3A_3] : memref<1024x32xf32, #tpu.memory_space<vmem>> -> memref<128x32xf32, #tpu.memory_space<vmem>>
    %dma_start3A_5 = arith.constant 0 : i32
    %dma_start3A_6 = tpu.memref_slice %arg7[%dma_start3A_5] : memref<1024xi32, #tpu.memory_space<vmem>> -> memref<128xi32, #tpu.memory_space<vmem>>
    %dma_start3A_7 = arith.constant 0 : i32
    %dma_start3A_8 = arith.constant 0 : i32
    %dma_start3A_9 = tpu.memref_slice %arg2[%dma_start3A_7, %dma_start3A_8] : memref<8192x32xf32, #tpu.memory_space<hbm>> -> memref<8192x32xf32, #tpu.memory_space<hbm>>
    tpu.enqueue_indirect_dma source(%dma_start3A_9 : memref<8192x32xf32, #tpu.memory_space<hbm>>) target(%dma_start3A_4 : memref<128x32xf32, #tpu.memory_space<vmem>>) offsets(%dma_start3A_6 : memref<128xi32, #tpu.memory_space<vmem>>) semaphore(%arg11 : memref<!tpu.dma_semaphore, #tpu.memory_space<semaphore_mem>>)
    %dma_start3A_10 = arith.constant 128 : i32
    %dma_start3A_11 = arith.constant 0 : i32
    %dma_start3A_12 = tpu.memref_slice %arg8[%dma_start3A_10, %dma_start3A_11] : memref<1024x32xf32, #tpu.memory_space<vmem>> -> memref<128x32xf32, #tpu.memory_space<vmem>>
    %dma_start3A_13 = arith.constant 128 : i32
    %dma_start3A_14 = tpu.memref_slice %arg7[%dma_start3A_13] : memref<1024xi32, #tpu.memory_space<vmem>> -> memref<128xi32, #tpu.memory_space<vmem>>
    %dma_start3A_15 = arith.constant 0 : i32
    %dma_start3A_16 = arith.constant 0 : i32
    %dma_start3A_17 = tpu.memref_slice %arg2[%dma_start3A_15, %dma_start3A_16] : memref<8192x32xf32, #tpu.memory_space<hbm>> -> memref<8192x32xf32, #tpu.memory_space<hbm>>
    tpu.enqueue_indirect_dma source(%dma_start3A_17 : memref<8192x32xf32, #tpu.memory_space<hbm>>) target(%dma_start3A_12 : memref<128x32xf32, #tpu.memory_space<vmem>>) offsets(%dma_start3A_14 : memref<128xi32, #tpu.memory_space<vmem>>) semaphore(%arg11 : memref<!tpu.dma_semaphore, #tpu.memory_space<semaphore_mem>>)
    %dma_start3A_18 = arith.constant 256 : i32
    %dma_start3A_19 = arith.constant 0 : i32
    %dma_start3A_20 = tpu.memref_slice %arg8[%dma_start3A_18, %dma_start3A_19] : memref<1024x32xf32, #tpu.memory_space<vmem>> -> memref<128x32xf32, #tpu.memory_space<vmem>>
    %dma_start3A_21 = arith.constant 256 : i32
    %dma_start3A_22 = tpu.memref_slice %arg7[%dma_start3A_21] : memref<1024xi32, #tpu.memory_space<vmem>> -> memref<128xi32, #tpu.memory_space<vmem>>
    %dma_start3A_23 = arith.constant 0 : i32
    %dma_start3A_24 = arith.constant 0 : i32
    %dma_start3A_25 = tpu.memref_slice %arg2[%dma_start3A_23, %dma_start3A_24] : memref<8192x32xf32, #tpu.memory_space<hbm>> -> memref<8192x32xf32, #tpu.memory_space<hbm>>
    tpu.enqueue_indirect_dma source(%dma_start3A_25 : memref<8192x32xf32, #tpu.memory_space<hbm>>) target(%dma_start3A_20 : memref<128x32xf32, #tpu.memory_space<vmem>>) offsets(%dma_start3A_22 : memref<128xi32, #tpu.memory_space<vmem>>) semaphore(%arg11 : memref<!tpu.dma_semaphore, #tpu.memory_space<semaphore_mem>>)
    %dma_start3A_26 = arith.constant 384 : i32
    %dma_start3A_27 = arith.constant 0 : i32
    %dma_start3A_28 = tpu.memref_slice %arg8[%dma_start3A_26, %dma_start3A_27] : memref<1024x32xf32, #tpu.memory_space<vmem>> -> memref<128x32xf32, #tpu.memory_space<vmem>>
    %dma_start3A_29 = arith.constant 384 : i32
    %dma_start3A_30 = tpu.memref_slice %arg7[%dma_start3A_29] : memref<1024xi32, #tpu.memory_space<vmem>> -> memref<128xi32, #tpu.memory_space<vmem>>
    %dma_start3A_31 = arith.constant 0 : i32
    %dma_start3A_32 = arith.constant 0 : i32
    %dma_start3A_33 = tpu.memref_slice %arg2[%dma_start3A_31, %dma_start3A_32] : memref<8192x32xf32, #tpu.memory_space<hbm>> -> memref<8192x32xf32, #tpu.memory_space<hbm>>
    tpu.enqueue_indirect_dma source(%dma_start3A_33 : memref<8192x32xf32, #tpu.memory_space<hbm>>) target(%dma_start3A_28 : memref<128x32xf32, #tpu.memory_space<vmem>>) offsets(%dma_start3A_30 : memref<128xi32, #tpu.memory_space<vmem>>) semaphore(%arg11 : memref<!tpu.dma_semaphore, #tpu.memory_space<semaphore_mem>>)
    %dma_start3A_34 = arith.constant 512 : i32
    %dma_start3A_35 = arith.constant 0 : i32
    %dma_start3A_36 = tpu.memref_slice %arg8[%dma_start3A_34, %dma_start3A_35] : memref<1024x32xf32, #tpu.memory_space<vmem>> -> memref<128x32xf32, #tpu.memory_space<vmem>>
    %dma_start3A_37 = arith.constant 512 : i32
    %dma_start3A_38 = tpu.memref_slice %arg7[%dma_start3A_37] : memref<1024xi32, #tpu.memory_space<vmem>> -> memref<128xi32, #tpu.memory_space<vmem>>
    %dma_start3A_39 = arith.constant 0 : i32
    %dma_start3A_40 = arith.constant 0 : i32
    %dma_start3A_41 = tpu.memref_slice %arg2[%dma_start3A_39, %dma_start3A_40] : memref<8192x32xf32, #tpu.memory_space<hbm>> -> memref<8192x32xf32, #tpu.memory_space<hbm>>
    tpu.enqueue_indirect_dma source(%dma_start3A_41 : memref<8192x32xf32, #tpu.memory_space<hbm>>) target(%dma_start3A_36 : memref<128x32xf32, #tpu.memory_space<vmem>>) offsets(%dma_start3A_38 : memref<128xi32, #tpu.memory_space<vmem>>) semaphore(%arg11 : memref<!tpu.dma_semaphore, #tpu.memory_space<semaphore_mem>>)
    %dma_start3A_42 = arith.constant 640 : i32
    %dma_start3A_43 = arith.constant 0 : i32
    %dma_start3A_44 = tpu.memref_slice %arg8[%dma_start3A_42, %dma_start3A_43] : memref<1024x32xf32, #tpu.memory_space<vmem>> -> memref<128x32xf32, #tpu.memory_space<vmem>>
    %dma_start3A_45 = arith.constant 640 : i32
    %dma_start3A_46 = tpu.memref_slice %arg7[%dma_start3A_45] : memref<1024xi32, #tpu.memory_space<vmem>> -> memref<128xi32, #tpu.memory_space<vmem>>
    %dma_start3A_47 = arith.constant 0 : i32
    %dma_start3A_48 = arith.constant 0 : i32
    %dma_start3A_49 = tpu.memref_slice %arg2[%dma_start3A_47, %dma_start3A_48] : memref<8192x32xf32, #tpu.memory_space<hbm>> -> memref<8192x32xf32, #tpu.memory_space<hbm>>
    tpu.enqueue_indirect_dma source(%dma_start3A_49 : memref<8192x32xf32, #tpu.memory_space<hbm>>) target(%dma_start3A_44 : memref<128x32xf32, #tpu.memory_space<vmem>>) offsets(%dma_start3A_46 : memref<128xi32, #tpu.memory_space<vmem>>) semaphore(%arg11 : memref<!tpu.dma_semaphore, #tpu.memory_space<semaphore_mem>>)
    %dma_start3A_50 = arith.constant 768 : i32
    %dma_start3A_51 = arith.constant 0 : i32
    %dma_start3A_52 = tpu.memref_slice %arg8[%dma_start3A_50, %dma_start3A_51] : memref<1024x32xf32, #tpu.memory_space<vmem>> -> memref<128x32xf32, #tpu.memory_space<vmem>>
    %dma_start3A_53 = arith.constant 768 : i32
    %dma_start3A_54 = tpu.memref_slice %arg7[%dma_start3A_53] : memref<1024xi32, #tpu.memory_space<vmem>> -> memref<128xi32, #tpu.memory_space<vmem>>
    %dma_start3A_55 = arith.constant 0 : i32
    %dma_start3A_56 = arith.constant 0 : i32
    %dma_start3A_57 = tpu.memref_slice %arg2[%dma_start3A_55, %dma_start3A_56] : memref<8192x32xf32, #tpu.memory_space<hbm>> -> memref<8192x32xf32, #tpu.memory_space<hbm>>
    tpu.enqueue_indirect_dma source(%dma_start3A_57 : memref<8192x32xf32, #tpu.memory_space<hbm>>) target(%dma_start3A_52 : memref<128x32xf32, #tpu.memory_space<vmem>>) offsets(%dma_start3A_54 : memref<128xi32, #tpu.memory_space<vmem>>) semaphore(%arg11 : memref<!tpu.dma_semaphore, #tpu.memory_space<semaphore_mem>>)
    %dma_start3A_58 = arith.constant 896 : i32
    %dma_start3A_59 = arith.constant 0 : i32
    %dma_start3A_60 = tpu.memref_slice %arg8[%dma_start3A_58, %dma_start3A_59] : memref<1024x32xf32, #tpu.memory_space<vmem>> -> memref<128x32xf32, #tpu.memory_space<vmem>>
    %dma_start3A_61 = arith.constant 896 : i32
    %dma_start3A_62 = tpu.memref_slice %arg7[%dma_start3A_61] : memref<1024xi32, #tpu.memory_space<vmem>> -> memref<128xi32, #tpu.memory_space<vmem>>
    %dma_start3A_63 = arith.constant 0 : i32
    %dma_start3A_64 = arith.constant 0 : i32
    %dma_start3A_65 = tpu.memref_slice %arg2[%dma_start3A_63, %dma_start3A_64] : memref<8192x32xf32, #tpu.memory_space<hbm>> -> memref<8192x32xf32, #tpu.memory_space<hbm>>
    tpu.enqueue_indirect_dma source(%dma_start3A_65 : memref<8192x32xf32, #tpu.memory_space<hbm>>) target(%dma_start3A_60 : memref<128x32xf32, #tpu.memory_space<vmem>>) offsets(%dma_start3A_62 : memref<128xi32, #tpu.memory_space<vmem>>) semaphore(%arg11 : memref<!tpu.dma_semaphore, #tpu.memory_space<semaphore_mem>>)
    "tpu.region"() ({
      %run_scoped3A = tpu.sem_alloc : memref<!tpu.dma_semaphore, #tpu.memory_space<semaphore_mem>>
      %dma_start3A_138 = arith.constant 0 : i32
      %dma_start3A_139 = tpu.memref_slice %arg4[%mul3A_2, %dma_start3A_138] : memref<32768x32xf32, #tpu.memory_space<hbm>> -> memref<1024x32xf32, #tpu.memory_space<hbm>>
      %dma_start3A_140 = arith.constant 0 : i32
      %dma_start3A_141 = tpu.memref_slice %arg4[%mul3A_2, %dma_start3A_140] : memref<32768x32xf32, #tpu.memory_space<hbm>> -> memref<1024x32xf32, #tpu.memory_space<hbm>>
      tpu.enqueue_dma source(%dma_start3A_141 : memref<1024x32xf32, #tpu.memory_space<hbm>>) target(%arg9 : memref<1024x32xf32, #tpu.memory_space<vmem>>) target_semaphore(%run_scoped3A : memref<!tpu.dma_semaphore, #tpu.memory_space<semaphore_mem>>)
      %dma_wait3A_142 = arith.constant 0 : i32
      %dma_wait3A_143 = tpu.memref_slice %arg4[%mul3A_2, %dma_wait3A_142] : memref<32768x32xf32, #tpu.memory_space<hbm>> -> memref<1024x32xf32, #tpu.memory_space<hbm>>
      %dma_wait3A_144 = arith.constant 0 : i32
      %dma_wait3A_145 = tpu.memref_slice %arg4[%mul3A_2, %dma_wait3A_144] : memref<32768x32xf32, #tpu.memory_space<hbm>> -> memref<1024x32xf32, #tpu.memory_space<hbm>>
      tpu.wait_dma2 semaphore(%run_scoped3A : memref<!tpu.dma_semaphore, #tpu.memory_space<semaphore_mem>>) src(%dma_wait3A_145 : memref<1024x32xf32, #tpu.memory_space<hbm>>) dst(%arg9 : memref<1024x32xf32, #tpu.memory_space<vmem>>)
      tpu.yield
    }) : () -> ()
    %dma_wait3A = arith.constant 0 : i32
    %dma_wait3A_66 = arith.constant 0 : i32
    %dma_wait3A_67 = tpu.memref_slice %arg8[%dma_wait3A, %dma_wait3A_66] : memref<1024x32xf32, #tpu.memory_space<vmem>> -> memref<128x32xf32, #tpu.memory_space<vmem>>
    %dma_wait3A_68 = arith.constant 0 : i32
    %dma_wait3A_69 = tpu.memref_slice %arg7[%dma_wait3A_68] : memref<1024xi32, #tpu.memory_space<vmem>> -> memref<128xi32, #tpu.memory_space<vmem>>
    %dma_wait3A_70 = arith.constant 0 : i32
    %dma_wait3A_71 = arith.constant 0 : i32
    %dma_wait3A_72 = tpu.memref_slice %arg2[%dma_wait3A_70, %dma_wait3A_71] : memref<8192x32xf32, #tpu.memory_space<hbm>> -> memref<8192x32xf32, #tpu.memory_space<hbm>>
    tpu.wait_indirect_dma semaphore(%arg11 : memref<!tpu.dma_semaphore, #tpu.memory_space<semaphore_mem>>) src(%dma_wait3A_72 : memref<8192x32xf32, #tpu.memory_space<hbm>>) dst(%dma_wait3A_67 : memref<128x32xf32, #tpu.memory_space<vmem>>)
    %dma_wait3A_73 = arith.constant 128 : i32
    %dma_wait3A_74 = arith.constant 0 : i32
    %dma_wait3A_75 = tpu.memref_slice %arg8[%dma_wait3A_73, %dma_wait3A_74] : memref<1024x32xf32, #tpu.memory_space<vmem>> -> memref<128x32xf32, #tpu.memory_space<vmem>>
    %dma_wait3A_76 = arith.constant 128 : i32
    %dma_wait3A_77 = tpu.memref_slice %arg7[%dma_wait3A_76] : memref<1024xi32, #tpu.memory_space<vmem>> -> memref<128xi32, #tpu.memory_space<vmem>>
    %dma_wait3A_78 = arith.constant 0 : i32
    %dma_wait3A_79 = arith.constant 0 : i32
    %dma_wait3A_80 = tpu.memref_slice %arg2[%dma_wait3A_78, %dma_wait3A_79] : memref<8192x32xf32, #tpu.memory_space<hbm>> -> memref<8192x32xf32, #tpu.memory_space<hbm>>
    tpu.wait_indirect_dma semaphore(%arg11 : memref<!tpu.dma_semaphore, #tpu.memory_space<semaphore_mem>>) src(%dma_wait3A_80 : memref<8192x32xf32, #tpu.memory_space<hbm>>) dst(%dma_wait3A_75 : memref<128x32xf32, #tpu.memory_space<vmem>>)
    %dma_wait3A_81 = arith.constant 256 : i32
    %dma_wait3A_82 = arith.constant 0 : i32
    %dma_wait3A_83 = tpu.memref_slice %arg8[%dma_wait3A_81, %dma_wait3A_82] : memref<1024x32xf32, #tpu.memory_space<vmem>> -> memref<128x32xf32, #tpu.memory_space<vmem>>
    %dma_wait3A_84 = arith.constant 256 : i32
    %dma_wait3A_85 = tpu.memref_slice %arg7[%dma_wait3A_84] : memref<1024xi32, #tpu.memory_space<vmem>> -> memref<128xi32, #tpu.memory_space<vmem>>
    %dma_wait3A_86 = arith.constant 0 : i32
    %dma_wait3A_87 = arith.constant 0 : i32
    %dma_wait3A_88 = tpu.memref_slice %arg2[%dma_wait3A_86, %dma_wait3A_87] : memref<8192x32xf32, #tpu.memory_space<hbm>> -> memref<8192x32xf32, #tpu.memory_space<hbm>>
    tpu.wait_indirect_dma semaphore(%arg11 : memref<!tpu.dma_semaphore, #tpu.memory_space<semaphore_mem>>) src(%dma_wait3A_88 : memref<8192x32xf32, #tpu.memory_space<hbm>>) dst(%dma_wait3A_83 : memref<128x32xf32, #tpu.memory_space<vmem>>)
    %dma_wait3A_89 = arith.constant 384 : i32
    %dma_wait3A_90 = arith.constant 0 : i32
    %dma_wait3A_91 = tpu.memref_slice %arg8[%dma_wait3A_89, %dma_wait3A_90] : memref<1024x32xf32, #tpu.memory_space<vmem>> -> memref<128x32xf32, #tpu.memory_space<vmem>>
    %dma_wait3A_92 = arith.constant 384 : i32
    %dma_wait3A_93 = tpu.memref_slice %arg7[%dma_wait3A_92] : memref<1024xi32, #tpu.memory_space<vmem>> -> memref<128xi32, #tpu.memory_space<vmem>>
    %dma_wait3A_94 = arith.constant 0 : i32
    %dma_wait3A_95 = arith.constant 0 : i32
    %dma_wait3A_96 = tpu.memref_slice %arg2[%dma_wait3A_94, %dma_wait3A_95] : memref<8192x32xf32, #tpu.memory_space<hbm>> -> memref<8192x32xf32, #tpu.memory_space<hbm>>
    tpu.wait_indirect_dma semaphore(%arg11 : memref<!tpu.dma_semaphore, #tpu.memory_space<semaphore_mem>>) src(%dma_wait3A_96 : memref<8192x32xf32, #tpu.memory_space<hbm>>) dst(%dma_wait3A_91 : memref<128x32xf32, #tpu.memory_space<vmem>>)
    %dma_wait3A_97 = arith.constant 512 : i32
    %dma_wait3A_98 = arith.constant 0 : i32
    %dma_wait3A_99 = tpu.memref_slice %arg8[%dma_wait3A_97, %dma_wait3A_98] : memref<1024x32xf32, #tpu.memory_space<vmem>> -> memref<128x32xf32, #tpu.memory_space<vmem>>
    %dma_wait3A_100 = arith.constant 512 : i32
    %dma_wait3A_101 = tpu.memref_slice %arg7[%dma_wait3A_100] : memref<1024xi32, #tpu.memory_space<vmem>> -> memref<128xi32, #tpu.memory_space<vmem>>
    %dma_wait3A_102 = arith.constant 0 : i32
    %dma_wait3A_103 = arith.constant 0 : i32
    %dma_wait3A_104 = tpu.memref_slice %arg2[%dma_wait3A_102, %dma_wait3A_103] : memref<8192x32xf32, #tpu.memory_space<hbm>> -> memref<8192x32xf32, #tpu.memory_space<hbm>>
    tpu.wait_indirect_dma semaphore(%arg11 : memref<!tpu.dma_semaphore, #tpu.memory_space<semaphore_mem>>) src(%dma_wait3A_104 : memref<8192x32xf32, #tpu.memory_space<hbm>>) dst(%dma_wait3A_99 : memref<128x32xf32, #tpu.memory_space<vmem>>)
    %dma_wait3A_105 = arith.constant 640 : i32
    %dma_wait3A_106 = arith.constant 0 : i32
    %dma_wait3A_107 = tpu.memref_slice %arg8[%dma_wait3A_105, %dma_wait3A_106] : memref<1024x32xf32, #tpu.memory_space<vmem>> -> memref<128x32xf32, #tpu.memory_space<vmem>>
    %dma_wait3A_108 = arith.constant 640 : i32
    %dma_wait3A_109 = tpu.memref_slice %arg7[%dma_wait3A_108] : memref<1024xi32, #tpu.memory_space<vmem>> -> memref<128xi32, #tpu.memory_space<vmem>>
    %dma_wait3A_110 = arith.constant 0 : i32
    %dma_wait3A_111 = arith.constant 0 : i32
    %dma_wait3A_112 = tpu.memref_slice %arg2[%dma_wait3A_110, %dma_wait3A_111] : memref<8192x32xf32, #tpu.memory_space<hbm>> -> memref<8192x32xf32, #tpu.memory_space<hbm>>
    tpu.wait_indirect_dma semaphore(%arg11 : memref<!tpu.dma_semaphore, #tpu.memory_space<semaphore_mem>>) src(%dma_wait3A_112 : memref<8192x32xf32, #tpu.memory_space<hbm>>) dst(%dma_wait3A_107 : memref<128x32xf32, #tpu.memory_space<vmem>>)
    %dma_wait3A_113 = arith.constant 768 : i32
    %dma_wait3A_114 = arith.constant 0 : i32
    %dma_wait3A_115 = tpu.memref_slice %arg8[%dma_wait3A_113, %dma_wait3A_114] : memref<1024x32xf32, #tpu.memory_space<vmem>> -> memref<128x32xf32, #tpu.memory_space<vmem>>
    %dma_wait3A_116 = arith.constant 768 : i32
    %dma_wait3A_117 = tpu.memref_slice %arg7[%dma_wait3A_116] : memref<1024xi32, #tpu.memory_space<vmem>> -> memref<128xi32, #tpu.memory_space<vmem>>
    %dma_wait3A_118 = arith.constant 0 : i32
    %dma_wait3A_119 = arith.constant 0 : i32
    %dma_wait3A_120 = tpu.memref_slice %arg2[%dma_wait3A_118, %dma_wait3A_119] : memref<8192x32xf32, #tpu.memory_space<hbm>> -> memref<8192x32xf32, #tpu.memory_space<hbm>>
    tpu.wait_indirect_dma semaphore(%arg11 : memref<!tpu.dma_semaphore, #tpu.memory_space<semaphore_mem>>) src(%dma_wait3A_120 : memref<8192x32xf32, #tpu.memory_space<hbm>>) dst(%dma_wait3A_115 : memref<128x32xf32, #tpu.memory_space<vmem>>)
    %dma_wait3A_121 = arith.constant 896 : i32
    %dma_wait3A_122 = arith.constant 0 : i32
    %dma_wait3A_123 = tpu.memref_slice %arg8[%dma_wait3A_121, %dma_wait3A_122] : memref<1024x32xf32, #tpu.memory_space<vmem>> -> memref<128x32xf32, #tpu.memory_space<vmem>>
    %dma_wait3A_124 = arith.constant 896 : i32
    %dma_wait3A_125 = tpu.memref_slice %arg7[%dma_wait3A_124] : memref<1024xi32, #tpu.memory_space<vmem>> -> memref<128xi32, #tpu.memory_space<vmem>>
    %dma_wait3A_126 = arith.constant 0 : i32
    %dma_wait3A_127 = arith.constant 0 : i32
    %dma_wait3A_128 = tpu.memref_slice %arg2[%dma_wait3A_126, %dma_wait3A_127] : memref<8192x32xf32, #tpu.memory_space<hbm>> -> memref<8192x32xf32, #tpu.memory_space<hbm>>
    tpu.wait_indirect_dma semaphore(%arg11 : memref<!tpu.dma_semaphore, #tpu.memory_space<semaphore_mem>>) src(%dma_wait3A_128 : memref<8192x32xf32, #tpu.memory_space<hbm>>) dst(%dma_wait3A_123 : memref<128x32xf32, #tpu.memory_space<vmem>>)
    %broadcast_in_dim3A = arith.constant 0.000000e+00 : f32
    %broadcast_in_dim3A_129 = vector.broadcast %broadcast_in_dim3A : f32 to vector<16xf32>
    %scan3A = arith.constant 0 : i32
    %scan3A_130 = arith.constant 1024 : i32
    %scan3A_131 = arith.addi %scan3A, %scan3A_130 : i32
    %scan3A_132 = arith.constant 1 : i32
    %scan3A_133 = scf.for %scan3A_138 = %scan3A to %scan3A_131 step %scan3A_132 iter_args(%scan3A_139 = %broadcast_in_dim3A_129) -> (vector<16xf32>)  : i32 {
      %get3A = arith.index_cast %scan3A_138 : i32 to index
      %get3A_140 = arith.constant 0 : index
      %get3A_141 = tpu.vector_load %arg9[%get3A, %get3A_140] {strides = array<i32>} : memref<1024x32xf32, #tpu.memory_space<vmem>>, vector<1x16xf32>,
      %get3A_142 = vector.shape_cast %get3A_141 : vector<1x16xf32> to vector<16xf32>
      %get3A_143 = arith.index_cast %scan3A_138 : i32 to index
      %get3A_144 = arith.constant 0 : index
      %get3A_145 = tpu.vector_load %arg8[%get3A_143, %get3A_144] {strides = array<i32>} : memref<1024x32xf32, #tpu.memory_space<vmem>>, vector<1x16xf32>,
      %get3A_146 = vector.shape_cast %get3A_145 : vector<1x16xf32> to vector<16xf32>
      %sub3A = arith.subf %get3A_146, %get3A_142 : vector<16xf32>
      %add3A_147 = arith.addf %get3A_142, %sub3A : vector<16xf32>
      %sub3A_148 = arith.subf %get3A_142, %add3A_147 : vector<16xf32>
      %swap3A_149 = arith.index_cast %scan3A_138 : i32 to index
      %swap3A_150 = arith.constant 0 : index
      %swap3A_151 = tpu.vector_load %arg9[%swap3A_149, %swap3A_150] {strides = array<i32>} : memref<1024x32xf32, #tpu.memory_space<vmem>>, vector<1x16xf32>,
      %swap3A_152 = vector.shape_cast %swap3A_151 : vector<1x16xf32> to vector<16xf32>
      %swap3A_153 = vector.shape_cast %sub3A_148 : vector<16xf32> to vector<1x16xf32>
      tpu.vector_store %arg9[%swap3A_149, %swap3A_150], %swap3A_153 {strides = array<i32>} : memref<1024x32xf32, #tpu.memory_space<vmem>>, vector<1x16xf32>,
      %sub3A_154 = arith.subf %add3A_147, %get3A_142 : vector<16xf32>
      %mul3A_155 = arith.mulf %sub3A_154, %sub3A_154 : vector<16xf32>
      %add3A_156 = arith.addf %scan3A_139, %mul3A_155 : vector<16xf32>
      %get3A_157 = arith.index_cast %scan3A_138 : i32 to index
      %get3A_158 = arith.constant 16 : index
      %get3A_159 = tpu.vector_load %arg9[%get3A_157, %get3A_158] {strides = array<i32>} : memref<1024x32xf32, #tpu.memory_space<vmem>>, vector<1x16xf32>,
      %get3A_160 = vector.shape_cast %get3A_159 : vector<1x16xf32> to vector<16xf32>
      %get3A_161 = arith.index_cast %scan3A_138 : i32 to index
      %get3A_162 = arith.constant 16 : index
      %get3A_163 = tpu.vector_load %arg8[%get3A_161, %get3A_162] {strides = array<i32>} : memref<1024x32xf32, #tpu.memory_space<vmem>>, vector<1x16xf32>,
      %get3A_164 = vector.shape_cast %get3A_163 : vector<1x16xf32> to vector<16xf32>
      %sub3A_165 = arith.subf %get3A_164, %get3A_160 : vector<16xf32>
      %add3A_166 = arith.addf %get3A_160, %sub3A_165 : vector<16xf32>
      %sub3A_167 = arith.subf %get3A_160, %add3A_166 : vector<16xf32>
      %swap3A_168 = arith.index_cast %scan3A_138 : i32 to index
      %swap3A_169 = arith.constant 16 : index
      %swap3A_170 = tpu.vector_load %arg9[%swap3A_168, %swap3A_169] {strides = array<i32>} : memref<1024x32xf32, #tpu.memory_space<vmem>>, vector<1x16xf32>,
      %swap3A_171 = vector.shape_cast %swap3A_170 : vector<1x16xf32> to vector<16xf32>
      %swap3A_172 = vector.shape_cast %sub3A_167 : vector<16xf32> to vector<1x16xf32>
      tpu.vector_store %arg9[%swap3A_168, %swap3A_169], %swap3A_172 {strides = array<i32>} : memref<1024x32xf32, #tpu.memory_space<vmem>>, vector<1x16xf32>,
      %sub3A_173 = arith.subf %add3A_166, %get3A_160 : vector<16xf32>
      %mul3A_174 = arith.mulf %sub3A_173, %sub3A_173 : vector<16xf32>
      %add3A_175 = arith.addf %add3A_156, %mul3A_174 : vector<16xf32>
      scf.yield %add3A_175 : vector<16xf32>
    }
    %scan3A_134 = arith.constant 1024 : i32
    %swap3A = arith.constant 0 : index
    %swap3A_135 = tpu.vector_load %arg10[%swap3A] {strides = array<i32>} : memref<16xf32, #tpu.memory_space<vmem>>, vector<16xf32>,
    %swap3A_136 = vector.shape_cast %swap3A_135 : vector<16xf32> to vector<16xf32>
    %swap3A_137 = vector.shape_cast %scan3A_133 : vector<16xf32> to vector<16xf32>
    tpu.vector_store %arg10[%swap3A], %swap3A_137 {strides = array<i32>} : memref<16xf32, #tpu.memory_space<vmem>>, vector<16xf32>,
    "tpu.region"() ({
      %run_scoped3A = tpu.sem_alloc : memref<!tpu.dma_semaphore, #tpu.memory_space<semaphore_mem>>
      %dma_start3A_138 = arith.constant 0 : i32
      %dma_start3A_139 = tpu.memref_slice %arg5[%mul3A_2, %dma_start3A_138] : memref<32768x32xf32, #tpu.memory_space<hbm>> -> memref<1024x32xf32, #tpu.memory_space<hbm>>
      %dma_start3A_140 = arith.constant 0 : i32
      %dma_start3A_141 = tpu.memref_slice %arg5[%mul3A_2, %dma_start3A_140] : memref<32768x32xf32, #tpu.memory_space<hbm>> -> memref<1024x32xf32, #tpu.memory_space<hbm>>
      tpu.enqueue_dma source(%arg9 : memref<1024x32xf32, #tpu.memory_space<vmem>>) target(%dma_start3A_141 : memref<1024x32xf32, #tpu.memory_space<hbm>>) target_semaphore(%run_scoped3A : memref<!tpu.dma_semaphore, #tpu.memory_space<semaphore_mem>>)
      %dma_wait3A_142 = arith.constant 0 : i32
      %dma_wait3A_143 = tpu.memref_slice %arg5[%mul3A_2, %dma_wait3A_142] : memref<32768x32xf32, #tpu.memory_space<hbm>> -> memref<1024x32xf32, #tpu.memory_space<hbm>>
      %dma_wait3A_144 = arith.constant 0 : i32
      %dma_wait3A_145 = tpu.memref_slice %arg5[%mul3A_2, %dma_wait3A_144] : memref<32768x32xf32, #tpu.memory_space<hbm>> -> memref<1024x32xf32, #tpu.memory_space<hbm>>
      tpu.wait_dma2 semaphore(%run_scoped3A : memref<!tpu.dma_semaphore, #tpu.memory_space<semaphore_mem>>) src(%arg9 : memref<1024x32xf32, #tpu.memory_space<vmem>>) dst(%dma_wait3A_145 : memref<1024x32xf32, #tpu.memory_space<hbm>>)
      tpu.yield
    }) : () -> ()
    "tpu.region"() ({
      %run_scoped3A = tpu.sem_alloc : memref<!tpu.dma_semaphore, #tpu.memory_space<semaphore_mem>>
      %dma_start3A_138 = arith.constant 0 : i32
      %dma_start3A_139 = tpu.memref_slice %arg6[%add3A, %dma_start3A_138] : memref<32x16xf32, #tpu.memory_space<hbm>> -> memref<1x16xf32, #tpu.memory_space<hbm>>
      %dma_start3A_140 = tpu.memref_squeeze %dma_start3A_139 : memref<1x16xf32, #tpu.memory_space<hbm>> -> memref<16xf32, #tpu.memory_space<hbm>>
      %dma_start3A_141 = arith.constant 0 : i32
      %dma_start3A_142 = tpu.memref_slice %arg6[%add3A, %dma_start3A_141] : memref<32x16xf32, #tpu.memory_space<hbm>> -> memref<1x16xf32, #tpu.memory_space<hbm>>
      %dma_start3A_143 = tpu.memref_squeeze %dma_start3A_142 : memref<1x16xf32, #tpu.memory_space<hbm>> -> memref<16xf32, #tpu.memory_space<hbm>>
      tpu.enqueue_dma source(%arg10 : memref<16xf32, #tpu.memory_space<vmem>>) target(%dma_start3A_143 : memref<16xf32, #tpu.memory_space<hbm>>) target_semaphore(%run_scoped3A : memref<!tpu.dma_semaphore, #tpu.memory_space<semaphore_mem>>)
      %dma_wait3A_144 = arith.constant 0 : i32
      %dma_wait3A_145 = tpu.memref_slice %arg6[%add3A, %dma_wait3A_144] : memref<32x16xf32, #tpu.memory_space<hbm>> -> memref<1x16xf32, #tpu.memory_space<hbm>>
      %dma_wait3A_146 = tpu.memref_squeeze %dma_wait3A_145 : memref<1x16xf32, #tpu.memory_space<hbm>> -> memref<16xf32, #tpu.memory_space<hbm>>
      %dma_wait3A_147 = arith.constant 0 : i32
      %dma_wait3A_148 = tpu.memref_slice %arg6[%add3A, %dma_wait3A_147] : memref<32x16xf32, #tpu.memory_space<hbm>> -> memref<1x16xf32, #tpu.memory_space<hbm>>
      %dma_wait3A_149 = tpu.memref_squeeze %dma_wait3A_148 : memref<1x16xf32, #tpu.memory_space<hbm>> -> memref<16xf32, #tpu.memory_space<hbm>>
      tpu.wait_dma2 semaphore(%run_scoped3A : memref<!tpu.dma_semaphore, #tpu.memory_space<semaphore_mem>>) src(%arg10 : memref<16xf32, #tpu.memory_space<vmem>>) dst(%dma_wait3A_149 : memref<16xf32, #tpu.memory_space<hbm>>)
      tpu.yield
    }) : () -> ()
    return
  }
}

#map = affine_map<(d0, d1) -> (0, 0)>
#map1 = affine_map<(d0, d1) -> (0)>
module attributes {stable_mosaic.version = 14 : i64} {
  func.func @_sc_update_last_body(%arg0: i32, %arg1: i32, %arg2: memref<8192x32xf32, #tpu.memory_space<hbm>>, %arg3: memref<32768xi32, #tpu.memory_space<hbm>>, %arg4: memref<32768x32xf32, #tpu.memory_space<hbm>>, %arg5: memref<32768x32xf32, #tpu.memory_space<hbm>>, %arg6: memref<32768x32xf32, #tpu.memory_space<hbm>>, %arg7: memref<32x16xf32, #tpu.memory_space<hbm>>, %arg8: memref<1024xi32, #tpu.memory_space<vmem>>, %arg9: memref<1024x32xf32, #tpu.memory_space<vmem>>, %arg10: memref<1024x32xf32, #tpu.memory_space<vmem>>, %arg11: memref<1024x32xf32, #tpu.memory_space<vmem>>, %arg12: memref<16xf32, #tpu.memory_space<vmem>>, %arg13: memref<!tpu.dma_semaphore, #tpu.memory_space<semaphore_mem>>) attributes {dimension_semantics = [#tpu.dimension_semantics<core_parallel>, #tpu.dimension_semantics<subcore_parallel>], iteration_bounds = array<i64: 2, 16>, scalar_prefetch = 0 : i64, scratch_operands = 6 : i64, tpu.core_type = #tpu.core_type<sc_vector_subcore>, window_params = [{transform_indices = #map}, {transform_indices = #map1}, {transform_indices = #map}, {transform_indices = #map}, {transform_indices = #map}, {transform_indices = #map}]} {
    %mul3A = arith.constant 2 : i32
    %mul3A_0 = arith.muli %arg1, %mul3A : i32
    %add3A = arith.addi %mul3A_0, %arg0 : i32
    %mul3A_1 = arith.constant 1024 : i32
    %mul3A_2 = arith.muli %add3A, %mul3A_1 : i32
    "tpu.region"() ({
      %run_scoped3A = tpu.sem_alloc : memref<!tpu.dma_semaphore, #tpu.memory_space<semaphore_mem>>
      %dma_start3A_138 = tpu.memref_slice %arg3[%mul3A_2] : memref<32768xi32, #tpu.memory_space<hbm>> -> memref<1024xi32, #tpu.memory_space<hbm>>
      %dma_start3A_139 = tpu.memref_slice %arg3[%mul3A_2] : memref<32768xi32, #tpu.memory_space<hbm>> -> memref<1024xi32, #tpu.memory_space<hbm>>
      tpu.enqueue_dma source(%dma_start3A_139 : memref<1024xi32, #tpu.memory_space<hbm>>) target(%arg8 : memref<1024xi32, #tpu.memory_space<vmem>>) target_semaphore(%run_scoped3A : memref<!tpu.dma_semaphore, #tpu.memory_space<semaphore_mem>>)
      %dma_wait3A_140 = tpu.memref_slice %arg3[%mul3A_2] : memref<32768xi32, #tpu.memory_space<hbm>> -> memref<1024xi32, #tpu.memory_space<hbm>>
      %dma_wait3A_141 = tpu.memref_slice %arg3[%mul3A_2] : memref<32768xi32, #tpu.memory_space<hbm>> -> memref<1024xi32, #tpu.memory_space<hbm>>
      tpu.wait_dma2 semaphore(%run_scoped3A : memref<!tpu.dma_semaphore, #tpu.memory_space<semaphore_mem>>) src(%dma_wait3A_141 : memref<1024xi32, #tpu.memory_space<hbm>>) dst(%arg8 : memref<1024xi32, #tpu.memory_space<vmem>>)
      tpu.yield
    }) : () -> ()
    %dma_start3A = arith.constant 0 : i32
    %dma_start3A_3 = arith.constant 0 : i32
    %dma_start3A_4 = tpu.memref_slice %arg9[%dma_start3A, %dma_start3A_3] : memref<1024x32xf32, #tpu.memory_space<vmem>> -> memref<128x32xf32, #tpu.memory_space<vmem>>
    %dma_start3A_5 = arith.constant 0 : i32
    %dma_start3A_6 = tpu.memref_slice %arg8[%dma_start3A_5] : memref<1024xi32, #tpu.memory_space<vmem>> -> memref<128xi32, #tpu.memory_space<vmem>>
    %dma_start3A_7 = arith.constant 0 : i32
    %dma_start3A_8 = arith.constant 0 : i32
    %dma_start3A_9 = tpu.memref_slice %arg2[%dma_start3A_7, %dma_start3A_8] : memref<8192x32xf32, #tpu.memory_space<hbm>> -> memref<8192x32xf32, #tpu.memory_space<hbm>>
    tpu.enqueue_indirect_dma source(%dma_start3A_9 : memref<8192x32xf32, #tpu.memory_space<hbm>>) target(%dma_start3A_4 : memref<128x32xf32, #tpu.memory_space<vmem>>) offsets(%dma_start3A_6 : memref<128xi32, #tpu.memory_space<vmem>>) semaphore(%arg13 : memref<!tpu.dma_semaphore, #tpu.memory_space<semaphore_mem>>)
    %dma_start3A_10 = arith.constant 128 : i32
    %dma_start3A_11 = arith.constant 0 : i32
    %dma_start3A_12 = tpu.memref_slice %arg9[%dma_start3A_10, %dma_start3A_11] : memref<1024x32xf32, #tpu.memory_space<vmem>> -> memref<128x32xf32, #tpu.memory_space<vmem>>
    %dma_start3A_13 = arith.constant 128 : i32
    %dma_start3A_14 = tpu.memref_slice %arg8[%dma_start3A_13] : memref<1024xi32, #tpu.memory_space<vmem>> -> memref<128xi32, #tpu.memory_space<vmem>>
    %dma_start3A_15 = arith.constant 0 : i32
    %dma_start3A_16 = arith.constant 0 : i32
    %dma_start3A_17 = tpu.memref_slice %arg2[%dma_start3A_15, %dma_start3A_16] : memref<8192x32xf32, #tpu.memory_space<hbm>> -> memref<8192x32xf32, #tpu.memory_space<hbm>>
    tpu.enqueue_indirect_dma source(%dma_start3A_17 : memref<8192x32xf32, #tpu.memory_space<hbm>>) target(%dma_start3A_12 : memref<128x32xf32, #tpu.memory_space<vmem>>) offsets(%dma_start3A_14 : memref<128xi32, #tpu.memory_space<vmem>>) semaphore(%arg13 : memref<!tpu.dma_semaphore, #tpu.memory_space<semaphore_mem>>)
    %dma_start3A_18 = arith.constant 256 : i32
    %dma_start3A_19 = arith.constant 0 : i32
    %dma_start3A_20 = tpu.memref_slice %arg9[%dma_start3A_18, %dma_start3A_19] : memref<1024x32xf32, #tpu.memory_space<vmem>> -> memref<128x32xf32, #tpu.memory_space<vmem>>
    %dma_start3A_21 = arith.constant 256 : i32
    %dma_start3A_22 = tpu.memref_slice %arg8[%dma_start3A_21] : memref<1024xi32, #tpu.memory_space<vmem>> -> memref<128xi32, #tpu.memory_space<vmem>>
    %dma_start3A_23 = arith.constant 0 : i32
    %dma_start3A_24 = arith.constant 0 : i32
    %dma_start3A_25 = tpu.memref_slice %arg2[%dma_start3A_23, %dma_start3A_24] : memref<8192x32xf32, #tpu.memory_space<hbm>> -> memref<8192x32xf32, #tpu.memory_space<hbm>>
    tpu.enqueue_indirect_dma source(%dma_start3A_25 : memref<8192x32xf32, #tpu.memory_space<hbm>>) target(%dma_start3A_20 : memref<128x32xf32, #tpu.memory_space<vmem>>) offsets(%dma_start3A_22 : memref<128xi32, #tpu.memory_space<vmem>>) semaphore(%arg13 : memref<!tpu.dma_semaphore, #tpu.memory_space<semaphore_mem>>)
    %dma_start3A_26 = arith.constant 384 : i32
    %dma_start3A_27 = arith.constant 0 : i32
    %dma_start3A_28 = tpu.memref_slice %arg9[%dma_start3A_26, %dma_start3A_27] : memref<1024x32xf32, #tpu.memory_space<vmem>> -> memref<128x32xf32, #tpu.memory_space<vmem>>
    %dma_start3A_29 = arith.constant 384 : i32
    %dma_start3A_30 = tpu.memref_slice %arg8[%dma_start3A_29] : memref<1024xi32, #tpu.memory_space<vmem>> -> memref<128xi32, #tpu.memory_space<vmem>>
    %dma_start3A_31 = arith.constant 0 : i32
    %dma_start3A_32 = arith.constant 0 : i32
    %dma_start3A_33 = tpu.memref_slice %arg2[%dma_start3A_31, %dma_start3A_32] : memref<8192x32xf32, #tpu.memory_space<hbm>> -> memref<8192x32xf32, #tpu.memory_space<hbm>>
    tpu.enqueue_indirect_dma source(%dma_start3A_33 : memref<8192x32xf32, #tpu.memory_space<hbm>>) target(%dma_start3A_28 : memref<128x32xf32, #tpu.memory_space<vmem>>) offsets(%dma_start3A_30 : memref<128xi32, #tpu.memory_space<vmem>>) semaphore(%arg13 : memref<!tpu.dma_semaphore, #tpu.memory_space<semaphore_mem>>)
    %dma_start3A_34 = arith.constant 512 : i32
    %dma_start3A_35 = arith.constant 0 : i32
    %dma_start3A_36 = tpu.memref_slice %arg9[%dma_start3A_34, %dma_start3A_35] : memref<1024x32xf32, #tpu.memory_space<vmem>> -> memref<128x32xf32, #tpu.memory_space<vmem>>
    %dma_start3A_37 = arith.constant 512 : i32
    %dma_start3A_38 = tpu.memref_slice %arg8[%dma_start3A_37] : memref<1024xi32, #tpu.memory_space<vmem>> -> memref<128xi32, #tpu.memory_space<vmem>>
    %dma_start3A_39 = arith.constant 0 : i32
    %dma_start3A_40 = arith.constant 0 : i32
    %dma_start3A_41 = tpu.memref_slice %arg2[%dma_start3A_39, %dma_start3A_40] : memref<8192x32xf32, #tpu.memory_space<hbm>> -> memref<8192x32xf32, #tpu.memory_space<hbm>>
    tpu.enqueue_indirect_dma source(%dma_start3A_41 : memref<8192x32xf32, #tpu.memory_space<hbm>>) target(%dma_start3A_36 : memref<128x32xf32, #tpu.memory_space<vmem>>) offsets(%dma_start3A_38 : memref<128xi32, #tpu.memory_space<vmem>>) semaphore(%arg13 : memref<!tpu.dma_semaphore, #tpu.memory_space<semaphore_mem>>)
    %dma_start3A_42 = arith.constant 640 : i32
    %dma_start3A_43 = arith.constant 0 : i32
    %dma_start3A_44 = tpu.memref_slice %arg9[%dma_start3A_42, %dma_start3A_43] : memref<1024x32xf32, #tpu.memory_space<vmem>> -> memref<128x32xf32, #tpu.memory_space<vmem>>
    %dma_start3A_45 = arith.constant 640 : i32
    %dma_start3A_46 = tpu.memref_slice %arg8[%dma_start3A_45] : memref<1024xi32, #tpu.memory_space<vmem>> -> memref<128xi32, #tpu.memory_space<vmem>>
    %dma_start3A_47 = arith.constant 0 : i32
    %dma_start3A_48 = arith.constant 0 : i32
    %dma_start3A_49 = tpu.memref_slice %arg2[%dma_start3A_47, %dma_start3A_48] : memref<8192x32xf32, #tpu.memory_space<hbm>> -> memref<8192x32xf32, #tpu.memory_space<hbm>>
    tpu.enqueue_indirect_dma source(%dma_start3A_49 : memref<8192x32xf32, #tpu.memory_space<hbm>>) target(%dma_start3A_44 : memref<128x32xf32, #tpu.memory_space<vmem>>) offsets(%dma_start3A_46 : memref<128xi32, #tpu.memory_space<vmem>>) semaphore(%arg13 : memref<!tpu.dma_semaphore, #tpu.memory_space<semaphore_mem>>)
    %dma_start3A_50 = arith.constant 768 : i32
    %dma_start3A_51 = arith.constant 0 : i32
    %dma_start3A_52 = tpu.memref_slice %arg9[%dma_start3A_50, %dma_start3A_51] : memref<1024x32xf32, #tpu.memory_space<vmem>> -> memref<128x32xf32, #tpu.memory_space<vmem>>
    %dma_start3A_53 = arith.constant 768 : i32
    %dma_start3A_54 = tpu.memref_slice %arg8[%dma_start3A_53] : memref<1024xi32, #tpu.memory_space<vmem>> -> memref<128xi32, #tpu.memory_space<vmem>>
    %dma_start3A_55 = arith.constant 0 : i32
    %dma_start3A_56 = arith.constant 0 : i32
    %dma_start3A_57 = tpu.memref_slice %arg2[%dma_start3A_55, %dma_start3A_56] : memref<8192x32xf32, #tpu.memory_space<hbm>> -> memref<8192x32xf32, #tpu.memory_space<hbm>>
    tpu.enqueue_indirect_dma source(%dma_start3A_57 : memref<8192x32xf32, #tpu.memory_space<hbm>>) target(%dma_start3A_52 : memref<128x32xf32, #tpu.memory_space<vmem>>) offsets(%dma_start3A_54 : memref<128xi32, #tpu.memory_space<vmem>>) semaphore(%arg13 : memref<!tpu.dma_semaphore, #tpu.memory_space<semaphore_mem>>)
    %dma_start3A_58 = arith.constant 896 : i32
    %dma_start3A_59 = arith.constant 0 : i32
    %dma_start3A_60 = tpu.memref_slice %arg9[%dma_start3A_58, %dma_start3A_59] : memref<1024x32xf32, #tpu.memory_space<vmem>> -> memref<128x32xf32, #tpu.memory_space<vmem>>
    %dma_start3A_61 = arith.constant 896 : i32
    %dma_start3A_62 = tpu.memref_slice %arg8[%dma_start3A_61] : memref<1024xi32, #tpu.memory_space<vmem>> -> memref<128xi32, #tpu.memory_space<vmem>>
    %dma_start3A_63 = arith.constant 0 : i32
    %dma_start3A_64 = arith.constant 0 : i32
    %dma_start3A_65 = tpu.memref_slice %arg2[%dma_start3A_63, %dma_start3A_64] : memref<8192x32xf32, #tpu.memory_space<hbm>> -> memref<8192x32xf32, #tpu.memory_space<hbm>>
    tpu.enqueue_indirect_dma source(%dma_start3A_65 : memref<8192x32xf32, #tpu.memory_space<hbm>>) target(%dma_start3A_60 : memref<128x32xf32, #tpu.memory_space<vmem>>) offsets(%dma_start3A_62 : memref<128xi32, #tpu.memory_space<vmem>>) semaphore(%arg13 : memref<!tpu.dma_semaphore, #tpu.memory_space<semaphore_mem>>)
    "tpu.region"() ({
      %run_scoped3A = tpu.sem_alloc : memref<!tpu.dma_semaphore, #tpu.memory_space<semaphore_mem>>
      %dma_start3A_138 = arith.constant 0 : i32
      %dma_start3A_139 = tpu.memref_slice %arg4[%mul3A_2, %dma_start3A_138] : memref<32768x32xf32, #tpu.memory_space<hbm>> -> memref<1024x32xf32, #tpu.memory_space<hbm>>
      %dma_start3A_140 = arith.constant 0 : i32
      %dma_start3A_141 = tpu.memref_slice %arg4[%mul3A_2, %dma_start3A_140] : memref<32768x32xf32, #tpu.memory_space<hbm>> -> memref<1024x32xf32, #tpu.memory_space<hbm>>
      tpu.enqueue_dma source(%dma_start3A_141 : memref<1024x32xf32, #tpu.memory_space<hbm>>) target(%arg10 : memref<1024x32xf32, #tpu.memory_space<vmem>>) target_semaphore(%run_scoped3A : memref<!tpu.dma_semaphore, #tpu.memory_space<semaphore_mem>>)
      %dma_wait3A_142 = arith.constant 0 : i32
      %dma_wait3A_143 = tpu.memref_slice %arg4[%mul3A_2, %dma_wait3A_142] : memref<32768x32xf32, #tpu.memory_space<hbm>> -> memref<1024x32xf32, #tpu.memory_space<hbm>>
      %dma_wait3A_144 = arith.constant 0 : i32
      %dma_wait3A_145 = tpu.memref_slice %arg4[%mul3A_2, %dma_wait3A_144] : memref<32768x32xf32, #tpu.memory_space<hbm>> -> memref<1024x32xf32, #tpu.memory_space<hbm>>
      tpu.wait_dma2 semaphore(%run_scoped3A : memref<!tpu.dma_semaphore, #tpu.memory_space<semaphore_mem>>) src(%dma_wait3A_145 : memref<1024x32xf32, #tpu.memory_space<hbm>>) dst(%arg10 : memref<1024x32xf32, #tpu.memory_space<vmem>>)
      tpu.yield
    }) : () -> ()
    "tpu.region"() ({
      %run_scoped3A = tpu.sem_alloc : memref<!tpu.dma_semaphore, #tpu.memory_space<semaphore_mem>>
      %dma_start3A_138 = arith.constant 0 : i32
      %dma_start3A_139 = tpu.memref_slice %arg5[%mul3A_2, %dma_start3A_138] : memref<32768x32xf32, #tpu.memory_space<hbm>> -> memref<1024x32xf32, #tpu.memory_space<hbm>>
      %dma_start3A_140 = arith.constant 0 : i32
      %dma_start3A_141 = tpu.memref_slice %arg5[%mul3A_2, %dma_start3A_140] : memref<32768x32xf32, #tpu.memory_space<hbm>> -> memref<1024x32xf32, #tpu.memory_space<hbm>>
      tpu.enqueue_dma source(%dma_start3A_141 : memref<1024x32xf32, #tpu.memory_space<hbm>>) target(%arg11 : memref<1024x32xf32, #tpu.memory_space<vmem>>) target_semaphore(%run_scoped3A : memref<!tpu.dma_semaphore, #tpu.memory_space<semaphore_mem>>)
      %dma_wait3A_142 = arith.constant 0 : i32
      %dma_wait3A_143 = tpu.memref_slice %arg5[%mul3A_2, %dma_wait3A_142] : memref<32768x32xf32, #tpu.memory_space<hbm>> -> memref<1024x32xf32, #tpu.memory_space<hbm>>
      %dma_wait3A_144 = arith.constant 0 : i32
      %dma_wait3A_145 = tpu.memref_slice %arg5[%mul3A_2, %dma_wait3A_144] : memref<32768x32xf32, #tpu.memory_space<hbm>> -> memref<1024x32xf32, #tpu.memory_space<hbm>>
      tpu.wait_dma2 semaphore(%run_scoped3A : memref<!tpu.dma_semaphore, #tpu.memory_space<semaphore_mem>>) src(%dma_wait3A_145 : memref<1024x32xf32, #tpu.memory_space<hbm>>) dst(%arg11 : memref<1024x32xf32, #tpu.memory_space<vmem>>)
      tpu.yield
    }) : () -> ()
    %dma_wait3A = arith.constant 0 : i32
    %dma_wait3A_66 = arith.constant 0 : i32
    %dma_wait3A_67 = tpu.memref_slice %arg9[%dma_wait3A, %dma_wait3A_66] : memref<1024x32xf32, #tpu.memory_space<vmem>> -> memref<128x32xf32, #tpu.memory_space<vmem>>
    %dma_wait3A_68 = arith.constant 0 : i32
    %dma_wait3A_69 = tpu.memref_slice %arg8[%dma_wait3A_68] : memref<1024xi32, #tpu.memory_space<vmem>> -> memref<128xi32, #tpu.memory_space<vmem>>
    %dma_wait3A_70 = arith.constant 0 : i32
    %dma_wait3A_71 = arith.constant 0 : i32
    %dma_wait3A_72 = tpu.memref_slice %arg2[%dma_wait3A_70, %dma_wait3A_71] : memref<8192x32xf32, #tpu.memory_space<hbm>> -> memref<8192x32xf32, #tpu.memory_space<hbm>>
    tpu.wait_indirect_dma semaphore(%arg13 : memref<!tpu.dma_semaphore, #tpu.memory_space<semaphore_mem>>) src(%dma_wait3A_72 : memref<8192x32xf32, #tpu.memory_space<hbm>>) dst(%dma_wait3A_67 : memref<128x32xf32, #tpu.memory_space<vmem>>)
    %dma_wait3A_73 = arith.constant 128 : i32
    %dma_wait3A_74 = arith.constant 0 : i32
    %dma_wait3A_75 = tpu.memref_slice %arg9[%dma_wait3A_73, %dma_wait3A_74] : memref<1024x32xf32, #tpu.memory_space<vmem>> -> memref<128x32xf32, #tpu.memory_space<vmem>>
    %dma_wait3A_76 = arith.constant 128 : i32
    %dma_wait3A_77 = tpu.memref_slice %arg8[%dma_wait3A_76] : memref<1024xi32, #tpu.memory_space<vmem>> -> memref<128xi32, #tpu.memory_space<vmem>>
    %dma_wait3A_78 = arith.constant 0 : i32
    %dma_wait3A_79 = arith.constant 0 : i32
    %dma_wait3A_80 = tpu.memref_slice %arg2[%dma_wait3A_78, %dma_wait3A_79] : memref<8192x32xf32, #tpu.memory_space<hbm>> -> memref<8192x32xf32, #tpu.memory_space<hbm>>
    tpu.wait_indirect_dma semaphore(%arg13 : memref<!tpu.dma_semaphore, #tpu.memory_space<semaphore_mem>>) src(%dma_wait3A_80 : memref<8192x32xf32, #tpu.memory_space<hbm>>) dst(%dma_wait3A_75 : memref<128x32xf32, #tpu.memory_space<vmem>>)
    %dma_wait3A_81 = arith.constant 256 : i32
    %dma_wait3A_82 = arith.constant 0 : i32
    %dma_wait3A_83 = tpu.memref_slice %arg9[%dma_wait3A_81, %dma_wait3A_82] : memref<1024x32xf32, #tpu.memory_space<vmem>> -> memref<128x32xf32, #tpu.memory_space<vmem>>
    %dma_wait3A_84 = arith.constant 256 : i32
    %dma_wait3A_85 = tpu.memref_slice %arg8[%dma_wait3A_84] : memref<1024xi32, #tpu.memory_space<vmem>> -> memref<128xi32, #tpu.memory_space<vmem>>
    %dma_wait3A_86 = arith.constant 0 : i32
    %dma_wait3A_87 = arith.constant 0 : i32
    %dma_wait3A_88 = tpu.memref_slice %arg2[%dma_wait3A_86, %dma_wait3A_87] : memref<8192x32xf32, #tpu.memory_space<hbm>> -> memref<8192x32xf32, #tpu.memory_space<hbm>>
    tpu.wait_indirect_dma semaphore(%arg13 : memref<!tpu.dma_semaphore, #tpu.memory_space<semaphore_mem>>) src(%dma_wait3A_88 : memref<8192x32xf32, #tpu.memory_space<hbm>>) dst(%dma_wait3A_83 : memref<128x32xf32, #tpu.memory_space<vmem>>)
    %dma_wait3A_89 = arith.constant 384 : i32
    %dma_wait3A_90 = arith.constant 0 : i32
    %dma_wait3A_91 = tpu.memref_slice %arg9[%dma_wait3A_89, %dma_wait3A_90] : memref<1024x32xf32, #tpu.memory_space<vmem>> -> memref<128x32xf32, #tpu.memory_space<vmem>>
    %dma_wait3A_92 = arith.constant 384 : i32
    %dma_wait3A_93 = tpu.memref_slice %arg8[%dma_wait3A_92] : memref<1024xi32, #tpu.memory_space<vmem>> -> memref<128xi32, #tpu.memory_space<vmem>>
    %dma_wait3A_94 = arith.constant 0 : i32
    %dma_wait3A_95 = arith.constant 0 : i32
    %dma_wait3A_96 = tpu.memref_slice %arg2[%dma_wait3A_94, %dma_wait3A_95] : memref<8192x32xf32, #tpu.memory_space<hbm>> -> memref<8192x32xf32, #tpu.memory_space<hbm>>
    tpu.wait_indirect_dma semaphore(%arg13 : memref<!tpu.dma_semaphore, #tpu.memory_space<semaphore_mem>>) src(%dma_wait3A_96 : memref<8192x32xf32, #tpu.memory_space<hbm>>) dst(%dma_wait3A_91 : memref<128x32xf32, #tpu.memory_space<vmem>>)
    %dma_wait3A_97 = arith.constant 512 : i32
    %dma_wait3A_98 = arith.constant 0 : i32
    %dma_wait3A_99 = tpu.memref_slice %arg9[%dma_wait3A_97, %dma_wait3A_98] : memref<1024x32xf32, #tpu.memory_space<vmem>> -> memref<128x32xf32, #tpu.memory_space<vmem>>
    %dma_wait3A_100 = arith.constant 512 : i32
    %dma_wait3A_101 = tpu.memref_slice %arg8[%dma_wait3A_100] : memref<1024xi32, #tpu.memory_space<vmem>> -> memref<128xi32, #tpu.memory_space<vmem>>
    %dma_wait3A_102 = arith.constant 0 : i32
    %dma_wait3A_103 = arith.constant 0 : i32
    %dma_wait3A_104 = tpu.memref_slice %arg2[%dma_wait3A_102, %dma_wait3A_103] : memref<8192x32xf32, #tpu.memory_space<hbm>> -> memref<8192x32xf32, #tpu.memory_space<hbm>>
    tpu.wait_indirect_dma semaphore(%arg13 : memref<!tpu.dma_semaphore, #tpu.memory_space<semaphore_mem>>) src(%dma_wait3A_104 : memref<8192x32xf32, #tpu.memory_space<hbm>>) dst(%dma_wait3A_99 : memref<128x32xf32, #tpu.memory_space<vmem>>)
    %dma_wait3A_105 = arith.constant 640 : i32
    %dma_wait3A_106 = arith.constant 0 : i32
    %dma_wait3A_107 = tpu.memref_slice %arg9[%dma_wait3A_105, %dma_wait3A_106] : memref<1024x32xf32, #tpu.memory_space<vmem>> -> memref<128x32xf32, #tpu.memory_space<vmem>>
    %dma_wait3A_108 = arith.constant 640 : i32
    %dma_wait3A_109 = tpu.memref_slice %arg8[%dma_wait3A_108] : memref<1024xi32, #tpu.memory_space<vmem>> -> memref<128xi32, #tpu.memory_space<vmem>>
    %dma_wait3A_110 = arith.constant 0 : i32
    %dma_wait3A_111 = arith.constant 0 : i32
    %dma_wait3A_112 = tpu.memref_slice %arg2[%dma_wait3A_110, %dma_wait3A_111] : memref<8192x32xf32, #tpu.memory_space<hbm>> -> memref<8192x32xf32, #tpu.memory_space<hbm>>
    tpu.wait_indirect_dma semaphore(%arg13 : memref<!tpu.dma_semaphore, #tpu.memory_space<semaphore_mem>>) src(%dma_wait3A_112 : memref<8192x32xf32, #tpu.memory_space<hbm>>) dst(%dma_wait3A_107 : memref<128x32xf32, #tpu.memory_space<vmem>>)
    %dma_wait3A_113 = arith.constant 768 : i32
    %dma_wait3A_114 = arith.constant 0 : i32
    %dma_wait3A_115 = tpu.memref_slice %arg9[%dma_wait3A_113, %dma_wait3A_114] : memref<1024x32xf32, #tpu.memory_space<vmem>> -> memref<128x32xf32, #tpu.memory_space<vmem>>
    %dma_wait3A_116 = arith.constant 768 : i32
    %dma_wait3A_117 = tpu.memref_slice %arg8[%dma_wait3A_116] : memref<1024xi32, #tpu.memory_space<vmem>> -> memref<128xi32, #tpu.memory_space<vmem>>
    %dma_wait3A_118 = arith.constant 0 : i32
    %dma_wait3A_119 = arith.constant 0 : i32
    %dma_wait3A_120 = tpu.memref_slice %arg2[%dma_wait3A_118, %dma_wait3A_119] : memref<8192x32xf32, #tpu.memory_space<hbm>> -> memref<8192x32xf32, #tpu.memory_space<hbm>>
    tpu.wait_indirect_dma semaphore(%arg13 : memref<!tpu.dma_semaphore, #tpu.memory_space<semaphore_mem>>) src(%dma_wait3A_120 : memref<8192x32xf32, #tpu.memory_space<hbm>>) dst(%dma_wait3A_115 : memref<128x32xf32, #tpu.memory_space<vmem>>)
    %dma_wait3A_121 = arith.constant 896 : i32
    %dma_wait3A_122 = arith.constant 0 : i32
    %dma_wait3A_123 = tpu.memref_slice %arg9[%dma_wait3A_121, %dma_wait3A_122] : memref<1024x32xf32, #tpu.memory_space<vmem>> -> memref<128x32xf32, #tpu.memory_space<vmem>>
    %dma_wait3A_124 = arith.constant 896 : i32
    %dma_wait3A_125 = tpu.memref_slice %arg8[%dma_wait3A_124] : memref<1024xi32, #tpu.memory_space<vmem>> -> memref<128xi32, #tpu.memory_space<vmem>>
    %dma_wait3A_126 = arith.constant 0 : i32
    %dma_wait3A_127 = arith.constant 0 : i32
    %dma_wait3A_128 = tpu.memref_slice %arg2[%dma_wait3A_126, %dma_wait3A_127] : memref<8192x32xf32, #tpu.memory_space<hbm>> -> memref<8192x32xf32, #tpu.memory_space<hbm>>
    tpu.wait_indirect_dma semaphore(%arg13 : memref<!tpu.dma_semaphore, #tpu.memory_space<semaphore_mem>>) src(%dma_wait3A_128 : memref<8192x32xf32, #tpu.memory_space<hbm>>) dst(%dma_wait3A_123 : memref<128x32xf32, #tpu.memory_space<vmem>>)
    %broadcast_in_dim3A = arith.constant 0.000000e+00 : f32
    %broadcast_in_dim3A_129 = vector.broadcast %broadcast_in_dim3A : f32 to vector<16xf32>
    %scan3A = arith.constant 0 : i32
    %scan3A_130 = arith.constant 1024 : i32
    %scan3A_131 = arith.addi %scan3A, %scan3A_130 : i32
    %scan3A_132 = arith.constant 1 : i32
    %scan3A_133 = scf.for %scan3A_138 = %scan3A to %scan3A_131 step %scan3A_132 iter_args(%scan3A_139 = %broadcast_in_dim3A_129) -> (vector<16xf32>)  : i32 {
      %get3A = arith.index_cast %scan3A_138 : i32 to index
      %get3A_140 = arith.constant 0 : index
      %get3A_141 = tpu.vector_load %arg10[%get3A, %get3A_140] {strides = array<i32>} : memref<1024x32xf32, #tpu.memory_space<vmem>>, vector<1x16xf32>,
      %get3A_142 = vector.shape_cast %get3A_141 : vector<1x16xf32> to vector<16xf32>
      %get3A_143 = arith.index_cast %scan3A_138 : i32 to index
      %get3A_144 = arith.constant 0 : index
      %get3A_145 = tpu.vector_load %arg9[%get3A_143, %get3A_144] {strides = array<i32>} : memref<1024x32xf32, #tpu.memory_space<vmem>>, vector<1x16xf32>,
      %get3A_146 = vector.shape_cast %get3A_145 : vector<1x16xf32> to vector<16xf32>
      %sub3A = arith.subf %get3A_146, %get3A_142 : vector<16xf32>
      %add3A_147 = arith.addf %get3A_142, %sub3A : vector<16xf32>
      %sub3A_148 = arith.subf %get3A_142, %add3A_147 : vector<16xf32>
      %get3A_149 = arith.index_cast %scan3A_138 : i32 to index
      %get3A_150 = arith.constant 0 : index
      %get3A_151 = tpu.vector_load %arg11[%get3A_149, %get3A_150] {strides = array<i32>} : memref<1024x32xf32, #tpu.memory_space<vmem>>, vector<1x16xf32>,
      %get3A_152 = vector.shape_cast %get3A_151 : vector<1x16xf32> to vector<16xf32>
      %sub3A_153 = arith.subf %get3A_152, %sub3A_148 : vector<16xf32>
      %swap3A_154 = arith.index_cast %scan3A_138 : i32 to index
      %swap3A_155 = arith.constant 0 : index
      %swap3A_156 = tpu.vector_load %arg11[%swap3A_154, %swap3A_155] {strides = array<i32>} : memref<1024x32xf32, #tpu.memory_space<vmem>>, vector<1x16xf32>,
      %swap3A_157 = vector.shape_cast %swap3A_156 : vector<1x16xf32> to vector<16xf32>
      %swap3A_158 = vector.shape_cast %sub3A_153 : vector<16xf32> to vector<1x16xf32>
      tpu.vector_store %arg11[%swap3A_154, %swap3A_155], %swap3A_158 {strides = array<i32>} : memref<1024x32xf32, #tpu.memory_space<vmem>>, vector<1x16xf32>,
      %sub3A_159 = arith.subf %add3A_147, %get3A_142 : vector<16xf32>
      %mul3A_160 = arith.mulf %sub3A_159, %sub3A_159 : vector<16xf32>
      %add3A_161 = arith.addf %scan3A_139, %mul3A_160 : vector<16xf32>
      %get3A_162 = arith.index_cast %scan3A_138 : i32 to index
      %get3A_163 = arith.constant 16 : index
      %get3A_164 = tpu.vector_load %arg10[%get3A_162, %get3A_163] {strides = array<i32>} : memref<1024x32xf32, #tpu.memory_space<vmem>>, vector<1x16xf32>,
      %get3A_165 = vector.shape_cast %get3A_164 : vector<1x16xf32> to vector<16xf32>
      %get3A_166 = arith.index_cast %scan3A_138 : i32 to index
      %get3A_167 = arith.constant 16 : index
      %get3A_168 = tpu.vector_load %arg9[%get3A_166, %get3A_167] {strides = array<i32>} : memref<1024x32xf32, #tpu.memory_space<vmem>>, vector<1x16xf32>,
      %get3A_169 = vector.shape_cast %get3A_168 : vector<1x16xf32> to vector<16xf32>
      %sub3A_170 = arith.subf %get3A_169, %get3A_165 : vector<16xf32>
      %add3A_171 = arith.addf %get3A_165, %sub3A_170 : vector<16xf32>
      %sub3A_172 = arith.subf %get3A_165, %add3A_171 : vector<16xf32>
      %get3A_173 = arith.index_cast %scan3A_138 : i32 to index
      %get3A_174 = arith.constant 16 : index
      %get3A_175 = tpu.vector_load %arg11[%get3A_173, %get3A_174] {strides = array<i32>} : memref<1024x32xf32, #tpu.memory_space<vmem>>, vector<1x16xf32>,
      %get3A_176 = vector.shape_cast %get3A_175 : vector<1x16xf32> to vector<16xf32>
      %sub3A_177 = arith.subf %get3A_176, %sub3A_172 : vector<16xf32>
      %swap3A_178 = arith.index_cast %scan3A_138 : i32 to index
      %swap3A_179 = arith.constant 16 : index
      %swap3A_180 = tpu.vector_load %arg11[%swap3A_178, %swap3A_179] {strides = array<i32>} : memref<1024x32xf32, #tpu.memory_space<vmem>>, vector<1x16xf32>,
      %swap3A_181 = vector.shape_cast %swap3A_180 : vector<1x16xf32> to vector<16xf32>
      %swap3A_182 = vector.shape_cast %sub3A_177 : vector<16xf32> to vector<1x16xf32>
      tpu.vector_store %arg11[%swap3A_178, %swap3A_179], %swap3A_182 {strides = array<i32>} : memref<1024x32xf32, #tpu.memory_space<vmem>>, vector<1x16xf32>,
      %sub3A_183 = arith.subf %add3A_171, %get3A_165 : vector<16xf32>
      %mul3A_184 = arith.mulf %sub3A_183, %sub3A_183 : vector<16xf32>
      %add3A_185 = arith.addf %add3A_161, %mul3A_184 : vector<16xf32>
      scf.yield %add3A_185 : vector<16xf32>
    }
    %scan3A_134 = arith.constant 1024 : i32
    %swap3A = arith.constant 0 : index
    %swap3A_135 = tpu.vector_load %arg12[%swap3A] {strides = array<i32>} : memref<16xf32, #tpu.memory_space<vmem>>, vector<16xf32>,
    %swap3A_136 = vector.shape_cast %swap3A_135 : vector<16xf32> to vector<16xf32>
    %swap3A_137 = vector.shape_cast %scan3A_133 : vector<16xf32> to vector<16xf32>
    tpu.vector_store %arg12[%swap3A], %swap3A_137 {strides = array<i32>} : memref<16xf32, #tpu.memory_space<vmem>>, vector<16xf32>,
    "tpu.region"() ({
      %run_scoped3A = tpu.sem_alloc : memref<!tpu.dma_semaphore, #tpu.memory_space<semaphore_mem>>
      %dma_start3A_138 = arith.constant 0 : i32
      %dma_start3A_139 = tpu.memref_slice %arg6[%mul3A_2, %dma_start3A_138] : memref<32768x32xf32, #tpu.memory_space<hbm>> -> memref<1024x32xf32, #tpu.memory_space<hbm>>
      %dma_start3A_140 = arith.constant 0 : i32
      %dma_start3A_141 = tpu.memref_slice %arg6[%mul3A_2, %dma_start3A_140] : memref<32768x32xf32, #tpu.memory_space<hbm>> -> memref<1024x32xf32, #tpu.memory_space<hbm>>
      tpu.enqueue_dma source(%arg11 : memref<1024x32xf32, #tpu.memory_space<vmem>>) target(%dma_start3A_141 : memref<1024x32xf32, #tpu.memory_space<hbm>>) target_semaphore(%run_scoped3A : memref<!tpu.dma_semaphore, #tpu.memory_space<semaphore_mem>>)
      %dma_wait3A_142 = arith.constant 0 : i32
      %dma_wait3A_143 = tpu.memref_slice %arg6[%mul3A_2, %dma_wait3A_142] : memref<32768x32xf32, #tpu.memory_space<hbm>> -> memref<1024x32xf32, #tpu.memory_space<hbm>>
      %dma_wait3A_144 = arith.constant 0 : i32
      %dma_wait3A_145 = tpu.memref_slice %arg6[%mul3A_2, %dma_wait3A_144] : memref<32768x32xf32, #tpu.memory_space<hbm>> -> memref<1024x32xf32, #tpu.memory_space<hbm>>
      tpu.wait_dma2 semaphore(%run_scoped3A : memref<!tpu.dma_semaphore, #tpu.memory_space<semaphore_mem>>) src(%arg11 : memref<1024x32xf32, #tpu.memory_space<vmem>>) dst(%dma_wait3A_145 : memref<1024x32xf32, #tpu.memory_space<hbm>>)
      tpu.yield
    }) : () -> ()
    "tpu.region"() ({
      %run_scoped3A = tpu.sem_alloc : memref<!tpu.dma_semaphore, #tpu.memory_space<semaphore_mem>>
      %dma_start3A_138 = arith.constant 0 : i32
      %dma_start3A_139 = tpu.memref_slice %arg7[%add3A, %dma_start3A_138] : memref<32x16xf32, #tpu.memory_space<hbm>> -> memref<1x16xf32, #tpu.memory_space<hbm>>
      %dma_start3A_140 = tpu.memref_squeeze %dma_start3A_139 : memref<1x16xf32, #tpu.memory_space<hbm>> -> memref<16xf32, #tpu.memory_space<hbm>>
      %dma_start3A_141 = arith.constant 0 : i32
      %dma_start3A_142 = tpu.memref_slice %arg7[%add3A, %dma_start3A_141] : memref<32x16xf32, #tpu.memory_space<hbm>> -> memref<1x16xf32, #tpu.memory_space<hbm>>
      %dma_start3A_143 = tpu.memref_squeeze %dma_start3A_142 : memref<1x16xf32, #tpu.memory_space<hbm>> -> memref<16xf32, #tpu.memory_space<hbm>>
      tpu.enqueue_dma source(%arg12 : memref<16xf32, #tpu.memory_space<vmem>>) target(%dma_start3A_143 : memref<16xf32, #tpu.memory_space<hbm>>) target_semaphore(%run_scoped3A : memref<!tpu.dma_semaphore, #tpu.memory_space<semaphore_mem>>)
      %dma_wait3A_144 = arith.constant 0 : i32
      %dma_wait3A_145 = tpu.memref_slice %arg7[%add3A, %dma_wait3A_144] : memref<32x16xf32, #tpu.memory_space<hbm>> -> memref<1x16xf32, #tpu.memory_space<hbm>>
      %dma_wait3A_146 = tpu.memref_squeeze %dma_wait3A_145 : memref<1x16xf32, #tpu.memory_space<hbm>> -> memref<16xf32, #tpu.memory_space<hbm>>
      %dma_wait3A_147 = arith.constant 0 : i32
      %dma_wait3A_148 = tpu.memref_slice %arg7[%add3A, %dma_wait3A_147] : memref<32x16xf32, #tpu.memory_space<hbm>> -> memref<1x16xf32, #tpu.memory_space<hbm>>
      %dma_wait3A_149 = tpu.memref_squeeze %dma_wait3A_148 : memref<1x16xf32, #tpu.memory_space<hbm>> -> memref<16xf32, #tpu.memory_space<hbm>>
      tpu.wait_dma2 semaphore(%run_scoped3A : memref<!tpu.dma_semaphore, #tpu.memory_space<semaphore_mem>>) src(%arg12 : memref<16xf32, #tpu.memory_space<vmem>>) dst(%dma_wait3A_149 : memref<16xf32, #tpu.memory_space<hbm>>)
      tpu.yield
    }) : () -> ()
    return
  }
}

module attributes {stable_mosaic.version = 14 : i64} {
  func.func @_argmin_body(%arg0: i32, %arg1: memref<1024x32xf32, #tpu.memory_space<vmem>>, %arg2: memref<32x8192xf32, #tpu.memory_space<vmem>>, %arg3: memref<1x1x1024xi32, #tpu.memory_space<vmem>>) attributes {dimension_semantics = [#tpu.dimension_semantics<arbitrary>], iteration_bounds = array<i64: 32>, scalar_prefetch = 0 : i64, scratch_operands = 0 : i64, tpu.core_type = #tpu.core_type<tc>, window_params = [{transform_indices = @transform_0, window_bounds = array<i64: 1024, 32>}, {pipeline_mode = #tpu.pipeline_mode<synchronous>, transform_indices = @transform_1, window_bounds = array<i64: 32, 8192>}, {transform_indices = @transform_2, window_bounds = array<i64: 1, 1, 1024>}]} {
    %get3A = arith.constant 0 : index
    %get3A_0 = arith.constant 0 : index
    %get3A_1 = vector.load %arg1[%get3A, %get3A_0] : memref<1024x32xf32, #tpu.memory_space<vmem>>, vector<1024x32xf32>
    %get3A_2 = arith.constant 0 : index
    %get3A_3 = arith.constant 0 : index
    %get3A_4 = vector.load %arg2[%get3A_2, %get3A_3] : memref<32x8192xf32, #tpu.memory_space<vmem>>, vector<32x8192xf32>
    %mul3A = arith.constant 2.000000e+00 : f32
    %mul3A_5 = vector.broadcast %mul3A : f32 to vector<1024x32xf32>
    %mul3A_6 = arith.mulf %mul3A_5, %get3A_1 : vector<1024x32xf32>
    %convert_element_type3A = arith.truncf %mul3A_6 : vector<1024x32xf32> to vector<1024x32xbf16>
    %convert_element_type3A_7 = arith.truncf %get3A_4 : vector<32x8192xf32> to vector<32x8192xbf16>
    %dot_general3A = arith.constant dense<0.000000e+00> : vector<1024x8192xf32>
    %dot_general3A_8 = tpu.matmul %convert_element_type3A, %convert_element_type3A_7, %dot_general3A {dimension_numbers = #tpu.dot_dimension_numbers<[1], [0], [0], [1], [0, 0, 1, 1], [], []>, transpose_lhs_hint = false} : vector<1024x32xbf16>, vector<32x8192xbf16>, vector<1024x8192xf32> -> vector<1024x8192xf32>
    %mul3A_9 = arith.mulf %get3A_1, %get3A_1 : vector<1024x32xf32>
    %slice3A = vector.extract_strided_slice %mul3A_9 {offsets = [0, 0], sizes = [1024, 8], strides = [1, 1]} : vector<1024x32xf32> to vector<1024x8xf32>
    %slice3A_10 = vector.extract_strided_slice %mul3A_9 {offsets = [0, 8], sizes = [1024, 8], strides = [1, 1]} : vector<1024x32xf32> to vector<1024x8xf32>
    %add3A = arith.addf %slice3A, %slice3A_10 : vector<1024x8xf32>
    %slice3A_11 = vector.extract_strided_slice %mul3A_9 {offsets = [0, 16], sizes = [1024, 8], strides = [1, 1]} : vector<1024x32xf32> to vector<1024x8xf32>
    %add3A_12 = arith.addf %add3A, %slice3A_11 : vector<1024x8xf32>
    %slice3A_13 = vector.extract_strided_slice %mul3A_9 {offsets = [0, 24], sizes = [1024, 8], strides = [1, 1]} : vector<1024x32xf32> to vector<1024x8xf32>
    %add3A_14 = arith.addf %add3A_12, %slice3A_13 : vector<1024x8xf32>
    %slice3A_15 = vector.extract_strided_slice %add3A_14 {offsets = [0, 0], sizes = [1024, 4], strides = [1, 1]} : vector<1024x8xf32> to vector<1024x4xf32>
    %slice3A_16 = vector.extract_strided_slice %add3A_14 {offsets = [0, 4], sizes = [1024, 4], strides = [1, 1]} : vector<1024x8xf32> to vector<1024x4xf32>
    %add3A_17 = arith.addf %slice3A_15, %slice3A_16 : vector<1024x4xf32>
    %slice3A_18 = vector.extract_strided_slice %add3A_17 {offsets = [0, 0], sizes = [1024, 2], strides = [1, 1]} : vector<1024x4xf32> to vector<1024x2xf32>
    %slice3A_19 = vector.extract_strided_slice %add3A_17 {offsets = [0, 2], sizes = [1024, 2], strides = [1, 1]} : vector<1024x4xf32> to vector<1024x2xf32>
    %add3A_20 = arith.addf %slice3A_18, %slice3A_19 : vector<1024x2xf32>
    %slice3A_21 = vector.extract_strided_slice %add3A_20 {offsets = [0, 0], sizes = [1024, 1], strides = [1, 1]} : vector<1024x2xf32> to vector<1024x1xf32>
    %slice3A_22 = vector.extract_strided_slice %add3A_20 {offsets = [0, 1], sizes = [1024, 1], strides = [1, 1]} : vector<1024x2xf32> to vector<1024x1xf32>
    %add3A_23 = arith.addf %slice3A_21, %slice3A_22 : vector<1024x1xf32>
    %mul3A_24 = arith.mulf %get3A_4, %get3A_4 : vector<32x8192xf32>
    %slice3A_25 = vector.extract_strided_slice %mul3A_24 {offsets = [0, 0], sizes = [8, 8192], strides = [1, 1]} : vector<32x8192xf32> to vector<8x8192xf32>
    %slice3A_26 = vector.extract_strided_slice %mul3A_24 {offsets = [8, 0], sizes = [8, 8192], strides = [1, 1]} : vector<32x8192xf32> to vector<8x8192xf32>
    %add3A_27 = arith.addf %slice3A_25, %slice3A_26 : vector<8x8192xf32>
    %slice3A_28 = vector.extract_strided_slice %mul3A_24 {offsets = [16, 0], sizes = [8, 8192], strides = [1, 1]} : vector<32x8192xf32> to vector<8x8192xf32>
    %add3A_29 = arith.addf %add3A_27, %slice3A_28 : vector<8x8192xf32>
    %slice3A_30 = vector.extract_strided_slice %mul3A_24 {offsets = [24, 0], sizes = [8, 8192], strides = [1, 1]} : vector<32x8192xf32> to vector<8x8192xf32>
    %add3A_31 = arith.addf %add3A_29, %slice3A_30 : vector<8x8192xf32>
    %slice3A_32 = vector.extract_strided_slice %add3A_31 {offsets = [0, 0], sizes = [4, 8192], strides = [1, 1]} : vector<8x8192xf32> to vector<4x8192xf32>
    %slice3A_33 = vector.extract_strided_slice %add3A_31 {offsets = [4, 0], sizes = [4, 8192], strides = [1, 1]} : vector<8x8192xf32> to vector<4x8192xf32>
    %add3A_34 = arith.addf %slice3A_32, %slice3A_33 : vector<4x8192xf32>
    %slice3A_35 = vector.extract_strided_slice %add3A_34 {offsets = [0, 0], sizes = [2, 8192], strides = [1, 1]} : vector<4x8192xf32> to vector<2x8192xf32>
    %slice3A_36 = vector.extract_strided_slice %add3A_34 {offsets = [2, 0], sizes = [2, 8192], strides = [1, 1]} : vector<4x8192xf32> to vector<2x8192xf32>
    %add3A_37 = arith.addf %slice3A_35, %slice3A_36 : vector<2x8192xf32>
    %slice3A_38 = vector.extract_strided_slice %add3A_37 {offsets = [0, 0], sizes = [1, 8192], strides = [1, 1]} : vector<2x8192xf32> to vector<1x8192xf32>
    %slice3A_39 = vector.extract_strided_slice %add3A_37 {offsets = [1, 0], sizes = [1, 8192], strides = [1, 1]} : vector<2x8192xf32> to vector<1x8192xf32>
    %add3A_40 = arith.addf %slice3A_38, %slice3A_39 : vector<1x8192xf32>
    %sub3A = vector.broadcast %add3A_23 : vector<1024x1xf32> to vector<1024x8192xf32>
    %sub3A_41 = arith.subf %sub3A, %dot_general3A_8 : vector<1024x8192xf32>
    %add3A_42 = vector.broadcast %add3A_40 : vector<1x8192xf32> to vector<1024x8192xf32>
    %add3A_43 = arith.addf %sub3A_41, %add3A_42 : vector<1024x8192xf32>
    %neg3A = arith.constant 0.000000e+00 : f32
    %neg3A_44 = vector.broadcast %neg3A : f32 to vector<1024x8192xf32>
    %neg3A_45 = arith.subf %neg3A_44, %add3A_43 : vector<1024x8192xf32>
    %iota3A = tpu.iota {dimensions = array<i32: 1>} : vector<1024x4096xi32>
    %slice3A_46 = vector.extract_strided_slice %neg3A_45 {offsets = [0, 0], sizes = [1024, 4096], strides = [1, 1]} : vector<1024x8192xf32> to vector<1024x4096xf32>
    %slice3A_47 = vector.extract_strided_slice %neg3A_45 {offsets = [0, 4096], sizes = [1024, 4096], strides = [1, 1]} : vector<1024x8192xf32> to vector<1024x4096xf32>
    %reduce_max3A = arith.constant dense<0xFF800000> : vector<1024xf32>
    %reduce_max3A_48 = vector.multi_reduction <maximumf>, %slice3A_46, %reduce_max3A [1] : vector<1024x4096xf32> to vector<1024xf32>
    %broadcast_in_dim3A = vector.shape_cast %reduce_max3A_48 : vector<1024xf32> to vector<1024x1xf32>
    %reduce_max3A_49 = arith.constant dense<0xFF800000> : vector<1024xf32>
    %reduce_max3A_50 = vector.multi_reduction <maximumf>, %slice3A_47, %reduce_max3A_49 [1] : vector<1024x4096xf32> to vector<1024xf32>
    %broadcast_in_dim3A_51 = vector.shape_cast %reduce_max3A_50 : vector<1024xf32> to vector<1024x1xf32>
    %eq3A = vector.broadcast %broadcast_in_dim3A : vector<1024x1xf32> to vector<1024x4096xf32>
    %eq3A_52 = arith.cmpf oeq, %slice3A_46, %eq3A : vector<1024x4096xf32>
    %jit3A = arith.constant 8192 : i32
    %broadcast_in_dim3A_53 = vector.broadcast %jit3A : i32 to vector<1024x4096xi32>
    %select_n3A = arith.select %eq3A_52, %iota3A, %broadcast_in_dim3A_53 : vector<1024x4096xi1>, vector<1024x4096xi32>
    %reduce_min3A = arith.constant dense<2147483647> : vector<1024xi32>
    %reduce_min3A_54 = vector.multi_reduction <minsi>, %select_n3A, %reduce_min3A [1] : vector<1024x4096xi32> to vector<1024xi32>
    %eq3A_55 = vector.broadcast %broadcast_in_dim3A_51 : vector<1024x1xf32> to vector<1024x4096xf32>
    %eq3A_56 = arith.cmpf oeq, %slice3A_47, %eq3A_55 : vector<1024x4096xf32>
    %add3A_57 = arith.constant 4096 : i32
    %add3A_58 = vector.broadcast %add3A_57 : i32 to vector<1024x4096xi32>
    %add3A_59 = arith.addi %iota3A, %add3A_58 : vector<1024x4096xi32>
    %jit3A_60 = arith.constant 8192 : i32
    %broadcast_in_dim3A_61 = vector.broadcast %jit3A_60 : i32 to vector<1024x4096xi32>
    %select_n3A_62 = arith.select %eq3A_56, %add3A_59, %broadcast_in_dim3A_61 : vector<1024x4096xi1>, vector<1024x4096xi32>
    %reduce_min3A_63 = arith.constant dense<2147483647> : vector<1024xi32>
    %reduce_min3A_64 = vector.multi_reduction <minsi>, %select_n3A_62, %reduce_min3A_63 [1] : vector<1024x4096xi32> to vector<1024xi32>
    %convert_element_type3A_65 = arith.truncf %broadcast_in_dim3A : vector<1024x1xf32> to vector<1024x1xbf16>
    %convert_element_type3A_66 = arith.extf %convert_element_type3A_65 : vector<1024x1xbf16> to vector<1024x1xf32>
    %squeeze3A = vector.shape_cast %broadcast_in_dim3A_51 : vector<1024x1xf32> to vector<1024xf32>
    %squeeze3A_67 = vector.shape_cast %convert_element_type3A_66 : vector<1024x1xf32> to vector<1024xf32>
    %gt3A = arith.cmpf ogt, %squeeze3A, %squeeze3A_67 : vector<1024xf32>
    %select_n3A_68 = arith.select %gt3A, %reduce_min3A_64, %reduce_min3A_54 : vector<1024xi1>, vector<1024xi32>
    %reshape3A = vector.shape_cast %select_n3A_68 : vector<1024xi32> to vector<1x1x1024xi32>
    %swap3A = arith.constant 0 : index
    %swap3A_69 = arith.constant 0 : index
    %swap3A_70 = arith.constant 0 : index
    %swap3A_71 = vector.load %arg3[%swap3A, %swap3A_69, %swap3A_70] : memref<1x1x1024xi32, #tpu.memory_space<vmem>>, vector<1x1x1024xi32>
    tpu.vector_store %arg3[%swap3A, %swap3A_69, %swap3A_70], %reshape3A {strides = array<i32>} : memref<1x1x1024xi32, #tpu.memory_space<vmem>>, vector<1x1x1024xi32>,
    return
  }
  func.func @transform_0(%arg0: i32) -> (i32, i32) {
    %c0_i32 = arith.constant 0 : i32
    %c0_i32_0 = arith.constant 0 : i32
    return %arg0, %c0_i32 : i32, i32
  }
  func.func @transform_1(%arg0: i32) -> (i32, i32) {
    %c0_i32 = arith.constant 0 : i32
    %c0_i32_0 = arith.constant 0 : i32
    %c0_i32_1 = arith.constant 0 : i32
    return %c0_i32, %c0_i32_0 : i32, i32
  }
  func.func @transform_2(%arg0: i32) -> (i32, i32, i32) {
    %c0_i32 = arith.constant 0 : i32
    %c0_i32_0 = arith.constant 0 : i32
    %c0_i32_1 = arith.constant 0 : i32
    return %arg0, %c0_i32, %c0_i32_0 : i32, i32, i32
  }
}

</mosaic_0001>

<sc_bundles>
// kernel: _rvq.10.cloned.1.call-start
scs
__scs_entry_jumppad:
0x0: {  	(pc) =	sbr.rel $0x88, $3  }
0x1: {  	(tag) =	ssettag $0x0;
	lr =	simm.s32 $0x1  }
0x2: {  	[smem:$0x3F9F] =	sst lr;
	_ =	strace $0xD0000000  }
0x3: {  	_ = 	snop  }
0x4: {  	_ = 	snop  }
0x5: {  	_ = 	snop  }
0x6: {  	_ = 	snop  }
0x7: {  	_ = 	snop  }
__scs_overlays_trampoline_lowered:
0x8: {  	[smem:$0x3FAE] =	sst s0  }
0x9: {  	[smem:$0x3FAF] =	sst s1  }
0xa: {  	[smem:$0x3FB0] =	sst s2  }
0xb: {  	[smem:$0x3FB1] =	sst s3  }
0xc: {  	[smem:$0x3FB2] =	sst s4  }
0xd: {  	[smem:$0x3FB3] =	sst s5  }
0xe: {  	[smem:$0x3FB4] =	sst s6  }
0xf: {  	[smem:$0x3FB5] =	sst s7  }
0x10: {  	[smem:$0x3FB6] =	sst s8  }
0x11: {  	[smem:$0x3FB7] =	sst s9;
	s0 =	simm.s32 @!p0 $0x0  }
0x12: {  	s1 =	sld [smem:$0x3F9D];
	s0 =	simm.s32 @p0 $0x1  }
0x13: {  	[smem:$0x3FB8] =	sst s0;
	s0 =	simm.s32 @!p1 $0x0  }
0x14: {  	s2 =	sld [smem:$0x3F9C];
	s0 =	simm.s32 @p1 $0x1  }
0x15: {  	[smem:$0x3FB9] =	sst s0;
	s0 =	simm.s32 @!p2 $0x0  }
0x16: {  	s3 =	sld [smem:$0x3FDB];
	s0 =	simm.s32 @p2 $0x1  }
0x17: {  	s4 =	simm.s32 $0x1BF5;
	[smem:$0x3FBB] =	sst s0  }
0x18: {  	s0 =	sld [smem:$0x3F9E];
	_ =	swait.ge [sflag:s4], $0x0  }
0x19: {  	s7 =	sld [smem:$0x3F9F]  }
0x1a: {  	s8 =	sadd.s32 $0xFFFFE003, lr  }
0x1b: {  	s9 =	sadd.s32 $0xFFFFFEF7, lr;
	s5 =	simm.s32 $0xFFFFFFFF;
	p2 =	slt.u32 s8, $0xFFFFF086  }
0x1c: {  	p1 =	slt.u32 s9, $0xF7A;
	s5 =	simm.s32 @!p2 $0x0  }
0x1d: {  	s5 =	simm.s32 @p1 $0x1;
	p0 =	seq.s32 s7, s2  }
0x1e: {  	s7 =	smul.u32 @!p0 $0xF7A, s2;
	p2 =	seq.s32 @!p0 s5, $0x0  }
0x1f: {  	s9 =	smul.u32 $0xF7A, s1;
	s8 =	simm.s32 @!p0 $0x1BF5;
	p2 =	por !p2, p0  }
0x20: {  	[sflag:s8] =	ssyncset.s32 @!p0 $0xFFFFF086;
	s6 =	sadd.s32 @!p0 s3, s7;
	s7 =	simm.s32 @!p0 $0x108  }
0x21: {  	s3 =	sadd.s32 s3, s9;
	s6 =	sadd.s32 @!p0 $0x88, s6;
	s7 =	simm.s32 @p2 $0x1082  }
0x22: {  	[simem:s7], [sflag:s8] =	dma.local @!p0 [hbm:s6], $0xF7A  }
0x23: {  	s9 =	sor.u32 $0xD0000000, s2;
	s6 =	simm.s32 $0x108;
	_ =	swait.ge @!p0 [sflag:s8], $0x0  }
0x24: {  	s3 =	sadd.s32 $0x88, s3;
	s6 =	simm.s32 @!p1 $0x1082;
	[sflag:s4] =	ssyncset.s32 $0xFFFFF086  }
0x25: {  	[simem:s6], [sflag:s4] =	dma.local [hbm:s3], $0xF7A  }
0x26: {  	[smem:$0x3F9F] =	sst s1;
	(tag) =	ssettag s2;
	_ =	strace s9  }
0x27: {  	s1 =	sld [smem:$0x3FAF]  }
0x28: {  	s2 =	sld [smem:$0x3FB0]  }
0x29: {  	s4 =	sld [smem:$0x3FB2]  }
0x2a: {  	p0 =	seq.s32 s5, $0x0;
	s5 =	sld [smem:$0x3FB3]  }
0x2b: {  	s6 =	sld [smem:$0x3FB4]  }
0x2c: {  	s7 =	sld [smem:$0x3FB5]  }
0x2d: {  	s3 =	simm.s32 $0x108;
	s8 =	sld [smem:$0x3FB6]  }
0x2e: {  	s3 =	simm.s32 @!p0 $0x1082;
	s9 =	sld [smem:$0x3FB7]  }
0x2f: {  	lr =	sadd.s32 s0, s3;
	s0 =	sld [smem:$0x3FAE]  }
0x30: {  	s3 =	sld [smem:$0x3FB1]  }
0x31: {  	[smem:$0x3FBA] =	sst s10  }
0x32: {  	s10 =	sld [smem:$0x3FB8];
	_ =	sdelay $0x3  }
0x33: {  	p0 =	seq.s32 s10, $0x1;
	s10 =	sld [smem:$0x3FBA];
	_ =	sdelay $0x3  }
0x34: {  	[smem:$0x3FBA] =	sst s10  }
0x35: {  	s10 =	sld [smem:$0x3FB9];
	_ =	sdelay $0x3  }
0x36: {  	p1 =	seq.s32 s10, $0x1;
	s10 =	sld [smem:$0x3FBA];
	_ =	sdelay $0x3  }
0x37: {  	[smem:$0x3FBA] =	sst s10  }
0x38: {  	s10 =	sld [smem:$0x3FBB]  }
0x39: {  	_ = 	snop;
	(pc) =	sbr.ind lr, $3  }
0x3a: {  	_ = 	snop  }
0x3b: {  	_ = 	snop  }
0x3c: {  	p2 =	seq.s32 s10, $0x1;
	s10 =	sld [smem:$0x3FBA]  }
0x3d: {  	_ =	shalt  }
0x3e: {  	_ =	shalt  }
0x3f: {  	_ =	shalt  }
0x40: {  	_ =	shalt  }
0x41: {  	_ =	shalt  }
0x42: {  	_ =	shalt  }
0x43: {  	_ =	shalt  }
0x44: {  	_ =	shalt  }
0x45: {  	_ =	shalt  }
0x46: {  	_ =	shalt  }
0x47: {  	_ =	shalt  }
0x48: {  	_ =	shalt  }
0x49: {  	_ =	shalt  }
0x4a: {  	_ =	shalt  }
0x4b: {  	_ =	shalt  }
0x4c: {  	_ =	shalt  }
0x4d: {  	_ =	shalt  }
0x4e: {  	_ =	shalt  }
0x4f: {  	_ =	shalt  }
0x50: {  	_ =	shalt  }
0x51: {  	_ =	shalt  }
0x52: {  	_ =	shalt  }
0x53: {  	_ =	shalt  }
0x54: {  	_ =	shalt  }
0x55: {  	_ =	shalt  }
0x56: {  	_ =	shalt  }
0x57: {  	_ =	shalt  }
0x58: {  	_ =	shalt  }
0x59: {  	_ =	shalt  }
0x5a: {  	_ =	shalt  }
0x5b: {  	_ =	shalt  }
0x5c: {  	_ =	shalt  }
0x5d: {  	_ =	shalt  }
0x5e: {  	_ =	shalt  }
0x5f: {  	_ =	shalt  }
0x60: {  	_ =	shalt  }
0x61: {  	_ =	shalt  }
0x62: {  	_ =	shalt  }
0x63: {  	_ =	shalt  }
0x64: {  	_ =	shalt  }
0x65: {  	_ =	shalt  }
0x66: {  	_ =	shalt  }
0x67: {  	_ =	shalt  }
0x68: {  	_ =	shalt  }
0x69: {  	_ =	shalt  }
0x6a: {  	_ =	shalt  }
0x6b: {  	_ =	shalt  }
0x6c: {  	_ =	shalt  }
0x6d: {  	_ =	shalt  }
0x6e: {  	_ =	shalt  }
0x6f: {  	_ =	shalt  }
0x70: {  	_ =	shalt  }
0x71: {  	_ =	shalt  }
0x72: {  	_ =	shalt  }
0x73: {  	_ =	shalt  }
0x74: {  	_ =	shalt  }
0x75: {  	_ =	shalt  }
0x76: {  	_ =	shalt  }
0x77: {  	_ =	shalt  }
0x78: {  	_ =	shalt  }
0x79: {  	_ =	shalt  }
0x7a: {  	_ =	shalt  }
0x7b: {  	_ =	shalt  }
0x7c: {  	_ =	shalt  }
0x7d: {  	_ =	shalt  }
0x7e: {  	_ =	shalt  }
0x7f: {  	_ =	shalt  }
0x80: {  	_ =	shalt  }
0x81: {  	_ =	shalt  }
0x82: {  	_ =	shalt  }
0x83: {  	_ =	shalt  }
0x84: {  	_ =	shalt  }
0x85: {  	_ =	shalt  }
0x86: {  	_ =	shalt  }
0x87: {  	_ =	shalt  }
.Lfunc_end0:
.L_simem_size_0:
called_computation_lowered:
.L_overlay_start_0:
0x88: {  	s2 =	sld [smem:$0x3FD9]  }
0x89: {  	s3 =	sld [smem:$0x3FFE];
	_ =	sdelay $0x1  }
0x8a: {  	s1 =	srdreg.scid  }
0x8b: {  	s0 =	sand.u32 $0x1, s1  }
0x8c: {  	s14 =	sshll.u32 s0, $0xA;
	s2 =	sadd.s32 s3, s2  }
0x8d: {  	s2 =	sadd.s32 s2, s14  }
0x8e: {  	[smem:$0x3FC6] =	sst s2  }
0x8f: {  	_ = 	snop  }
0x90: {  	s2 =	sld [smem:$0x3FD0];
	_ =	sdelay $0x2  }
0x91: {  	s15 =	simm.s32 $0xA;
	s4 =	simm.s32 $0x10  }
0x92: {  	[smem:s4], [sflag:s15] =	dma.local [hbm:s2], $0x1  }
0x93: {  	_ =	swait.eq [sflag:s15], $0x1  }
0x94: {  	[sflag:s15] =	ssyncset.done $0x0  }
0x95: {  	s16 =	sld [smem:$0x10];
	[sflag:s15] =	ssyncadd.s32 $0xFFFFFFFF  }
0x96: {  	s17 =	sld [smem:$0x11];
	(tm) =	ssettm $0x1  }
0x97: {  	s18 =	sld [smem:$0x3FFB];
	_ =	sdelay $0x3  }
0x98: {  	_ =	strace s18  }
0x99: {  	s4 =	sld [smem:$0x3FFC];
	_ =	sdelay $0x3  }
0x9a: {  	_ =	strace s4  }
0x9b: {  	s4 =	sld [smem:$0x3FFD];
	_ =	sdelay $0x3  }
0x9c: {  	_ =	strace s4  }
0x9d: {  	_ =	strace $0x8FFFFFFF  }
0x9e: {  	s19 =	sld [smem:$0x3FDB];
	_ =	sdelay $0x1  }
0x9f: {  	s5 =	simm.s32 $_scs_section_size  }
0xa0: {  	s6 =	simm.s32 $_size__tile_overlayer_lowered;
	s7 =	simm.s32 $_tile_overlayer_lowered  }
0xa1: {  	s22 =	simm.s32 $0x1BFF;
	s21 =	sshll.u32 s7, $0x1;
	s4 =	sadd.s32 s5, s19  }
0xa2: {  	s8 =	simm.s32 $0x0;
	s20 =	sshll.u32 s6, $0x1;
	s6 =	sadd.s32 s21, s4  }
0xa3: {  	[timem:s8], [sflag:s22] =	dma.local [hbm:s6], s20  }
0xa4: {  	_ =	swait.ge [sflag:s22], s20  }
0xa5: {  	s5 =	ssub.s32 $0x0, s20;
	[sflag:s22] =	ssyncset.done $0x0  }
0xa6: {  	[sflag:s22] =	ssyncadd.s32 s5;
	_ =	sdelay $0x1  }
0xa7: {  	s23 =	simm.s32 $0x1B8B  }
0xa8: {  	_ =	swait.ge [sflag:s23], $0x1  }
0xa9: {  	[sflag:s23] =	ssyncset.done $0x0  }
0xaa: {  	s25 =	simm.s32 $0x1B8E;
	s24 =	sld [smem:$0x3FFE];
	[sflag:s23] =	ssyncadd.s32 $0xFFFFFFFF  }
0xab: {  	s26 =	simm.s32 $execute0_lowered;
	[smem:$0x3FD2] =	sst s25  }
0xac: {  	s6 =	sshll.u32 s26, $0x1;
	_ =	strace $0x80000046;
	[dreg:$0x1] =	wrdreg $0xFFFFFFFF  }
0xad: {  	s28 =	simm.s32 $_size_execute0_lowered;
	s4 =	sadd.s32 s4, s6;
	[dreg:$0x0] =	wrdreg $0x0  }
0xae: {  	s6 =	sshll.u32 s28, $0x1;
	[dreg:$0x2] =	wrdreg s4  }
0xaf: {  	[dreg:$0x3] =	wrdreg s6  }
0xb0: {  	[dreg:$0x4] =	wrdreg $0xC0  }
0xb1: {  	_ =	task [dreg:s8], $0x5FFFF  }
0xb2: {  	[dreg:$0x1] =	wrdreg $0xFFFFFFFF  }
0xb3: {  	[dreg:$0x0] =	wrdreg $0x60  }
0xb4: {  	[dreg:$0x2] =	wrdreg s24  }
0xb5: {  	[dreg:$0x3] =	wrdreg s17  }
0xb6: {  	[dreg:$0x4] =	wrdreg s16  }
0xb7: {  	[dreg:$0x5] =	wrdreg $0x9  }
0xb8: {  	_ =	task.clear_ibuf [dreg:s8], $0x6FFFF;
	_ =	strace $0x90000046  }
0xb9: {  	s29 =	simm.s32 $0x9;
	_ =	strace $0x80000048  }
0xba: {  	_ =	swait.ge [sflag:s29], $0x1  }
0xbb: {  	[sflag:s29] =	ssyncadd.s32 $0xFFFFFFFF  }
0xbc: {  	_ =	strace $0x90000048  }
0xbd: {  	_ =	sfence  }
0xbe: {  	s30 =	sld [smem:$0x0];
	_ =	sdelay $0x2  }
0xbf: {  	s31 =	sshll.u32 s1, $0xD;
	s1 =	sshrl.u32 s1, $0x2  }
0xc0: {  	s3 =	sand.u32 $0x4000, s31;
	s1 =	sadd.s32 s1, s30  }
0xc1: {  	s0 =	sor.u32 s3, s0;
	s1 =	sshll.u32 s1, $0x11  }
0xc2: {  	s0 =	sor.u32 s1, s0  }
0xc3: {  	s0 =	sadd.s32 $0x8F2B, s0  }
0xc4: {  	[sflag:s0] =	ssyncadd.remote.s32 $0x1  }
0xc5: {  	_ =	sfence.sel $0xFFFF  }
0xc6: {  	[dreg:$0x0] =	wrdreg $0xFFFFFFFF;
	(pc) =	sbr.abs _section_cstart, $3  }
0xc7: {  	[dreg:$0x1] =	wrdreg $0xFFFFFFFF  }
0xc8: {  	_ =	task.clear_ibuf [dreg:s8], $0x2FFFF;
	_ =	strace $0x9FFFFFFF  }
0xc9: {  	(tm) =	ssettm $0x7FFFFFFF  }
tec
execute0_lowered:
.L_overlay_start_1:
0x0: {  	(tag) =	ssettag $0x1  }
0x1: {  	s0 =	rddreg [dreg:$0x0]  }
0x2: {  	s4 =	rddreg [dreg:$0x1]  }
0x3: {  	s5 =	rddreg [dreg:$0x2]  }
0x4: {  	s3 =	srdreg.scid;
	s1 =	stileid.u32;
	s2 =	simm.s32 $0x0  }
0x5: {  	s12 =	simm.s32 $0x1400;
	s13 =	simm.s32 $0x100;
	s14 =	simm.s32 $0x2400  }
0x6: {  	s15 =	simm.s32 $0x180;
	s16 =	simm.s32 $0x3400;
	s17 =	simm.s32 $0x200  }
0x7: {  	s18 =	simm.s32 $0x4400;
	s19 =	simm.s32 $0x280;
	s20 =	simm.s32 $0x5400  }
0x8: {  	s21 =	simm.s32 $0x300;
	s22 =	simm.s32 $0x6400;
	s23 =	simm.s32 $0x380  }
0x9: {  	s24 =	simm.s32 $0x7400;
	s25 =	simm.s32 $0x8400;
	s26 =	simm.s32 $0x1  }
0xa: {  	s28 =	simm.s32 $0x10400;
	s29 =	simm.s32 $0x0;
	s6 =	sand.u32 $0x1, s3  }
0xb: {  	s30 =	sshll.u32 s1, $0x1;
	[smem:$0x7FF] =	sst s2;
	s3 =	sadd.s32 $0x2C00, s0  }
0xc: {  	s7 =	sor.u32 s6, s30;
	_ =	strace $0x80000047;
	s6 =	ssub.s32 $0x2, s6  }
0xd: {  	s8 =	sshll.u32 s7, $0xC;
	s10 =	sshll.u32 s7, $0x1;
	s11 =	sshrl.u32 s6, $0x1  }
0xe: {  	s7 =	sshll.u32 s7, $0x7;
	s9 =	sadd.s32 s8, s0;
	s0 =	sadd.s32 s10, s0  }
0xf: {  	s31 =	ssub.s32 s6, s11;
	s4 =	sadd.s32 s4, s7;
	s5 =	sadd.s32 s5, s8  }
0x10: {  	s10 =	simm.s32 $0x80;
	s11 =	simm.s32 $0x400;
	s6 =	sadd.s32 $0xAC00, s9  }
0x11: {  	s7 =	sadd.s32 $0x2AC00, s0;
	s8 =	smax.u32 s31, $0x1;
	s9 =	simm.s32 $0x2  }
.LBB2_1:
0x12: {  	[tilespmem:s2], [sflag:$0x2] =	stream.linear.gather [hbm4b:s4+s2], $0x400, $0x38;
	[tilespmem:$0x10410] =	vst v63  }
0x13: {  	_ =	swait.ge [sflag:s9], $0x400  }
0x14: {  	[sflag:s9] =	ssyncset.done $0x0  }
0x15: {  	[sflag:s9] =	ssyncadd.s32 $0xFFFFFC00  }
0x16: {  	[tilespmem:s11], [sflag:$0x1] =	stream.indirect.gather [hbm4b:s3+s10], $0x20, s2, s10, $0xb8;
	[tilespmem:$0x10410] =	vst v63  }
0x17: {  	_ = 	snop  }
0x18: {  	[tilespmem:s12], [sflag:$0x1] =	stream.indirect.gather [hbm4b:s3+s10], $0x20, s10, s10, $0xb8;
	[tilespmem:$0x10410] =	vst v63  }
0x19: {  	_ = 	snop  }
0x1a: {  	[tilespmem:s14], [sflag:$0x1] =	stream.indirect.gather [hbm4b:s3+s10], $0x20, s13, s10, $0xb8;
	[tilespmem:$0x10410] =	vst v63  }
0x1b: {  	_ = 	snop  }
0x1c: {  	[tilespmem:s16], [sflag:$0x1] =	stream.indirect.gather [hbm4b:s3+s10], $0x20, s15, s10, $0xb8;
	[tilespmem:$0x10410] =	vst v63  }
0x1d: {  	_ = 	snop  }
0x1e: {  	[tilespmem:s18], [sflag:$0x1] =	stream.indirect.gather [hbm4b:s3+s10], $0x20, s17, s10, $0xb8;
	[tilespmem:$0x10410] =	vst v63  }
0x1f: {  	_ = 	snop  }
0x20: {  	[tilespmem:s20], [sflag:$0x1] =	stream.indirect.gather [hbm4b:s3+s10], $0x20, s19, s10, $0xb8;
	[tilespmem:$0x10410] =	vst v63  }
0x21: {  	_ = 	snop  }
0x22: {  	[tilespmem:s22], [sflag:$0x1] =	stream.indirect.gather [hbm4b:s3+s10], $0x20, s21, s10, $0xb8;
	[tilespmem:$0x10410] =	vst v63  }
0x23: {  	_ = 	snop  }
0x24: {  	[tilespmem:s24], [sflag:$0x1] =	stream.indirect.gather [hbm4b:s3+s10], $0x20, s23, s10, $0xb8;
	[tilespmem:$0x10410] =	vst v63  }
0x25: {  	_ = 	snop  }
0x26: {  	[tilespmem:s25], [sflag:$0x2] =	stream.linear.gather [hbm4b:s5+s2], $0x8000, $0x38;
	[tilespmem:$0x10410] =	vst v63  }
0x27: {  	_ =	swait.ge [sflag:s9], $0x8000  }
0x28: {  	[sflag:s9] =	ssyncset.done $0x0  }
0x29: {  	[sflag:s9] =	ssyncadd.s32 $0xFFFF8000  }
0x2a: {  	_ =	swait.ge [sflag:s26], $0x1000  }
0x2b: {  	[sflag:s26] =	ssyncset.done $0x0  }
0x2c: {  	[sflag:s26] =	ssyncadd.s32 $0xFFFFF000  }
0x2d: {  	_ =	swait.ge [sflag:s26], $0x1000  }
0x2e: {  	[sflag:s26] =	ssyncset.done $0x0  }
0x2f: {  	[sflag:s26] =	ssyncadd.s32 $0xFFFFF000  }
0x30: {  	_ =	swait.ge [sflag:s26], $0x1000  }
0x31: {  	[sflag:s26] =	ssyncset.done $0x0  }
0x32: {  	[sflag:s26] =	ssyncadd.s32 $0xFFFFF000  }
0x33: {  	_ =	swait.ge [sflag:s26], $0x1000  }
0x34: {  	[sflag:s26] =	ssyncset.done $0x0  }
0x35: {  	[sflag:s26] =	ssyncadd.s32 $0xFFFFF000  }
0x36: {  	_ =	swait.ge [sflag:s26], $0x1000  }
0x37: {  	[sflag:s26] =	ssyncset.done $0x0  }
0x38: {  	[sflag:s26] =	ssyncadd.s32 $0xFFFFF000  }
0x39: {  	_ =	swait.ge [sflag:s26], $0x1000  }
0x3a: {  	[sflag:s26] =	ssyncset.done $0x0  }
0x3b: {  	[sflag:s26] =	ssyncadd.s32 $0xFFFFF000  }
0x3c: {  	_ =	swait.ge [sflag:s26], $0x1000  }
0x3d: {  	[sflag:s26] =	ssyncset.done $0x0  }
0x3e: {  	[sflag:s26] =	ssyncadd.s32 $0xFFFFF000  }
0x3f: {  	_ =	swait.ge [sflag:s26], $0x1000  }
0x40: {  	[sflag:s26] =	ssyncset.done $0x0  }
0x41: {  	s30 =	simm.s32 $0x0;
	[sflag:s26] =	ssyncadd.s32 $0xFFFFF000  }
0x42: {  	v0 =	vld [tilespmem:s30+$0x410]  }
0x43: {  	v3 =	vld [tilespmem:s30+$0x400]  }
0x44: {  	v2 =	vld [tilespmem:s30+$0x8400]  }
0x45: {  	v1 =	vld [tilespmem:s30+$0x8410];
	_ =	sdelay $0x3  }
0x46: {  	v3 =	vsub.f32 v3, v2  }
0x47: {  	v5 =	vsub.f32 v0, v1  }
0x48: {  	v4 =	vadd.f32 v3, v2  }
0x49: {  	s31 =	simm.s32 $0x80;
	s0 =	simm.s32 $0x100;
	v0 =	vimm.f32 $0.0e+00;
	v3 =	vadd.f32 v5, v1  }
.LBB2_2:
0x4a: {  	p0 =	sne.s32 s0, $0x1FF80;
	s1 =	sshra.s32 s31, $0x2;
	v5 =	vsub.f32 v2, v4;
	v2 =	vsub.f32 v4, v2;
	s31 =	smov.u32 s0  }
0x4b: {  	v4 =	vld [tilespmem:s1+$0x410];
	v6 =	vsub.f32 v1, v3;
	v1 =	vsub.f32 v3, v1  }
0x4c: {  	v3 =	vld [tilespmem:s1+$0x400];
	[tilespmem:s30+$0x8400] =	vst v5;
	v5 =	vmul.f32 v2, v2  }
0x4d: {  	v2 =	vld [tilespmem:s1+$0x8400];
	[tilespmem:s30+$0x8410] =	vst v6;
	v6 =	vmul.f32 v1, v1;
	s30 =	smov.u32 s1  }
0x4e: {  	v1 =	vld [tilespmem:s30+$0x8410];
	v0 =	vadd.f32 v5, v0;
	_ =	sdelay $0x1  }
0x4f: {  	v0 =	vadd.f32 v6, v0  }
.Ltmp0:
0x50: {  	(pc) =	sbr.rel @p0 .LBB2_2-.Ltmp0, $4  }
0x51: {  	v3 =	vsub.f32 v3, v2  }
0x52: {  	v5 =	vsub.f32 v4, v1  }
0x53: {  	v4 =	vadd.f32 v3, v2  }
0x54: {  	s0 =	sadd.s32 $0x80, s0;
	v3 =	vadd.f32 v5, v1  }
0x55: {  	s0 =	sshra.s32 s31, $0x2;
	v5 =	vsub.f32 v2, v4  }
0x56: {  	v6 =	vld [tilespmem:s0+$0x410]  }
0x57: {  	v7 =	vld [tilespmem:s0+$0x400];
	v8 =	vsub.f32 v1, v3;
	[tilespmem:s30+$0x8400] =	vst v5  }
0x58: {  	v5 =	vld [tilespmem:s0+$0x8400]  }
0x59: {  	[tilespmem:s30+$0x8410] =	vst v8  }
0x5a: {  	v8 =	vld [tilespmem:s0+$0x8410];
	_ =	sdelay $0x1  }
0x5b: {  	v57 =	vsub.f32 v4, v2  }
0x5c: {  	v58 =	vsub.f32 v7, v5  }
0x5d: {  	v59 =	vsub.f32 v3, v1;
	v2 =	vmul.f32 v57, v57  }
0x5e: {  	v60 =	vsub.f32 v6, v8;
	v4 =	vadd.f32 v58, v5  }
0x5f: {  	v0 =	vadd.f32 v2, v0  }
0x60: {  	v1 =	vmul.f32 v59, v59;
	v61 =	vadd.f32 v60, v8;
	v62 =	vsub.f32 v4, v5;
	_ =	sdelay $0x1  }
0x61: {  	v0 =	vadd.f32 v1, v0;
	v63 =	vsub.f32 v61, v8;
	v3 =	vmul.f32 v62, v62;
	_ =	sdelay $0x1  }
0x62: {  	v4 =	vsub.f32 v5, v4;
	v1 =	vmul.f32 v63, v63;
	v0 =	vadd.f32 v3, v0  }
0x63: {  	v2 =	vsub.f32 v8, v61  }
0x64: {  	[tilespmem:s0+$0x8400] =	vst v4;
	v0 =	vadd.f32 v1, v0  }
0x65: {  	[tilespmem:s0+$0x8410] =	vst v2  }
0x66: {  	[tilespmem:$0x10400] =	vst v0  }
0x67: {  	[hbm4b:s6+s2] =	stream.linear.scatter [tilespmem:s25], [sflag:$0x2], $0x8000, $0x38;
	[tilespmem:$0x10410] =	vst v63  }
0x68: {  	s29 =	sadd.s32 $0x1, s29;
	_ =	swait.ge [sflag:s9], $0x8000  }
0x69: {  	p0 =	sne.s32 s29, s8;
	[sflag:s9] =	ssyncset.done $0x0  }
.Ltmp1:
0x6a: {  	[sflag:s9] =	ssyncadd.s32 $0xFFFF8000;
	(pc) =	sbr.rel @p0 .LBB2_1-.Ltmp1, $4  }
0x6b: {  	[hbm4b:s7+s2] =	stream.linear.scatter [tilespmem:s28], [sflag:$0x2], $0x10, $0x38;
	[tilespmem:$0x10410] =	vst v63  }
0x6c: {  	_ =	swait.ge [sflag:s9], $0x10  }
0x6d: {  	[sflag:s9] =	ssyncset.done $0x0  }
0x6e: {  	[sflag:s9] =	ssyncadd.s32 $0xFFFFFFF0  }
0x6f: {  	_ =	sfence.sel $0x180000  }
0x70: {  	[bflag:$0x0] =	sbarrier.arrive $0xFFFF  }
0x71: {  	_ =	strace $0x90000047  }
0x72: {  	s0 =	stileid.u32;
	[bflag:$0x2] =	sbarrier.arrive $0xFFFF  }
0x73: {  	p0 =	sne.s32 s0, $0x0;
	s0 =	rddreg [dreg:$0x3]  }
0x74: {  	s0 =	sadd.s32 @!p0 $0x100000, s0  }
0x75: {  	[sflag:s0] =	ssyncadd.tile.s32 @!p0 $0x1;
	_ =	shalt  }
.Lfunc_end2:
_tile_overlayer_lowered:
.L_overlay_start_2:
0x76: {  	(tag) =	ssettag $0x2  }
0x77: {  	s0 =	rddreg [dreg:$0x0];
	s2 =	stileid.u32  }
0x78: {  	s1 =	rddreg [dreg:$0x1];
	p0 =	sne.s32 s2, $0x0  }
0x79: {  	s3 =	rddreg [dreg:$0x2];
	[bflag:$0x3] =	sbarrier.arrive $0xFFFF;
	s2 =	simm.s32 @!p0 $0x1C02  }
0x7a: {  	[timem:s3], [sflag:s2] =	dma.local @!p0 [hbm:s0], s1  }
0x7b: {  	s0 =	simm.s32 @!p0 $0x2  }
0x7c: {  	_ =	swait.ge @!p0 [sflag:s0], s1  }
0x7d: {  	s1 =	ssub.s32 @!p0 $0x0, s1;
	[sflag:s0] =	ssyncset.done @!p0 $0x0  }
0x7e: {  	[sflag:s0] =	ssyncadd.s32 @!p0 s1  }
0x7f: {  	[bflag:$0x3] =	sbarrier.arrive $0xFFFF  }
0x80: {  	_ =	shalt  }

// kernel: _rvq.13.cloned.1.call-start
scs
__scs_entry_jumppad:
0x0: {  	(pc) =	sbr.rel $0x88, $3  }
0x1: {  	(tag) =	ssettag $0x0;
	lr =	simm.s32 $0x1  }
0x2: {  	[smem:$0x3F9F] =	sst lr;
	_ =	strace $0xD0000000  }
0x3: {  	_ = 	snop  }
0x4: {  	_ = 	snop  }
0x5: {  	_ = 	snop  }
0x6: {  	_ = 	snop  }
0x7: {  	_ = 	snop  }
__scs_overlays_trampoline_lowered:
0x8: {  	[smem:$0x3FAE] =	sst s0  }
0x9: {  	[smem:$0x3FAF] =	sst s1  }
0xa: {  	[smem:$0x3FB0] =	sst s2  }
0xb: {  	[smem:$0x3FB1] =	sst s3  }
0xc: {  	[smem:$0x3FB2] =	sst s4  }
0xd: {  	[smem:$0x3FB3] =	sst s5  }
0xe: {  	[smem:$0x3FB4] =	sst s6  }
0xf: {  	[smem:$0x3FB5] =	sst s7  }
0x10: {  	[smem:$0x3FB6] =	sst s8  }
0x11: {  	[smem:$0x3FB7] =	sst s9;
	s0 =	simm.s32 @!p0 $0x0  }
0x12: {  	s1 =	sld [smem:$0x3F9D];
	s0 =	simm.s32 @p0 $0x1  }
0x13: {  	[smem:$0x3FB8] =	sst s0;
	s0 =	simm.s32 @!p1 $0x0  }
0x14: {  	s2 =	sld [smem:$0x3F9C];
	s0 =	simm.s32 @p1 $0x1  }
0x15: {  	[smem:$0x3FB9] =	sst s0;
	s0 =	simm.s32 @!p2 $0x0  }
0x16: {  	s3 =	sld [smem:$0x3FDB];
	s0 =	simm.s32 @p2 $0x1  }
0x17: {  	s4 =	simm.s32 $0x1BF5;
	[smem:$0x3FBB] =	sst s0  }
0x18: {  	s0 =	sld [smem:$0x3F9E];
	_ =	swait.ge [sflag:s4], $0x0  }
0x19: {  	s7 =	sld [smem:$0x3F9F]  }
0x1a: {  	s8 =	sadd.s32 $0xFFFFE003, lr  }
0x1b: {  	s9 =	sadd.s32 $0xFFFFFEF7, lr;
	s5 =	simm.s32 $0xFFFFFFFF;
	p2 =	slt.u32 s8, $0xFFFFF086  }
0x1c: {  	p1 =	slt.u32 s9, $0xF7A;
	s5 =	simm.s32 @!p2 $0x0  }
0x1d: {  	s5 =	simm.s32 @p1 $0x1;
	p0 =	seq.s32 s7, s2  }
0x1e: {  	s7 =	smul.u32 @!p0 $0xF7A, s2;
	p2 =	seq.s32 @!p0 s5, $0x0  }
0x1f: {  	s9 =	smul.u32 $0xF7A, s1;
	s8 =	simm.s32 @!p0 $0x1BF5;
	p2 =	por !p2, p0  }
0x20: {  	[sflag:s8] =	ssyncset.s32 @!p0 $0xFFFFF086;
	s6 =	sadd.s32 @!p0 s3, s7;
	s7 =	simm.s32 @!p0 $0x108  }
0x21: {  	s3 =	sadd.s32 s3, s9;
	s6 =	sadd.s32 @!p0 $0x88, s6;
	s7 =	simm.s32 @p2 $0x1082  }
0x22: {  	[simem:s7], [sflag:s8] =	dma.local @!p0 [hbm:s6], $0xF7A  }
0x23: {  	s9 =	sor.u32 $0xD0000000, s2;
	s6 =	simm.s32 $0x108;
	_ =	swait.ge @!p0 [sflag:s8], $0x0  }
0x24: {  	s3 =	sadd.s32 $0x88, s3;
	s6 =	simm.s32 @!p1 $0x1082;
	[sflag:s4] =	ssyncset.s32 $0xFFFFF086  }
0x25: {  	[simem:s6], [sflag:s4] =	dma.local [hbm:s3], $0xF7A  }
0x26: {  	[smem:$0x3F9F] =	sst s1;
	(tag) =	ssettag s2;
	_ =	strace s9  }
0x27: {  	s1 =	sld [smem:$0x3FAF]  }
0x28: {  	s2 =	sld [smem:$0x3FB0]  }
0x29: {  	s4 =	sld [smem:$0x3FB2]  }
0x2a: {  	p0 =	seq.s32 s5, $0x0;
	s5 =	sld [smem:$0x3FB3]  }
0x2b: {  	s6 =	sld [smem:$0x3FB4]  }
0x2c: {  	s7 =	sld [smem:$0x3FB5]  }
0x2d: {  	s3 =	simm.s32 $0x108;
	s8 =	sld [smem:$0x3FB6]  }
0x2e: {  	s3 =	simm.s32 @!p0 $0x1082;
	s9 =	sld [smem:$0x3FB7]  }
0x2f: {  	lr =	sadd.s32 s0, s3;
	s0 =	sld [smem:$0x3FAE]  }
0x30: {  	s3 =	sld [smem:$0x3FB1]  }
0x31: {  	[smem:$0x3FBA] =	sst s10  }
0x32: {  	s10 =	sld [smem:$0x3FB8];
	_ =	sdelay $0x3  }
0x33: {  	p0 =	seq.s32 s10, $0x1;
	s10 =	sld [smem:$0x3FBA];
	_ =	sdelay $0x3  }
0x34: {  	[smem:$0x3FBA] =	sst s10  }
0x35: {  	s10 =	sld [smem:$0x3FB9];
	_ =	sdelay $0x3  }
0x36: {  	p1 =	seq.s32 s10, $0x1;
	s10 =	sld [smem:$0x3FBA];
	_ =	sdelay $0x3  }
0x37: {  	[smem:$0x3FBA] =	sst s10  }
0x38: {  	s10 =	sld [smem:$0x3FBB]  }
0x39: {  	_ = 	snop;
	(pc) =	sbr.ind lr, $3  }
0x3a: {  	_ = 	snop  }
0x3b: {  	_ = 	snop  }
0x3c: {  	p2 =	seq.s32 s10, $0x1;
	s10 =	sld [smem:$0x3FBA]  }
0x3d: {  	_ =	shalt  }
0x3e: {  	_ =	shalt  }
0x3f: {  	_ =	shalt  }
0x40: {  	_ =	shalt  }
0x41: {  	_ =	shalt  }
0x42: {  	_ =	shalt  }
0x43: {  	_ =	shalt  }
0x44: {  	_ =	shalt  }
0x45: {  	_ =	shalt  }
0x46: {  	_ =	shalt  }
0x47: {  	_ =	shalt  }
0x48: {  	_ =	shalt  }
0x49: {  	_ =	shalt  }
0x4a: {  	_ =	shalt  }
0x4b: {  	_ =	shalt  }
0x4c: {  	_ =	shalt  }
0x4d: {  	_ =	shalt  }
0x4e: {  	_ =	shalt  }
0x4f: {  	_ =	shalt  }
0x50: {  	_ =	shalt  }
0x51: {  	_ =	shalt  }
0x52: {  	_ =	shalt  }
0x53: {  	_ =	shalt  }
0x54: {  	_ =	shalt  }
0x55: {  	_ =	shalt  }
0x56: {  	_ =	shalt  }
0x57: {  	_ =	shalt  }
0x58: {  	_ =	shalt  }
0x59: {  	_ =	shalt  }
0x5a: {  	_ =	shalt  }
0x5b: {  	_ =	shalt  }
0x5c: {  	_ =	shalt  }
0x5d: {  	_ =	shalt  }
0x5e: {  	_ =	shalt  }
0x5f: {  	_ =	shalt  }
0x60: {  	_ =	shalt  }
0x61: {  	_ =	shalt  }
0x62: {  	_ =	shalt  }
0x63: {  	_ =	shalt  }
0x64: {  	_ =	shalt  }
0x65: {  	_ =	shalt  }
0x66: {  	_ =	shalt  }
0x67: {  	_ =	shalt  }
0x68: {  	_ =	shalt  }
0x69: {  	_ =	shalt  }
0x6a: {  	_ =	shalt  }
0x6b: {  	_ =	shalt  }
0x6c: {  	_ =	shalt  }
0x6d: {  	_ =	shalt  }
0x6e: {  	_ =	shalt  }
0x6f: {  	_ =	shalt  }
0x70: {  	_ =	shalt  }
0x71: {  	_ =	shalt  }
0x72: {  	_ =	shalt  }
0x73: {  	_ =	shalt  }
0x74: {  	_ =	shalt  }
0x75: {  	_ =	shalt  }
0x76: {  	_ =	shalt  }
0x77: {  	_ =	shalt  }
0x78: {  	_ =	shalt  }
0x79: {  	_ =	shalt  }
0x7a: {  	_ =	shalt  }
0x7b: {  	_ =	shalt  }
0x7c: {  	_ =	shalt  }
0x7d: {  	_ =	shalt  }
0x7e: {  	_ =	shalt  }
0x7f: {  	_ =	shalt  }
0x80: {  	_ =	shalt  }
0x81: {  	_ =	shalt  }
0x82: {  	_ =	shalt  }
0x83: {  	_ =	shalt  }
0x84: {  	_ =	shalt  }
0x85: {  	_ =	shalt  }
0x86: {  	_ =	shalt  }
0x87: {  	_ =	shalt  }
.Lfunc_end0:
.L_simem_size_0:
called_computation.1_lowered:
.L_overlay_start_0:
0x88: {  	s2 =	sld [smem:$0x3FD9]  }
0x89: {  	s3 =	sld [smem:$0x3FFE];
	_ =	sdelay $0x1  }
0x8a: {  	s1 =	srdreg.scid  }
0x8b: {  	s0 =	sand.u32 $0x1, s1  }
0x8c: {  	s16 =	sshll.u32 s0, $0xA;
	s2 =	sadd.s32 s3, s2  }
0x8d: {  	s2 =	sadd.s32 s2, s16  }
0x8e: {  	[smem:$0x3FC6] =	sst s2  }
0x8f: {  	_ = 	snop  }
0x90: {  	(tm) =	ssettm $0x1  }
0x91: {  	s17 =	sld [smem:$0x3FFB];
	_ =	sdelay $0x3  }
0x92: {  	_ =	strace s17  }
0x93: {  	s2 =	sld [smem:$0x3FFC];
	_ =	sdelay $0x3  }
0x94: {  	_ =	strace s2  }
0x95: {  	s2 =	sld [smem:$0x3FFD];
	_ =	sdelay $0x3  }
0x96: {  	_ =	strace s2  }
0x97: {  	_ =	strace $0x8FFFFFFF  }
0x98: {  	s18 =	sld [smem:$0x3FDB];
	_ =	sdelay $0x1  }
0x99: {  	s19 =	simm.s32 $_scs_section_size  }
0x9a: {  	s4 =	simm.s32 $_size__tile_overlayer_lowered;
	s5 =	simm.s32 $_tile_overlayer_lowered  }
0x9b: {  	s22 =	simm.s32 $0x1BFF;
	s21 =	sshll.u32 s5, $0x1;
	s2 =	sadd.s32 s19, s18  }
0x9c: {  	s6 =	simm.s32 $0x0;
	s20 =	sshll.u32 s4, $0x1;
	s4 =	sadd.s32 s21, s2  }
0x9d: {  	[timem:s6], [sflag:s22] =	dma.local [hbm:s4], s20  }
0x9e: {  	_ =	swait.ge [sflag:s22], s20  }
0x9f: {  	s3 =	ssub.s32 $0x0, s20;
	[sflag:s22] =	ssyncset.done $0x0  }
0xa0: {  	[sflag:s22] =	ssyncadd.s32 s3;
	_ =	sdelay $0x1  }
0xa1: {  	s23 =	simm.s32 $0x1B8B  }
0xa2: {  	_ =	swait.ge [sflag:s23], $0x1  }
0xa3: {  	[sflag:s23] =	ssyncset.done $0x0  }
0xa4: {  	s25 =	simm.s32 $0x1B8E;
	s24 =	sld [smem:$0x3FFE];
	[sflag:s23] =	ssyncadd.s32 $0xFFFFFFFF  }
0xa5: {  	s26 =	simm.s32 $execute0_lowered;
	[smem:$0x3FD2] =	sst s25  }
0xa6: {  	s4 =	sshll.u32 s26, $0x1;
	_ =	strace $0x80000049;
	[dreg:$0x1] =	wrdreg $0xFFFFFFFF  }
0xa7: {  	s28 =	simm.s32 $_size_execute0_lowered;
	s2 =	sadd.s32 s2, s4;
	[dreg:$0x0] =	wrdreg $0x0  }
0xa8: {  	s4 =	sshll.u32 s28, $0x1;
	[dreg:$0x2] =	wrdreg s2  }
0xa9: {  	[dreg:$0x3] =	wrdreg s4  }
0xaa: {  	[dreg:$0x4] =	wrdreg $0xC0  }
0xab: {  	_ =	task [dreg:s6], $0x5FFFF  }
0xac: {  	[dreg:$0x1] =	wrdreg $0xFFFFFFFF  }
0xad: {  	[dreg:$0x0] =	wrdreg $0x60  }
0xae: {  	[dreg:$0x2] =	wrdreg s24  }
0xaf: {  	[dreg:$0x3] =	wrdreg $0x9  }
0xb0: {  	_ =	task.clear_ibuf [dreg:s6], $0x4FFFF;
	_ =	strace $0x90000049  }
0xb1: {  	s29 =	simm.s32 $0x9;
	_ =	strace $0x8000004B  }
0xb2: {  	_ =	swait.ge [sflag:s29], $0x1  }
0xb3: {  	[sflag:s29] =	ssyncadd.s32 $0xFFFFFFFF  }
0xb4: {  	_ =	strace $0x9000004B  }
0xb5: {  	_ =	sfence  }
0xb6: {  	s30 =	sld [smem:$0x0];
	_ =	sdelay $0x2  }
0xb7: {  	s31 =	sshll.u32 s1, $0xD;
	s1 =	sshrl.u32 s1, $0x2  }
0xb8: {  	s3 =	sand.u32 $0x4000, s31;
	s1 =	sadd.s32 s1, s30  }
0xb9: {  	s0 =	sor.u32 s3, s0;
	s1 =	sshll.u32 s1, $0x11  }
0xba: {  	s0 =	sor.u32 s1, s0  }
0xbb: {  	s0 =	sadd.s32 $0x8F2B, s0  }
0xbc: {  	[sflag:s0] =	ssyncadd.remote.s32 $0x1  }
0xbd: {  	_ =	sfence.sel $0xFFFF  }
0xbe: {  	[dreg:$0x0] =	wrdreg $0xFFFFFFFF;
	(pc) =	sbr.abs _section_cstart, $3  }
0xbf: {  	[dreg:$0x1] =	wrdreg $0xFFFFFFFF  }
0xc0: {  	_ =	task.clear_ibuf [dreg:s6], $0x2FFFF;
	_ =	strace $0x9FFFFFFF  }
0xc1: {  	(tm) =	ssettm $0x7FFFFFFF  }
tec
execute0_lowered:
.L_overlay_start_1:
0x0: {  	(tag) =	ssettag $0x1  }
0x1: {  	s0 =	rddreg [dreg:$0x0];
	s3 =	srdreg.scid  }
0x2: {  	s1 =	stileid.u32;
	s2 =	simm.s32 $0x0;
	s9 =	simm.s32 $0x2  }
0x3: {  	s10 =	simm.s32 $0x80;
	s11 =	simm.s32 $0x400;
	s12 =	simm.s32 $0x1400  }
0x4: {  	s13 =	simm.s32 $0x100;
	s14 =	simm.s32 $0x2400;
	s15 =	simm.s32 $0x180  }
0x5: {  	s16 =	simm.s32 $0x3400;
	s17 =	simm.s32 $0x200;
	s18 =	simm.s32 $0x4400  }
0x6: {  	s19 =	simm.s32 $0x280;
	s20 =	simm.s32 $0x5400;
	s21 =	simm.s32 $0x300  }
0x7: {  	s22 =	simm.s32 $0x6400;
	s23 =	simm.s32 $0x380;
	s24 =	simm.s32 $0x7400  }
0x8: {  	s25 =	simm.s32 $0x8400;
	s26 =	simm.s32 $0x1;
	s28 =	simm.s32 $0x10400  }
0x9: {  	s29 =	simm.s32 $0x0;
	s4 =	sand.u32 $0x1, s3;
	s31 =	sshll.u32 s1, $0x1  }
0xa: {  	[smem:$0x7FF] =	sst s2;
	s3 =	sadd.s32 $0x2AE00, s0;
	s5 =	sor.u32 s4, s31  }
0xb: {  	_ =	strace $0x8000004A;
	s4 =	ssub.s32 $0x2, s4;
	s6 =	sshll.u32 s5, $0x7  }
0xc: {  	s7 =	sshll.u32 s5, $0xC;
	s5 =	sshll.u32 s5, $0x1;
	s8 =	sshrl.u32 s4, $0x1  }
0xd: {  	s6 =	sadd.s32 s6, s0;
	s7 =	sadd.s32 s7, s0;
	s0 =	sadd.s32 s5, s0  }
0xe: {  	s8 =	ssub.s32 s4, s8;
	s4 =	sadd.s32 $0x2C00, s6;
	s5 =	sadd.s32 $0xAC00, s7  }
0xf: {  	s6 =	sadd.s32 $0x32E00, s7;
	s7 =	sadd.s32 $0x3C00, s0;
	s8 =	smax.u32 s8, $0x1  }
.LBB2_1:
0x10: {  	[tilespmem:s2], [sflag:$0x2] =	stream.linear.gather [hbm4b:s4+s2], $0x400, $0x38;
	[tilespmem:$0x10410] =	vst v63  }
0x11: {  	_ =	swait.ge [sflag:s9], $0x400  }
0x12: {  	[sflag:s9] =	ssyncset.done $0x0  }
0x13: {  	[sflag:s9] =	ssyncadd.s32 $0xFFFFFC00  }
0x14: {  	[tilespmem:s11], [sflag:$0x1] =	stream.indirect.gather [hbm4b:s3+s10], $0x20, s2, s10, $0xb8;
	[tilespmem:$0x10410] =	vst v63  }
0x15: {  	_ = 	snop  }
0x16: {  	[tilespmem:s12], [sflag:$0x1] =	stream.indirect.gather [hbm4b:s3+s10], $0x20, s10, s10, $0xb8;
	[tilespmem:$0x10410] =	vst v63  }
0x17: {  	_ = 	snop  }
0x18: {  	[tilespmem:s14], [sflag:$0x1] =	stream.indirect.gather [hbm4b:s3+s10], $0x20, s13, s10, $0xb8;
	[tilespmem:$0x10410] =	vst v63  }
0x19: {  	_ = 	snop  }
0x1a: {  	[tilespmem:s16], [sflag:$0x1] =	stream.indirect.gather [hbm4b:s3+s10], $0x20, s15, s10, $0xb8;
	[tilespmem:$0x10410] =	vst v63  }
0x1b: {  	_ = 	snop  }
0x1c: {  	[tilespmem:s18], [sflag:$0x1] =	stream.indirect.gather [hbm4b:s3+s10], $0x20, s17, s10, $0xb8;
	[tilespmem:$0x10410] =	vst v63  }
0x1d: {  	_ = 	snop  }
0x1e: {  	[tilespmem:s20], [sflag:$0x1] =	stream.indirect.gather [hbm4b:s3+s10], $0x20, s19, s10, $0xb8;
	[tilespmem:$0x10410] =	vst v63  }
0x1f: {  	_ = 	snop  }
0x20: {  	[tilespmem:s22], [sflag:$0x1] =	stream.indirect.gather [hbm4b:s3+s10], $0x20, s21, s10, $0xb8;
	[tilespmem:$0x10410] =	vst v63  }
0x21: {  	_ = 	snop  }
0x22: {  	[tilespmem:s24], [sflag:$0x1] =	stream.indirect.gather [hbm4b:s3+s10], $0x20, s23, s10, $0xb8;
	[tilespmem:$0x10410] =	vst v63  }
0x23: {  	_ = 	snop  }
0x24: {  	[tilespmem:s25], [sflag:$0x2] =	stream.linear.gather [hbm4b:s5+s2], $0x8000, $0x38;
	[tilespmem:$0x10410] =	vst v63  }
0x25: {  	_ =	swait.ge [sflag:s9], $0x8000  }
0x26: {  	[sflag:s9] =	ssyncset.done $0x0  }
0x27: {  	[sflag:s9] =	ssyncadd.s32 $0xFFFF8000  }
0x28: {  	_ =	swait.ge [sflag:s26], $0x1000  }
0x29: {  	[sflag:s26] =	ssyncset.done $0x0  }
0x2a: {  	[sflag:s26] =	ssyncadd.s32 $0xFFFFF000  }
0x2b: {  	_ =	swait.ge [sflag:s26], $0x1000  }
0x2c: {  	[sflag:s26] =	ssyncset.done $0x0  }
0x2d: {  	[sflag:s26] =	ssyncadd.s32 $0xFFFFF000  }
0x2e: {  	_ =	swait.ge [sflag:s26], $0x1000  }
0x2f: {  	[sflag:s26] =	ssyncset.done $0x0  }
0x30: {  	[sflag:s26] =	ssyncadd.s32 $0xFFFFF000  }
0x31: {  	_ =	swait.ge [sflag:s26], $0x1000  }
0x32: {  	[sflag:s26] =	ssyncset.done $0x0  }
0x33: {  	[sflag:s26] =	ssyncadd.s32 $0xFFFFF000  }
0x34: {  	_ =	swait.ge [sflag:s26], $0x1000  }
0x35: {  	[sflag:s26] =	ssyncset.done $0x0  }
0x36: {  	[sflag:s26] =	ssyncadd.s32 $0xFFFFF000  }
0x37: {  	_ =	swait.ge [sflag:s26], $0x1000  }
0x38: {  	[sflag:s26] =	ssyncset.done $0x0  }
0x39: {  	[sflag:s26] =	ssyncadd.s32 $0xFFFFF000  }
0x3a: {  	_ =	swait.ge [sflag:s26], $0x1000  }
0x3b: {  	[sflag:s26] =	ssyncset.done $0x0  }
0x3c: {  	[sflag:s26] =	ssyncadd.s32 $0xFFFFF000  }
0x3d: {  	_ =	swait.ge [sflag:s26], $0x1000  }
0x3e: {  	[sflag:s26] =	ssyncset.done $0x0  }
0x3f: {  	s30 =	simm.s32 $0x0;
	[sflag:s26] =	ssyncadd.s32 $0xFFFFF000  }
0x40: {  	v0 =	vld [tilespmem:s30+$0x410]  }
0x41: {  	v3 =	vld [tilespmem:s30+$0x400]  }
0x42: {  	v2 =	vld [tilespmem:s30+$0x8400]  }
0x43: {  	v1 =	vld [tilespmem:s30+$0x8410];
	_ =	sdelay $0x3  }
0x44: {  	v3 =	vsub.f32 v3, v2  }
0x45: {  	v5 =	vsub.f32 v0, v1  }
0x46: {  	v4 =	vadd.f32 v3, v2  }
0x47: {  	s31 =	simm.s32 $0x80;
	s0 =	simm.s32 $0x100;
	v0 =	vimm.f32 $0.0e+00;
	v3 =	vadd.f32 v5, v1  }
.LBB2_2:
0x48: {  	p0 =	sne.s32 s0, $0x1FF80;
	s1 =	sshra.s32 s31, $0x2;
	v5 =	vsub.f32 v2, v4;
	v2 =	vsub.f32 v4, v2;
	s31 =	smov.u32 s0  }
0x49: {  	v4 =	vld [tilespmem:s1+$0x410];
	v6 =	vsub.f32 v1, v3;
	v1 =	vsub.f32 v3, v1  }
0x4a: {  	v3 =	vld [tilespmem:s1+$0x400];
	[tilespmem:s30+$0x8400] =	vst v5;
	v5 =	vmul.f32 v2, v2  }
0x4b: {  	v2 =	vld [tilespmem:s1+$0x8400];
	[tilespmem:s30+$0x8410] =	vst v6;
	v6 =	vmul.f32 v1, v1;
	s30 =	smov.u32 s1  }
0x4c: {  	v1 =	vld [tilespmem:s30+$0x8410];
	v0 =	vadd.f32 v5, v0;
	_ =	sdelay $0x1  }
0x4d: {  	v0 =	vadd.f32 v6, v0  }
.Ltmp0:
0x4e: {  	(pc) =	sbr.rel @p0 .LBB2_2-.Ltmp0, $4  }
0x4f: {  	v3 =	vsub.f32 v3, v2  }
0x50: {  	v5 =	vsub.f32 v4, v1  }
0x51: {  	v4 =	vadd.f32 v3, v2  }
0x52: {  	s0 =	sadd.s32 $0x80, s0;
	v3 =	vadd.f32 v5, v1  }
0x53: {  	s0 =	sshra.s32 s31, $0x2;
	v5 =	vsub.f32 v2, v4  }
0x54: {  	v6 =	vld [tilespmem:s0+$0x410]  }
0x55: {  	v7 =	vld [tilespmem:s0+$0x400];
	v8 =	vsub.f32 v1, v3;
	[tilespmem:s30+$0x8400] =	vst v5  }
0x56: {  	v5 =	vld [tilespmem:s0+$0x8400]  }
0x57: {  	[tilespmem:s30+$0x8410] =	vst v8  }
0x58: {  	v8 =	vld [tilespmem:s0+$0x8410];
	_ =	sdelay $0x1  }
0x59: {  	v57 =	vsub.f32 v4, v2  }
0x5a: {  	v58 =	vsub.f32 v7, v5  }
0x5b: {  	v59 =	vsub.f32 v3, v1;
	v2 =	vmul.f32 v57, v57  }
0x5c: {  	v60 =	vsub.f32 v6, v8;
	v4 =	vadd.f32 v58, v5  }
0x5d: {  	v0 =	vadd.f32 v2, v0  }
0x5e: {  	v1 =	vmul.f32 v59, v59;
	v61 =	vadd.f32 v60, v8;
	v62 =	vsub.f32 v4, v5;
	_ =	sdelay $0x1  }
0x5f: {  	v0 =	vadd.f32 v1, v0;
	v63 =	vsub.f32 v61, v8;
	v3 =	vmul.f32 v62, v62;
	_ =	sdelay $0x1  }
0x60: {  	v4 =	vsub.f32 v5, v4;
	v1 =	vmul.f32 v63, v63;
	v0 =	vadd.f32 v3, v0  }
0x61: {  	v2 =	vsub.f32 v8, v61  }
0x62: {  	[tilespmem:s0+$0x8400] =	vst v4;
	v0 =	vadd.f32 v1, v0  }
0x63: {  	[tilespmem:s0+$0x8410] =	vst v2  }
0x64: {  	[tilespmem:$0x10400] =	vst v0  }
0x65: {  	[hbm4b:s6+s2] =	stream.linear.scatter [tilespmem:s25], [sflag:$0x2], $0x8000, $0x38;
	[tilespmem:$0x10410] =	vst v63  }
0x66: {  	s29 =	sadd.s32 $0x1, s29;
	_ =	swait.ge [sflag:s9], $0x8000  }
0x67: {  	p0 =	sne.s32 s29, s8;
	[sflag:s9] =	ssyncset.done $0x0  }
.Ltmp1:
0x68: {  	[sflag:s9] =	ssyncadd.s32 $0xFFFF8000;
	(pc) =	sbr.rel @p0 .LBB2_1-.Ltmp1, $4  }
0x69: {  	[hbm4b:s7+s2] =	stream.linear.scatter [tilespmem:s28], [sflag:$0x2], $0x10, $0x38;
	[tilespmem:$0x10410] =	vst v63  }
0x6a: {  	_ =	swait.ge [sflag:s9], $0x10  }
0x6b: {  	[sflag:s9] =	ssyncset.done $0x0  }
0x6c: {  	[sflag:s9] =	ssyncadd.s32 $0xFFFFFFF0  }
0x6d: {  	_ =	sfence.sel $0x180000  }
0x6e: {  	[bflag:$0x0] =	sbarrier.arrive $0xFFFF  }
0x6f: {  	_ =	strace $0x9000004A  }
0x70: {  	s0 =	stileid.u32;
	[bflag:$0x2] =	sbarrier.arrive $0xFFFF  }
0x71: {  	p0 =	sne.s32 s0, $0x0;
	s0 =	rddreg [dreg:$0x1]  }
0x72: {  	s0 =	sadd.s32 @!p0 $0x100000, s0  }
0x73: {  	[sflag:s0] =	ssyncadd.tile.s32 @!p0 $0x1;
	_ =	shalt  }
.Lfunc_end2:
_tile_overlayer_lowered:
.L_overlay_start_2:
0x74: {  	(tag) =	ssettag $0x2  }
0x75: {  	s0 =	rddreg [dreg:$0x0];
	s2 =	stileid.u32  }
0x76: {  	s1 =	rddreg [dreg:$0x1];
	p0 =	sne.s32 s2, $0x0  }
0x77: {  	s3 =	rddreg [dreg:$0x2];
	[bflag:$0x3] =	sbarrier.arrive $0xFFFF;
	s2 =	simm.s32 @!p0 $0x1C02  }
0x78: {  	[timem:s3], [sflag:s2] =	dma.local @!p0 [hbm:s0], s1  }
0x79: {  	s0 =	simm.s32 @!p0 $0x2  }
0x7a: {  	_ =	swait.ge @!p0 [sflag:s0], s1  }
0x7b: {  	s1 =	ssub.s32 @!p0 $0x0, s1;
	[sflag:s0] =	ssyncset.done @!p0 $0x0  }
0x7c: {  	[sflag:s0] =	ssyncadd.s32 @!p0 s1  }
0x7d: {  	[bflag:$0x3] =	sbarrier.arrive $0xFFFF  }
0x7e: {  	_ =	shalt  }

// kernel: _rvq.16.cloned.1.call-start
scs
__scs_entry_jumppad:
0x0: {  	(pc) =	sbr.rel $0x88, $3  }
0x1: {  	(tag) =	ssettag $0x0;
	lr =	simm.s32 $0x1  }
0x2: {  	[smem:$0x3F9F] =	sst lr;
	_ =	strace $0xD0000000  }
0x3: {  	_ = 	snop  }
0x4: {  	_ = 	snop  }
0x5: {  	_ = 	snop  }
0x6: {  	_ = 	snop  }
0x7: {  	_ = 	snop  }
__scs_overlays_trampoline_lowered:
0x8: {  	[smem:$0x3FAE] =	sst s0  }
0x9: {  	[smem:$0x3FAF] =	sst s1  }
0xa: {  	[smem:$0x3FB0] =	sst s2  }
0xb: {  	[smem:$0x3FB1] =	sst s3  }
0xc: {  	[smem:$0x3FB2] =	sst s4  }
0xd: {  	[smem:$0x3FB3] =	sst s5  }
0xe: {  	[smem:$0x3FB4] =	sst s6  }
0xf: {  	[smem:$0x3FB5] =	sst s7  }
0x10: {  	[smem:$0x3FB6] =	sst s8  }
0x11: {  	[smem:$0x3FB7] =	sst s9;
	s0 =	simm.s32 @!p0 $0x0  }
0x12: {  	s1 =	sld [smem:$0x3F9D];
	s0 =	simm.s32 @p0 $0x1  }
0x13: {  	[smem:$0x3FB8] =	sst s0;
	s0 =	simm.s32 @!p1 $0x0  }
0x14: {  	s2 =	sld [smem:$0x3F9C];
	s0 =	simm.s32 @p1 $0x1  }
0x15: {  	[smem:$0x3FB9] =	sst s0;
	s0 =	simm.s32 @!p2 $0x0  }
0x16: {  	s3 =	sld [smem:$0x3FDB];
	s0 =	simm.s32 @p2 $0x1  }
0x17: {  	s4 =	simm.s32 $0x1BF5;
	[smem:$0x3FBB] =	sst s0  }
0x18: {  	s0 =	sld [smem:$0x3F9E];
	_ =	swait.ge [sflag:s4], $0x0  }
0x19: {  	s7 =	sld [smem:$0x3F9F]  }
0x1a: {  	s8 =	sadd.s32 $0xFFFFE003, lr  }
0x1b: {  	s9 =	sadd.s32 $0xFFFFFEF7, lr;
	s5 =	simm.s32 $0xFFFFFFFF;
	p2 =	slt.u32 s8, $0xFFFFF086  }
0x1c: {  	p1 =	slt.u32 s9, $0xF7A;
	s5 =	simm.s32 @!p2 $0x0  }
0x1d: {  	s5 =	simm.s32 @p1 $0x1;
	p0 =	seq.s32 s7, s2  }
0x1e: {  	s7 =	smul.u32 @!p0 $0xF7A, s2;
	p2 =	seq.s32 @!p0 s5, $0x0  }
0x1f: {  	s9 =	smul.u32 $0xF7A, s1;
	s8 =	simm.s32 @!p0 $0x1BF5;
	p2 =	por !p2, p0  }
0x20: {  	[sflag:s8] =	ssyncset.s32 @!p0 $0xFFFFF086;
	s6 =	sadd.s32 @!p0 s3, s7;
	s7 =	simm.s32 @!p0 $0x108  }
0x21: {  	s3 =	sadd.s32 s3, s9;
	s6 =	sadd.s32 @!p0 $0x88, s6;
	s7 =	simm.s32 @p2 $0x1082  }
0x22: {  	[simem:s7], [sflag:s8] =	dma.local @!p0 [hbm:s6], $0xF7A  }
0x23: {  	s9 =	sor.u32 $0xD0000000, s2;
	s6 =	simm.s32 $0x108;
	_ =	swait.ge @!p0 [sflag:s8], $0x0  }
0x24: {  	s3 =	sadd.s32 $0x88, s3;
	s6 =	simm.s32 @!p1 $0x1082;
	[sflag:s4] =	ssyncset.s32 $0xFFFFF086  }
0x25: {  	[simem:s6], [sflag:s4] =	dma.local [hbm:s3], $0xF7A  }
0x26: {  	[smem:$0x3F9F] =	sst s1;
	(tag) =	ssettag s2;
	_ =	strace s9  }
0x27: {  	s1 =	sld [smem:$0x3FAF]  }
0x28: {  	s2 =	sld [smem:$0x3FB0]  }
0x29: {  	s4 =	sld [smem:$0x3FB2]  }
0x2a: {  	p0 =	seq.s32 s5, $0x0;
	s5 =	sld [smem:$0x3FB3]  }
0x2b: {  	s6 =	sld [smem:$0x3FB4]  }
0x2c: {  	s7 =	sld [smem:$0x3FB5]  }
0x2d: {  	s3 =	simm.s32 $0x108;
	s8 =	sld [smem:$0x3FB6]  }
0x2e: {  	s3 =	simm.s32 @!p0 $0x1082;
	s9 =	sld [smem:$0x3FB7]  }
0x2f: {  	lr =	sadd.s32 s0, s3;
	s0 =	sld [smem:$0x3FAE]  }
0x30: {  	s3 =	sld [smem:$0x3FB1]  }
0x31: {  	[smem:$0x3FBA] =	sst s10  }
0x32: {  	s10 =	sld [smem:$0x3FB8];
	_ =	sdelay $0x3  }
0x33: {  	p0 =	seq.s32 s10, $0x1;
	s10 =	sld [smem:$0x3FBA];
	_ =	sdelay $0x3  }
0x34: {  	[smem:$0x3FBA] =	sst s10  }
0x35: {  	s10 =	sld [smem:$0x3FB9];
	_ =	sdelay $0x3  }
0x36: {  	p1 =	seq.s32 s10, $0x1;
	s10 =	sld [smem:$0x3FBA];
	_ =	sdelay $0x3  }
0x37: {  	[smem:$0x3FBA] =	sst s10  }
0x38: {  	s10 =	sld [smem:$0x3FBB]  }
0x39: {  	_ = 	snop;
	(pc) =	sbr.ind lr, $3  }
0x3a: {  	_ = 	snop  }
0x3b: {  	_ = 	snop  }
0x3c: {  	p2 =	seq.s32 s10, $0x1;
	s10 =	sld [smem:$0x3FBA]  }
0x3d: {  	_ =	shalt  }
0x3e: {  	_ =	shalt  }
0x3f: {  	_ =	shalt  }
0x40: {  	_ =	shalt  }
0x41: {  	_ =	shalt  }
0x42: {  	_ =	shalt  }
0x43: {  	_ =	shalt  }
0x44: {  	_ =	shalt  }
0x45: {  	_ =	shalt  }
0x46: {  	_ =	shalt  }
0x47: {  	_ =	shalt  }
0x48: {  	_ =	shalt  }
0x49: {  	_ =	shalt  }
0x4a: {  	_ =	shalt  }
0x4b: {  	_ =	shalt  }
0x4c: {  	_ =	shalt  }
0x4d: {  	_ =	shalt  }
0x4e: {  	_ =	shalt  }
0x4f: {  	_ =	shalt  }
0x50: {  	_ =	shalt  }
0x51: {  	_ =	shalt  }
0x52: {  	_ =	shalt  }
0x53: {  	_ =	shalt  }
0x54: {  	_ =	shalt  }
0x55: {  	_ =	shalt  }
0x56: {  	_ =	shalt  }
0x57: {  	_ =	shalt  }
0x58: {  	_ =	shalt  }
0x59: {  	_ =	shalt  }
0x5a: {  	_ =	shalt  }
0x5b: {  	_ =	shalt  }
0x5c: {  	_ =	shalt  }
0x5d: {  	_ =	shalt  }
0x5e: {  	_ =	shalt  }
0x5f: {  	_ =	shalt  }
0x60: {  	_ =	shalt  }
0x61: {  	_ =	shalt  }
0x62: {  	_ =	shalt  }
0x63: {  	_ =	shalt  }
0x64: {  	_ =	shalt  }
0x65: {  	_ =	shalt  }
0x66: {  	_ =	shalt  }
0x67: {  	_ =	shalt  }
0x68: {  	_ =	shalt  }
0x69: {  	_ =	shalt  }
0x6a: {  	_ =	shalt  }
0x6b: {  	_ =	shalt  }
0x6c: {  	_ =	shalt  }
0x6d: {  	_ =	shalt  }
0x6e: {  	_ =	shalt  }
0x6f: {  	_ =	shalt  }
0x70: {  	_ =	shalt  }
0x71: {  	_ =	shalt  }
0x72: {  	_ =	shalt  }
0x73: {  	_ =	shalt  }
0x74: {  	_ =	shalt  }
0x75: {  	_ =	shalt  }
0x76: {  	_ =	shalt  }
0x77: {  	_ =	shalt  }
0x78: {  	_ =	shalt  }
0x79: {  	_ =	shalt  }
0x7a: {  	_ =	shalt  }
0x7b: {  	_ =	shalt  }
0x7c: {  	_ =	shalt  }
0x7d: {  	_ =	shalt  }
0x7e: {  	_ =	shalt  }
0x7f: {  	_ =	shalt  }
0x80: {  	_ =	shalt  }
0x81: {  	_ =	shalt  }
0x82: {  	_ =	shalt  }
0x83: {  	_ =	shalt  }
0x84: {  	_ =	shalt  }
0x85: {  	_ =	shalt  }
0x86: {  	_ =	shalt  }
0x87: {  	_ =	shalt  }
.Lfunc_end0:
.L_simem_size_0:
called_computation.2_lowered:
.L_overlay_start_0:
0x88: {  	s2 =	sld [smem:$0x3FD9]  }
0x89: {  	s3 =	sld [smem:$0x3FFE];
	_ =	sdelay $0x1  }
0x8a: {  	s1 =	srdreg.scid  }
0x8b: {  	s0 =	sand.u32 $0x1, s1  }
0x8c: {  	s16 =	sshll.u32 s0, $0xA;
	s2 =	sadd.s32 s3, s2  }
0x8d: {  	s2 =	sadd.s32 s2, s16  }
0x8e: {  	[smem:$0x3FC6] =	sst s2  }
0x8f: {  	_ = 	snop  }
0x90: {  	(tm) =	ssettm $0x1  }
0x91: {  	s17 =	sld [smem:$0x3FFB];
	_ =	sdelay $0x3  }
0x92: {  	_ =	strace s17  }
0x93: {  	s2 =	sld [smem:$0x3FFC];
	_ =	sdelay $0x3  }
0x94: {  	_ =	strace s2  }
0x95: {  	s2 =	sld [smem:$0x3FFD];
	_ =	sdelay $0x3  }
0x96: {  	_ =	strace s2  }
0x97: {  	_ =	strace $0x8FFFFFFF  }
0x98: {  	s18 =	sld [smem:$0x3FDB];
	_ =	sdelay $0x1  }
0x99: {  	s19 =	simm.s32 $_scs_section_size  }
0x9a: {  	s4 =	simm.s32 $_size__tile_overlayer_lowered;
	s5 =	simm.s32 $_tile_overlayer_lowered  }
0x9b: {  	s22 =	simm.s32 $0x1BFF;
	s21 =	sshll.u32 s5, $0x1;
	s2 =	sadd.s32 s19, s18  }
0x9c: {  	s6 =	simm.s32 $0x0;
	s20 =	sshll.u32 s4, $0x1;
	s4 =	sadd.s32 s21, s2  }
0x9d: {  	[timem:s6], [sflag:s22] =	dma.local [hbm:s4], s20  }
0x9e: {  	_ =	swait.ge [sflag:s22], s20  }
0x9f: {  	s3 =	ssub.s32 $0x0, s20;
	[sflag:s22] =	ssyncset.done $0x0  }
0xa0: {  	[sflag:s22] =	ssyncadd.s32 s3;
	_ =	sdelay $0x1  }
0xa1: {  	s23 =	simm.s32 $0x1B8B  }
0xa2: {  	_ =	swait.ge [sflag:s23], $0x1  }
0xa3: {  	[sflag:s23] =	ssyncset.done $0x0  }
0xa4: {  	s25 =	simm.s32 $0x1B8E;
	s24 =	sld [smem:$0x3FFE];
	[sflag:s23] =	ssyncadd.s32 $0xFFFFFFFF  }
0xa5: {  	s26 =	simm.s32 $execute0_lowered;
	[smem:$0x3FD2] =	sst s25  }
0xa6: {  	s4 =	sshll.u32 s26, $0x1;
	_ =	strace $0x8000004C;
	[dreg:$0x1] =	wrdreg $0xFFFFFFFF  }
0xa7: {  	s28 =	simm.s32 $_size_execute0_lowered;
	s2 =	sadd.s32 s2, s4;
	[dreg:$0x0] =	wrdreg $0x0  }
0xa8: {  	s4 =	sshll.u32 s28, $0x1;
	[dreg:$0x2] =	wrdreg s2  }
0xa9: {  	[dreg:$0x3] =	wrdreg s4  }
0xaa: {  	[dreg:$0x4] =	wrdreg $0xC0  }
0xab: {  	_ =	task [dreg:s6], $0x5FFFF  }
0xac: {  	[dreg:$0x1] =	wrdreg $0xFFFFFFFF  }
0xad: {  	[dreg:$0x0] =	wrdreg $0x60  }
0xae: {  	[dreg:$0x2] =	wrdreg s24  }
0xaf: {  	[dreg:$0x3] =	wrdreg $0x9  }
0xb0: {  	_ =	task.clear_ibuf [dreg:s6], $0x4FFFF;
	_ =	strace $0x9000004C  }
0xb1: {  	s29 =	simm.s32 $0x9;
	_ =	strace $0x8000004E  }
0xb2: {  	_ =	swait.ge [sflag:s29], $0x1  }
0xb3: {  	[sflag:s29] =	ssyncadd.s32 $0xFFFFFFFF  }
0xb4: {  	_ =	strace $0x9000004E  }
0xb5: {  	_ =	sfence  }
0xb6: {  	s30 =	sld [smem:$0x0];
	_ =	sdelay $0x2  }
0xb7: {  	s31 =	sshll.u32 s1, $0xD;
	s1 =	sshrl.u32 s1, $0x2  }
0xb8: {  	s3 =	sand.u32 $0x4000, s31;
	s1 =	sadd.s32 s1, s30  }
0xb9: {  	s0 =	sor.u32 s3, s0;
	s1 =	sshll.u32 s1, $0x11  }
0xba: {  	s0 =	sor.u32 s1, s0  }
0xbb: {  	s0 =	sadd.s32 $0x8F2B, s0  }
0xbc: {  	[sflag:s0] =	ssyncadd.remote.s32 $0x1  }
0xbd: {  	_ =	sfence.sel $0xFFFF  }
0xbe: {  	[dreg:$0x0] =	wrdreg $0xFFFFFFFF;
	(pc) =	sbr.abs _section_cstart, $3  }
0xbf: {  	[dreg:$0x1] =	wrdreg $0xFFFFFFFF  }
0xc0: {  	_ =	task.clear_ibuf [dreg:s6], $0x2FFFF;
	_ =	strace $0x9FFFFFFF  }
0xc1: {  	(tm) =	ssettm $0x7FFFFFFF  }
tec
execute0_lowered:
.L_overlay_start_1:
0x0: {  	(tag) =	ssettag $0x1  }
0x1: {  	s0 =	rddreg [dreg:$0x0];
	s3 =	srdreg.scid  }
0x2: {  	s1 =	stileid.u32;
	s2 =	simm.s32 $0x0;
	s9 =	simm.s32 $0x2  }
0x3: {  	s10 =	simm.s32 $0x80;
	s11 =	simm.s32 $0x400;
	s12 =	simm.s32 $0x1400  }
0x4: {  	s13 =	simm.s32 $0x100;
	s14 =	simm.s32 $0x2400;
	s15 =	simm.s32 $0x180  }
0x5: {  	s16 =	simm.s32 $0x3400;
	s17 =	simm.s32 $0x200;
	s18 =	simm.s32 $0x4400  }
0x6: {  	s19 =	simm.s32 $0x280;
	s20 =	simm.s32 $0x5400;
	s21 =	simm.s32 $0x300  }
0x7: {  	s22 =	simm.s32 $0x6400;
	s23 =	simm.s32 $0x380;
	s24 =	simm.s32 $0x7400  }
0x8: {  	s25 =	simm.s32 $0x8400;
	s26 =	simm.s32 $0x1;
	s28 =	simm.s32 $0x10400  }
0x9: {  	s29 =	simm.s32 $0x0;
	s4 =	sand.u32 $0x1, s3;
	s31 =	sshll.u32 s1, $0x1  }
0xa: {  	[smem:$0x7FF] =	sst s2;
	s3 =	sadd.s32 $0x52E00, s0;
	s5 =	sor.u32 s4, s31  }
0xb: {  	_ =	strace $0x8000004D;
	s4 =	ssub.s32 $0x2, s4;
	s6 =	sshll.u32 s5, $0x7  }
0xc: {  	s7 =	sshll.u32 s5, $0xC;
	s5 =	sshll.u32 s5, $0x1;
	s8 =	sshrl.u32 s4, $0x1  }
0xd: {  	s6 =	sadd.s32 s6, s0;
	s7 =	sadd.s32 s7, s0;
	s0 =	sadd.s32 s5, s0  }
0xe: {  	s8 =	ssub.s32 s4, s8;
	s4 =	sadd.s32 $0x2AE00, s6;
	s5 =	sadd.s32 $0x32E00, s7  }
0xf: {  	s6 =	sadd.s32 $0x3E00, s7;
	s7 =	sadd.s32 $0x2BE00, s0;
	s8 =	smax.u32 s8, $0x1  }
.LBB2_1:
0x10: {  	[tilespmem:s2], [sflag:$0x2] =	stream.linear.gather [hbm4b:s4+s2], $0x400, $0x38;
	[tilespmem:$0x10410] =	vst v63  }
0x11: {  	_ =	swait.ge [sflag:s9], $0x400  }
0x12: {  	[sflag:s9] =	ssyncset.done $0x0  }
0x13: {  	[sflag:s9] =	ssyncadd.s32 $0xFFFFFC00  }
0x14: {  	[tilespmem:s11], [sflag:$0x1] =	stream.indirect.gather [hbm4b:s3+s10], $0x20, s2, s10, $0xb8;
	[tilespmem:$0x10410] =	vst v63  }
0x15: {  	_ = 	snop  }
0x16: {  	[tilespmem:s12], [sflag:$0x1] =	stream.indirect.gather [hbm4b:s3+s10], $0x20, s10, s10, $0xb8;
	[tilespmem:$0x10410] =	vst v63  }
0x17: {  	_ = 	snop  }
0x18: {  	[tilespmem:s14], [sflag:$0x1] =	stream.indirect.gather [hbm4b:s3+s10], $0x20, s13, s10, $0xb8;
	[tilespmem:$0x10410] =	vst v63  }
0x19: {  	_ = 	snop  }
0x1a: {  	[tilespmem:s16], [sflag:$0x1] =	stream.indirect.gather [hbm4b:s3+s10], $0x20, s15, s10, $0xb8;
	[tilespmem:$0x10410] =	vst v63  }
0x1b: {  	_ = 	snop  }
0x1c: {  	[tilespmem:s18], [sflag:$0x1] =	stream.indirect.gather [hbm4b:s3+s10], $0x20, s17, s10, $0xb8;
	[tilespmem:$0x10410] =	vst v63  }
0x1d: {  	_ = 	snop  }
0x1e: {  	[tilespmem:s20], [sflag:$0x1] =	stream.indirect.gather [hbm4b:s3+s10], $0x20, s19, s10, $0xb8;
	[tilespmem:$0x10410] =	vst v63  }
0x1f: {  	_ = 	snop  }
0x20: {  	[tilespmem:s22], [sflag:$0x1] =	stream.indirect.gather [hbm4b:s3+s10], $0x20, s21, s10, $0xb8;
	[tilespmem:$0x10410] =	vst v63  }
0x21: {  	_ = 	snop  }
0x22: {  	[tilespmem:s24], [sflag:$0x1] =	stream.indirect.gather [hbm4b:s3+s10], $0x20, s23, s10, $0xb8;
	[tilespmem:$0x10410] =	vst v63  }
0x23: {  	_ = 	snop  }
0x24: {  	[tilespmem:s25], [sflag:$0x2] =	stream.linear.gather [hbm4b:s5+s2], $0x8000, $0x38;
	[tilespmem:$0x10410] =	vst v63  }
0x25: {  	_ =	swait.ge [sflag:s9], $0x8000  }
0x26: {  	[sflag:s9] =	ssyncset.done $0x0  }
0x27: {  	[sflag:s9] =	ssyncadd.s32 $0xFFFF8000  }
0x28: {  	_ =	swait.ge [sflag:s26], $0x1000  }
0x29: {  	[sflag:s26] =	ssyncset.done $0x0  }
0x2a: {  	[sflag:s26] =	ssyncadd.s32 $0xFFFFF000  }
0x2b: {  	_ =	swait.ge [sflag:s26], $0x1000  }
0x2c: {  	[sflag:s26] =	ssyncset.done $0x0  }
0x2d: {  	[sflag:s26] =	ssyncadd.s32 $0xFFFFF000  }
0x2e: {  	_ =	swait.ge [sflag:s26], $0x1000  }
0x2f: {  	[sflag:s26] =	ssyncset.done $0x0  }
0x30: {  	[sflag:s26] =	ssyncadd.s32 $0xFFFFF000  }
0x31: {  	_ =	swait.ge [sflag:s26], $0x1000  }
0x32: {  	[sflag:s26] =	ssyncset.done $0x0  }
0x33: {  	[sflag:s26] =	ssyncadd.s32 $0xFFFFF000  }
0x34: {  	_ =	swait.ge [sflag:s26], $0x1000  }
0x35: {  	[sflag:s26] =	ssyncset.done $0x0  }
0x36: {  	[sflag:s26] =	ssyncadd.s32 $0xFFFFF000  }
0x37: {  	_ =	swait.ge [sflag:s26], $0x1000  }
0x38: {  	[sflag:s26] =	ssyncset.done $0x0  }
0x39: {  	[sflag:s26] =	ssyncadd.s32 $0xFFFFF000  }
0x3a: {  	_ =	swait.ge [sflag:s26], $0x1000  }
0x3b: {  	[sflag:s26] =	ssyncset.done $0x0  }
0x3c: {  	[sflag:s26] =	ssyncadd.s32 $0xFFFFF000  }
0x3d: {  	_ =	swait.ge [sflag:s26], $0x1000  }
0x3e: {  	[sflag:s26] =	ssyncset.done $0x0  }
0x3f: {  	s30 =	simm.s32 $0x0;
	[sflag:s26] =	ssyncadd.s32 $0xFFFFF000  }
0x40: {  	v0 =	vld [tilespmem:s30+$0x410]  }
0x41: {  	v3 =	vld [tilespmem:s30+$0x400]  }
0x42: {  	v2 =	vld [tilespmem:s30+$0x8400]  }
0x43: {  	v1 =	vld [tilespmem:s30+$0x8410];
	_ =	sdelay $0x3  }
0x44: {  	v3 =	vsub.f32 v3, v2  }
0x45: {  	v5 =	vsub.f32 v0, v1  }
0x46: {  	v4 =	vadd.f32 v3, v2  }
0x47: {  	s31 =	simm.s32 $0x80;
	s0 =	simm.s32 $0x100;
	v0 =	vimm.f32 $0.0e+00;
	v3 =	vadd.f32 v5, v1  }
.LBB2_2:
0x48: {  	p0 =	sne.s32 s0, $0x1FF80;
	s1 =	sshra.s32 s31, $0x2;
	v5 =	vsub.f32 v2, v4;
	v2 =	vsub.f32 v4, v2;
	s31 =	smov.u32 s0  }
0x49: {  	v4 =	vld [tilespmem:s1+$0x410];
	v6 =	vsub.f32 v1, v3;
	v1 =	vsub.f32 v3, v1  }
0x4a: {  	v3 =	vld [tilespmem:s1+$0x400];
	[tilespmem:s30+$0x8400] =	vst v5;
	v5 =	vmul.f32 v2, v2  }
0x4b: {  	v2 =	vld [tilespmem:s1+$0x8400];
	[tilespmem:s30+$0x8410] =	vst v6;
	v6 =	vmul.f32 v1, v1;
	s30 =	smov.u32 s1  }
0x4c: {  	v1 =	vld [tilespmem:s30+$0x8410];
	v0 =	vadd.f32 v5, v0;
	_ =	sdelay $0x1  }
0x4d: {  	v0 =	vadd.f32 v6, v0  }
.Ltmp0:
0x4e: {  	(pc) =	sbr.rel @p0 .LBB2_2-.Ltmp0, $4  }
0x4f: {  	v3 =	vsub.f32 v3, v2  }
0x50: {  	v5 =	vsub.f32 v4, v1  }
0x51: {  	v4 =	vadd.f32 v3, v2  }
0x52: {  	s0 =	sadd.s32 $0x80, s0;
	v3 =	vadd.f32 v5, v1  }
0x53: {  	s0 =	sshra.s32 s31, $0x2;
	v5 =	vsub.f32 v2, v4  }
0x54: {  	v6 =	vld [tilespmem:s0+$0x410]  }
0x55: {  	v7 =	vld [tilespmem:s0+$0x400];
	v8 =	vsub.f32 v1, v3;
	[tilespmem:s30+$0x8400] =	vst v5  }
0x56: {  	v5 =	vld [tilespmem:s0+$0x8400]  }
0x57: {  	[tilespmem:s30+$0x8410] =	vst v8  }
0x58: {  	v8 =	vld [tilespmem:s0+$0x8410];
	_ =	sdelay $0x1  }
0x59: {  	v57 =	vsub.f32 v4, v2  }
0x5a: {  	v58 =	vsub.f32 v7, v5  }
0x5b: {  	v59 =	vsub.f32 v3, v1;
	v2 =	vmul.f32 v57, v57  }
0x5c: {  	v60 =	vsub.f32 v6, v8;
	v4 =	vadd.f32 v58, v5  }
0x5d: {  	v0 =	vadd.f32 v2, v0  }
0x5e: {  	v1 =	vmul.f32 v59, v59;
	v61 =	vadd.f32 v60, v8;
	v62 =	vsub.f32 v4, v5;
	_ =	sdelay $0x1  }
0x5f: {  	v0 =	vadd.f32 v1, v0;
	v63 =	vsub.f32 v61, v8;
	v3 =	vmul.f32 v62, v62;
	_ =	sdelay $0x1  }
0x60: {  	v4 =	vsub.f32 v5, v4;
	v1 =	vmul.f32 v63, v63;
	v0 =	vadd.f32 v3, v0  }
0x61: {  	v2 =	vsub.f32 v8, v61  }
0x62: {  	[tilespmem:s0+$0x8400] =	vst v4;
	v0 =	vadd.f32 v1, v0  }
0x63: {  	[tilespmem:s0+$0x8410] =	vst v2  }
0x64: {  	[tilespmem:$0x10400] =	vst v0  }
0x65: {  	[hbm4b:s6+s2] =	stream.linear.scatter [tilespmem:s25], [sflag:$0x2], $0x8000, $0x38;
	[tilespmem:$0x10410] =	vst v63  }
0x66: {  	s29 =	sadd.s32 $0x1, s29;
	_ =	swait.ge [sflag:s9], $0x8000  }
0x67: {  	p0 =	sne.s32 s29, s8;
	[sflag:s9] =	ssyncset.done $0x0  }
.Ltmp1:
0x68: {  	[sflag:s9] =	ssyncadd.s32 $0xFFFF8000;
	(pc) =	sbr.rel @p0 .LBB2_1-.Ltmp1, $4  }
0x69: {  	[hbm4b:s7+s2] =	stream.linear.scatter [tilespmem:s28], [sflag:$0x2], $0x10, $0x38;
	[tilespmem:$0x10410] =	vst v63  }
0x6a: {  	_ =	swait.ge [sflag:s9], $0x10  }
0x6b: {  	[sflag:s9] =	ssyncset.done $0x0  }
0x6c: {  	[sflag:s9] =	ssyncadd.s32 $0xFFFFFFF0  }
0x6d: {  	_ =	sfence.sel $0x180000  }
0x6e: {  	[bflag:$0x0] =	sbarrier.arrive $0xFFFF  }
0x6f: {  	_ =	strace $0x9000004D  }
0x70: {  	s0 =	stileid.u32;
	[bflag:$0x2] =	sbarrier.arrive $0xFFFF  }
0x71: {  	p0 =	sne.s32 s0, $0x0;
	s0 =	rddreg [dreg:$0x1]  }
0x72: {  	s0 =	sadd.s32 @!p0 $0x100000, s0  }
0x73: {  	[sflag:s0] =	ssyncadd.tile.s32 @!p0 $0x1;
	_ =	shalt  }
.Lfunc_end2:
_tile_overlayer_lowered:
.L_overlay_start_2:
0x74: {  	(tag) =	ssettag $0x2  }
0x75: {  	s0 =	rddreg [dreg:$0x0];
	s2 =	stileid.u32  }
0x76: {  	s1 =	rddreg [dreg:$0x1];
	p0 =	sne.s32 s2, $0x0  }
0x77: {  	s3 =	rddreg [dreg:$0x2];
	[bflag:$0x3] =	sbarrier.arrive $0xFFFF;
	s2 =	simm.s32 @!p0 $0x1C02  }
0x78: {  	[timem:s3], [sflag:s2] =	dma.local @!p0 [hbm:s0], s1  }
0x79: {  	s0 =	simm.s32 @!p0 $0x2  }
0x7a: {  	_ =	swait.ge @!p0 [sflag:s0], s1  }
0x7b: {  	s1 =	ssub.s32 @!p0 $0x0, s1;
	[sflag:s0] =	ssyncset.done @!p0 $0x0  }
0x7c: {  	[sflag:s0] =	ssyncadd.s32 @!p0 s1  }
0x7d: {  	[bflag:$0x3] =	sbarrier.arrive $0xFFFF  }
0x7e: {  	_ =	shalt  }

// kernel: _rvq.19.cloned.1.call-start
scs
__scs_entry_jumppad:
0x0: {  	(pc) =	sbr.rel $0x88, $3  }
0x1: {  	(tag) =	ssettag $0x0;
	lr =	simm.s32 $0x1  }
0x2: {  	[smem:$0x3F9F] =	sst lr;
	_ =	strace $0xD0000000  }
0x3: {  	_ = 	snop  }
0x4: {  	_ = 	snop  }
0x5: {  	_ = 	snop  }
0x6: {  	_ = 	snop  }
0x7: {  	_ = 	snop  }
__scs_overlays_trampoline_lowered:
0x8: {  	[smem:$0x3FAE] =	sst s0  }
0x9: {  	[smem:$0x3FAF] =	sst s1  }
0xa: {  	[smem:$0x3FB0] =	sst s2  }
0xb: {  	[smem:$0x3FB1] =	sst s3  }
0xc: {  	[smem:$0x3FB2] =	sst s4  }
0xd: {  	[smem:$0x3FB3] =	sst s5  }
0xe: {  	[smem:$0x3FB4] =	sst s6  }
0xf: {  	[smem:$0x3FB5] =	sst s7  }
0x10: {  	[smem:$0x3FB6] =	sst s8  }
0x11: {  	[smem:$0x3FB7] =	sst s9;
	s0 =	simm.s32 @!p0 $0x0  }
0x12: {  	s1 =	sld [smem:$0x3F9D];
	s0 =	simm.s32 @p0 $0x1  }
0x13: {  	[smem:$0x3FB8] =	sst s0;
	s0 =	simm.s32 @!p1 $0x0  }
0x14: {  	s2 =	sld [smem:$0x3F9C];
	s0 =	simm.s32 @p1 $0x1  }
0x15: {  	[smem:$0x3FB9] =	sst s0;
	s0 =	simm.s32 @!p2 $0x0  }
0x16: {  	s3 =	sld [smem:$0x3FDB];
	s0 =	simm.s32 @p2 $0x1  }
0x17: {  	s4 =	simm.s32 $0x1BF5;
	[smem:$0x3FBB] =	sst s0  }
0x18: {  	s0 =	sld [smem:$0x3F9E];
	_ =	swait.ge [sflag:s4], $0x0  }
0x19: {  	s7 =	sld [smem:$0x3F9F]  }
0x1a: {  	s8 =	sadd.s32 $0xFFFFE003, lr  }
0x1b: {  	s9 =	sadd.s32 $0xFFFFFEF7, lr;
	s5 =	simm.s32 $0xFFFFFFFF;
	p2 =	slt.u32 s8, $0xFFFFF086  }
0x1c: {  	p1 =	slt.u32 s9, $0xF7A;
	s5 =	simm.s32 @!p2 $0x0  }
0x1d: {  	s5 =	simm.s32 @p1 $0x1;
	p0 =	seq.s32 s7, s2  }
0x1e: {  	s7 =	smul.u32 @!p0 $0xF7A, s2;
	p2 =	seq.s32 @!p0 s5, $0x0  }
0x1f: {  	s9 =	smul.u32 $0xF7A, s1;
	s8 =	simm.s32 @!p0 $0x1BF5;
	p2 =	por !p2, p0  }
0x20: {  	[sflag:s8] =	ssyncset.s32 @!p0 $0xFFFFF086;
	s6 =	sadd.s32 @!p0 s3, s7;
	s7 =	simm.s32 @!p0 $0x108  }
0x21: {  	s3 =	sadd.s32 s3, s9;
	s6 =	sadd.s32 @!p0 $0x88, s6;
	s7 =	simm.s32 @p2 $0x1082  }
0x22: {  	[simem:s7], [sflag:s8] =	dma.local @!p0 [hbm:s6], $0xF7A  }
0x23: {  	s9 =	sor.u32 $0xD0000000, s2;
	s6 =	simm.s32 $0x108;
	_ =	swait.ge @!p0 [sflag:s8], $0x0  }
0x24: {  	s3 =	sadd.s32 $0x88, s3;
	s6 =	simm.s32 @!p1 $0x1082;
	[sflag:s4] =	ssyncset.s32 $0xFFFFF086  }
0x25: {  	[simem:s6], [sflag:s4] =	dma.local [hbm:s3], $0xF7A  }
0x26: {  	[smem:$0x3F9F] =	sst s1;
	(tag) =	ssettag s2;
	_ =	strace s9  }
0x27: {  	s1 =	sld [smem:$0x3FAF]  }
0x28: {  	s2 =	sld [smem:$0x3FB0]  }
0x29: {  	s4 =	sld [smem:$0x3FB2]  }
0x2a: {  	p0 =	seq.s32 s5, $0x0;
	s5 =	sld [smem:$0x3FB3]  }
0x2b: {  	s6 =	sld [smem:$0x3FB4]  }
0x2c: {  	s7 =	sld [smem:$0x3FB5]  }
0x2d: {  	s3 =	simm.s32 $0x108;
	s8 =	sld [smem:$0x3FB6]  }
0x2e: {  	s3 =	simm.s32 @!p0 $0x1082;
	s9 =	sld [smem:$0x3FB7]  }
0x2f: {  	lr =	sadd.s32 s0, s3;
	s0 =	sld [smem:$0x3FAE]  }
0x30: {  	s3 =	sld [smem:$0x3FB1]  }
0x31: {  	[smem:$0x3FBA] =	sst s10  }
0x32: {  	s10 =	sld [smem:$0x3FB8];
	_ =	sdelay $0x3  }
0x33: {  	p0 =	seq.s32 s10, $0x1;
	s10 =	sld [smem:$0x3FBA];
	_ =	sdelay $0x3  }
0x34: {  	[smem:$0x3FBA] =	sst s10  }
0x35: {  	s10 =	sld [smem:$0x3FB9];
	_ =	sdelay $0x3  }
0x36: {  	p1 =	seq.s32 s10, $0x1;
	s10 =	sld [smem:$0x3FBA];
	_ =	sdelay $0x3  }
0x37: {  	[smem:$0x3FBA] =	sst s10  }
0x38: {  	s10 =	sld [smem:$0x3FBB]  }
0x39: {  	_ = 	snop;
	(pc) =	sbr.ind lr, $3  }
0x3a: {  	_ = 	snop  }
0x3b: {  	_ = 	snop  }
0x3c: {  	p2 =	seq.s32 s10, $0x1;
	s10 =	sld [smem:$0x3FBA]  }
0x3d: {  	_ =	shalt  }
0x3e: {  	_ =	shalt  }
0x3f: {  	_ =	shalt  }
0x40: {  	_ =	shalt  }
0x41: {  	_ =	shalt  }
0x42: {  	_ =	shalt  }
0x43: {  	_ =	shalt  }
0x44: {  	_ =	shalt  }
0x45: {  	_ =	shalt  }
0x46: {  	_ =	shalt  }
0x47: {  	_ =	shalt  }
0x48: {  	_ =	shalt  }
0x49: {  	_ =	shalt  }
0x4a: {  	_ =	shalt  }
0x4b: {  	_ =	shalt  }
0x4c: {  	_ =	shalt  }
0x4d: {  	_ =	shalt  }
0x4e: {  	_ =	shalt  }
0x4f: {  	_ =	shalt  }
0x50: {  	_ =	shalt  }
0x51: {  	_ =	shalt  }
0x52: {  	_ =	shalt  }
0x53: {  	_ =	shalt  }
0x54: {  	_ =	shalt  }
0x55: {  	_ =	shalt  }
0x56: {  	_ =	shalt  }
0x57: {  	_ =	shalt  }
0x58: {  	_ =	shalt  }
0x59: {  	_ =	shalt  }
0x5a: {  	_ =	shalt  }
0x5b: {  	_ =	shalt  }
0x5c: {  	_ =	shalt  }
0x5d: {  	_ =	shalt  }
0x5e: {  	_ =	shalt  }
0x5f: {  	_ =	shalt  }
0x60: {  	_ =	shalt  }
0x61: {  	_ =	shalt  }
0x62: {  	_ =	shalt  }
0x63: {  	_ =	shalt  }
0x64: {  	_ =	shalt  }
0x65: {  	_ =	shalt  }
0x66: {  	_ =	shalt  }
0x67: {  	_ =	shalt  }
0x68: {  	_ =	shalt  }
0x69: {  	_ =	shalt  }
0x6a: {  	_ =	shalt  }
0x6b: {  	_ =	shalt  }
0x6c: {  	_ =	shalt  }
0x6d: {  	_ =	shalt  }
0x6e: {  	_ =	shalt  }
0x6f: {  	_ =	shalt  }
0x70: {  	_ =	shalt  }
0x71: {  	_ =	shalt  }
0x72: {  	_ =	shalt  }
0x73: {  	_ =	shalt  }
0x74: {  	_ =	shalt  }
0x75: {  	_ =	shalt  }
0x76: {  	_ =	shalt  }
0x77: {  	_ =	shalt  }
0x78: {  	_ =	shalt  }
0x79: {  	_ =	shalt  }
0x7a: {  	_ =	shalt  }
0x7b: {  	_ =	shalt  }
0x7c: {  	_ =	shalt  }
0x7d: {  	_ =	shalt  }
0x7e: {  	_ =	shalt  }
0x7f: {  	_ =	shalt  }
0x80: {  	_ =	shalt  }
0x81: {  	_ =	shalt  }
0x82: {  	_ =	shalt  }
0x83: {  	_ =	shalt  }
0x84: {  	_ =	shalt  }
0x85: {  	_ =	shalt  }
0x86: {  	_ =	shalt  }
0x87: {  	_ =	shalt  }
.Lfunc_end0:
.L_simem_size_0:
called_computation.3_lowered:
.L_overlay_start_0:
0x88: {  	s2 =	sld [smem:$0x3FD9]  }
0x89: {  	s3 =	sld [smem:$0x3FFE];
	_ =	sdelay $0x1  }
0x8a: {  	s1 =	srdreg.scid  }
0x8b: {  	s0 =	sand.u32 $0x1, s1  }
0x8c: {  	s14 =	sshll.u32 s0, $0xA;
	s2 =	sadd.s32 s3, s2  }
0x8d: {  	s2 =	sadd.s32 s2, s14  }
0x8e: {  	[smem:$0x3FC6] =	sst s2  }
0x8f: {  	_ = 	snop  }
0x90: {  	s2 =	sld [smem:$0x3FD0];
	_ =	sdelay $0x2  }
0x91: {  	s15 =	simm.s32 $0xA;
	s4 =	simm.s32 $0x10  }
0x92: {  	[smem:s4], [sflag:s15] =	dma.local [hbm:s2], $0x1  }
0x93: {  	_ =	swait.eq [sflag:s15], $0x1  }
0x94: {  	[sflag:s15] =	ssyncset.done $0x0  }
0x95: {  	[sflag:s15] =	ssyncadd.s32 $0xFFFFFFFF  }
0x96: {  	s16 =	sld [smem:$0x10];
	(tm) =	ssettm $0x1  }
0x97: {  	s17 =	sld [smem:$0x3FFB];
	_ =	sdelay $0x3  }
0x98: {  	_ =	strace s17  }
0x99: {  	s3 =	sld [smem:$0x3FFC];
	_ =	sdelay $0x3  }
0x9a: {  	_ =	strace s3  }
0x9b: {  	s3 =	sld [smem:$0x3FFD];
	_ =	sdelay $0x3  }
0x9c: {  	_ =	strace s3  }
0x9d: {  	_ =	strace $0x8FFFFFFF  }
0x9e: {  	s18 =	sld [smem:$0x3FDB];
	_ =	sdelay $0x1  }
0x9f: {  	s19 =	simm.s32 $_scs_section_size  }
0xa0: {  	s5 =	simm.s32 $_size__tile_overlayer_lowered;
	s6 =	simm.s32 $_tile_overlayer_lowered  }
0xa1: {  	s22 =	simm.s32 $0x1BFF;
	s21 =	sshll.u32 s6, $0x1;
	s3 =	sadd.s32 s19, s18  }
0xa2: {  	s7 =	simm.s32 $0x0;
	s20 =	sshll.u32 s5, $0x1;
	s5 =	sadd.s32 s21, s3  }
0xa3: {  	[timem:s7], [sflag:s22] =	dma.local [hbm:s5], s20  }
0xa4: {  	_ =	swait.ge [sflag:s22], s20  }
0xa5: {  	s4 =	ssub.s32 $0x0, s20;
	[sflag:s22] =	ssyncset.done $0x0  }
0xa6: {  	[sflag:s22] =	ssyncadd.s32 s4;
	_ =	sdelay $0x1  }
0xa7: {  	s23 =	simm.s32 $0x1B8B  }
0xa8: {  	_ =	swait.ge [sflag:s23], $0x1  }
0xa9: {  	[sflag:s23] =	ssyncset.done $0x0  }
0xaa: {  	s25 =	simm.s32 $0x1B8E;
	s24 =	sld [smem:$0x3FFE];
	[sflag:s23] =	ssyncadd.s32 $0xFFFFFFFF  }
0xab: {  	s26 =	simm.s32 $execute0_lowered;
	[smem:$0x3FD2] =	sst s25  }
0xac: {  	s5 =	sshll.u32 s26, $0x1;
	_ =	strace $0x8000004F;
	[dreg:$0x1] =	wrdreg $0xFFFFFFFF  }
0xad: {  	s28 =	simm.s32 $_size_execute0_lowered;
	s3 =	sadd.s32 s3, s5;
	[dreg:$0x0] =	wrdreg $0x0  }
0xae: {  	s5 =	sshll.u32 s28, $0x1;
	[dreg:$0x2] =	wrdreg s3  }
0xaf: {  	[dreg:$0x3] =	wrdreg s5  }
0xb0: {  	[dreg:$0x4] =	wrdreg $0xC0  }
0xb1: {  	_ =	task [dreg:s7], $0x5FFFF  }
0xb2: {  	[dreg:$0x1] =	wrdreg $0xFFFFFFFF  }
0xb3: {  	[dreg:$0x0] =	wrdreg $0x60  }
0xb4: {  	[dreg:$0x2] =	wrdreg s24  }
0xb5: {  	[dreg:$0x3] =	wrdreg s16  }
0xb6: {  	[dreg:$0x4] =	wrdreg $0x9  }
0xb7: {  	_ =	task.clear_ibuf [dreg:s7], $0x5FFFF;
	_ =	strace $0x9000004F  }
0xb8: {  	s29 =	simm.s32 $0x9;
	_ =	strace $0x80000051  }
0xb9: {  	_ =	swait.ge [sflag:s29], $0x1  }
0xba: {  	[sflag:s29] =	ssyncadd.s32 $0xFFFFFFFF  }
0xbb: {  	_ =	strace $0x90000051  }
0xbc: {  	_ =	sfence  }
0xbd: {  	s30 =	sld [smem:$0x0];
	_ =	sdelay $0x2  }
0xbe: {  	s31 =	sshll.u32 s1, $0xD;
	s1 =	sshrl.u32 s1, $0x2  }
0xbf: {  	s3 =	sand.u32 $0x4000, s31;
	s1 =	sadd.s32 s1, s30  }
0xc0: {  	s0 =	sor.u32 s3, s0;
	s1 =	sshll.u32 s1, $0x11  }
0xc1: {  	s0 =	sor.u32 s1, s0  }
0xc2: {  	s0 =	sadd.s32 $0x8F2B, s0  }
0xc3: {  	[sflag:s0] =	ssyncadd.remote.s32 $0x1  }
0xc4: {  	_ =	sfence.sel $0xFFFF  }
0xc5: {  	[dreg:$0x0] =	wrdreg $0xFFFFFFFF;
	(pc) =	sbr.abs _section_cstart, $3  }
0xc6: {  	[dreg:$0x1] =	wrdreg $0xFFFFFFFF  }
0xc7: {  	_ =	task.clear_ibuf [dreg:s7], $0x2FFFF;
	_ =	strace $0x9FFFFFFF  }
0xc8: {  	(tm) =	ssettm $0x7FFFFFFF  }
0xc9: {  	_ =	shalt  }
tec
execute0_lowered:
.L_overlay_start_1:
0x0: {  	(tag) =	ssettag $0x1  }
0x1: {  	s0 =	rddreg [dreg:$0x0]  }
0x2: {  	s1 =	rddreg [dreg:$0x1];
	s3 =	srdreg.scid  }
0x3: {  	s5 =	stileid.u32;
	s2 =	simm.s32 $0x0;
	s11 =	simm.s32 $0x80  }
0x4: {  	s14 =	simm.s32 $0x100;
	s15 =	simm.s32 $0x2400;
	s16 =	simm.s32 $0x180  }
0x5: {  	s17 =	simm.s32 $0x3400;
	s18 =	simm.s32 $0x200;
	s19 =	simm.s32 $0x4400  }
0x6: {  	s20 =	simm.s32 $0x280;
	s21 =	simm.s32 $0x5400;
	s22 =	simm.s32 $0x300  }
0x7: {  	s23 =	simm.s32 $0x6400;
	s24 =	simm.s32 $0x380;
	s25 =	simm.s32 $0x7400  }
0x8: {  	s28 =	simm.s32 $0x10400;
	s29 =	simm.s32 $0x1;
	s30 =	simm.s32 $0x18400  }
0x9: {  	s31 =	simm.s32 $0x0;
	s4 =	sand.u32 $0x1, s3;
	s26 =	sshll.u32 s5, $0x1  }
0xa: {  	[smem:$0x7FF] =	sst s2;
	s3 =	sadd.s32 $0x5AE00, s0;
	s5 =	sor.u32 s4, s26  }
0xb: {  	_ =	strace $0x80000050;
	s4 =	ssub.s32 $0x2, s4;
	s26 =	simm.s32 $0x8400  }
0xc: {  	s6 =	sshll.u32 s5, $0x7;
	s7 =	sshll.u32 s5, $0xC;
	s5 =	sshll.u32 s5, $0x1  }
0xd: {  	s8 =	sshrl.u32 s4, $0x1;
	s6 =	sadd.s32 s6, s0;
	s9 =	sadd.s32 s7, s0  }
0xe: {  	s0 =	sadd.s32 s5, s0;
	s10 =	ssub.s32 s4, s8;
	s4 =	sadd.s32 $0x23E00, s6  }
0xf: {  	s5 =	sadd.s32 $0x3E00, s9;
	s6 =	sadd.s32 s1, s7;
	s7 =	sadd.s32 $0x2C000, s9  }
0x10: {  	s8 =	sadd.s32 $0x24E00, s0;
	s9 =	smax.u32 s10, $0x1;
	s10 =	simm.s32 $0x2  }
.LBB2_1:
0x11: {  	[tilespmem:s2], [sflag:$0x2] =	stream.linear.gather [hbm4b:s4+s2], $0x400, $0x38;
	[tilespmem:$0x18410] =	vst v63  }
0x12: {  	_ =	swait.ge [sflag:s10], $0x400  }
0x13: {  	[sflag:s10] =	ssyncset.done $0x0  }
0x14: {  	s0 =	simm.s32 $0x400;
	[sflag:s10] =	ssyncadd.s32 $0xFFFFFC00  }
0x15: {  	[tilespmem:s0], [sflag:$0x1] =	stream.indirect.gather [hbm4b:s3+s11], $0x20, s2, s11, $0xb8;
	[tilespmem:$0x18410] =	vst v63  }
0x16: {  	s13 =	simm.s32 $0x1400  }
0x17: {  	[tilespmem:s13], [sflag:$0x1] =	stream.indirect.gather [hbm4b:s3+s11], $0x20, s11, s11, $0xb8;
	[tilespmem:$0x18410] =	vst v63  }
0x18: {  	_ = 	snop  }
0x19: {  	[tilespmem:s15], [sflag:$0x1] =	stream.indirect.gather [hbm4b:s3+s11], $0x20, s14, s11, $0xb8;
	[tilespmem:$0x18410] =	vst v63  }
0x1a: {  	_ = 	snop  }
0x1b: {  	[tilespmem:s17], [sflag:$0x1] =	stream.indirect.gather [hbm4b:s3+s11], $0x20, s16, s11, $0xb8;
	[tilespmem:$0x18410] =	vst v63  }
0x1c: {  	_ = 	snop  }
0x1d: {  	[tilespmem:s19], [sflag:$0x1] =	stream.indirect.gather [hbm4b:s3+s11], $0x20, s18, s11, $0xb8;
	[tilespmem:$0x18410] =	vst v63  }
0x1e: {  	_ = 	snop  }
0x1f: {  	[tilespmem:s21], [sflag:$0x1] =	stream.indirect.gather [hbm4b:s3+s11], $0x20, s20, s11, $0xb8;
	[tilespmem:$0x18410] =	vst v63  }
0x20: {  	_ = 	snop  }
0x21: {  	[tilespmem:s23], [sflag:$0x1] =	stream.indirect.gather [hbm4b:s3+s11], $0x20, s22, s11, $0xb8;
	[tilespmem:$0x18410] =	vst v63  }
0x22: {  	_ = 	snop  }
0x23: {  	[tilespmem:s25], [sflag:$0x1] =	stream.indirect.gather [hbm4b:s3+s11], $0x20, s24, s11, $0xb8;
	[tilespmem:$0x18410] =	vst v63  }
0x24: {  	_ = 	snop  }
0x25: {  	[tilespmem:s26], [sflag:$0x2] =	stream.linear.gather [hbm4b:s5+s2], $0x8000, $0x38;
	[tilespmem:$0x18410] =	vst v63  }
0x26: {  	_ =	swait.ge [sflag:s10], $0x8000  }
0x27: {  	[sflag:s10] =	ssyncset.done $0x0  }
0x28: {  	[sflag:s10] =	ssyncadd.s32 $0xFFFF8000  }
0x29: {  	[tilespmem:s28], [sflag:$0x2] =	stream.linear.gather [hbm4b:s6+s2], $0x8000, $0x38;
	[tilespmem:$0x18410] =	vst v63  }
0x2a: {  	_ =	swait.ge [sflag:s10], $0x8000  }
0x2b: {  	[sflag:s10] =	ssyncset.done $0x0  }
0x2c: {  	[sflag:s10] =	ssyncadd.s32 $0xFFFF8000  }
0x2d: {  	_ =	swait.ge [sflag:s29], $0x1000  }
0x2e: {  	[sflag:s29] =	ssyncset.done $0x0  }
0x2f: {  	[sflag:s29] =	ssyncadd.s32 $0xFFFFF000  }
0x30: {  	_ =	swait.ge [sflag:s29], $0x1000  }
0x31: {  	[sflag:s29] =	ssyncset.done $0x0  }
0x32: {  	[sflag:s29] =	ssyncadd.s32 $0xFFFFF000  }
0x33: {  	_ =	swait.ge [sflag:s29], $0x1000  }
0x34: {  	[sflag:s29] =	ssyncset.done $0x0  }
0x35: {  	[sflag:s29] =	ssyncadd.s32 $0xFFFFF000  }
0x36: {  	_ =	swait.ge [sflag:s29], $0x1000  }
0x37: {  	[sflag:s29] =	ssyncset.done $0x0  }
0x38: {  	[sflag:s29] =	ssyncadd.s32 $0xFFFFF000  }
0x39: {  	_ =	swait.ge [sflag:s29], $0x1000  }
0x3a: {  	[sflag:s29] =	ssyncset.done $0x0  }
0x3b: {  	[sflag:s29] =	ssyncadd.s32 $0xFFFFF000  }
0x3c: {  	_ =	swait.ge [sflag:s29], $0x1000  }
0x3d: {  	[sflag:s29] =	ssyncset.done $0x0  }
0x3e: {  	[sflag:s29] =	ssyncadd.s32 $0xFFFFF000  }
0x3f: {  	_ =	swait.ge [sflag:s29], $0x1000  }
0x40: {  	[sflag:s29] =	ssyncset.done $0x0  }
0x41: {  	[sflag:s29] =	ssyncadd.s32 $0xFFFFF000  }
0x42: {  	_ =	swait.ge [sflag:s29], $0x1000  }
0x43: {  	[sflag:s29] =	ssyncset.done $0x0  }
0x44: {  	s1 =	simm.s32 $0x0;
	[sflag:s29] =	ssyncadd.s32 $0xFFFFF000  }
0x45: {  	v2 =	vld [tilespmem:s1+$0x8400]  }
0x46: {  	v3 =	vld [tilespmem:s1+$0x400]  }
0x47: {  	v1 =	vld [tilespmem:s1+$0x8410]  }
0x48: {  	v6 =	vld [tilespmem:s1+$0x410]  }
0x49: {  	s0 =	simm.s32 $0x20  }
0x4a: {  	v0 =	vld [tilespmem:s0+$0x8410]  }
0x4b: {  	v8 =	vsub.f32 v3, v2;
	v3 =	vld [tilespmem:s0+$0x8400]  }
0x4c: {  	v5 =	vld [tilespmem:s0+$0x400]  }
0x4d: {  	v4 =	vimm.f32 $0.0e+00;
	s12 =	simm.s32 $0x100;
	v7 =	vsub.f32 v6, v1;
	v6 =	vld [tilespmem:s1+$0x10400];
	v8 =	vadd.f32 v8, v2  }
.LBB2_2:
0x4e: {  	p0 =	sne.s32 s12, $0x1FF80;
	v9 =	vld [tilespmem:s1+$0x10410]  }
0x4f: {  	v7 =	vadd.f32 v7, v1;
	v10 =	vld [tilespmem:s0+$0x410];
	v11 =	vsub.f32 v8, v2  }
0x50: {  	v8 =	vsub.f32 v2, v8;
	v2 =	vmov v3  }
.Ltmp0:
0x51: {  	s13 =	sshra.s32 s12, $0x2;
	v12 =	vsub.f32 v1, v7;
	v7 =	vsub.f32 v7, v1;
	v1 =	vmovc v0;
	v11 =	vmul.f32 v11, v11;
	(pc) =	sbr.rel @p0 .LBB2_2-.Ltmp0, $4  }
0x52: {  	v13 =	vsub.f32 v5, v2;
	v0 =	vld [tilespmem:s13+$0x8410];
	v6 =	vsub.f32 v6, v8  }
0x53: {  	v3 =	vld [tilespmem:s13+$0x8400];
	v4 =	vadd.f32 v11, v4;
	v9 =	vsub.f32 v9, v12;
	v11 =	vmul.f32 v7, v7  }
0x54: {  	v5 =	vld [tilespmem:s13+$0x400];
	v7 =	vsub.f32 v10, v1;
	[tilespmem:s1+$0x10400] =	vst v6  }
0x55: {  	s12 =	sadd.s32 $0x80, s12;
	v8 =	vadd.f32 v13, v2;
	v6 =	vld [tilespmem:s0+$0x10400];
	[tilespmem:s1+$0x10410] =	vst v9;
	v4 =	vadd.f32 v11, v4;
	s1 =	smov.u32 s0;
	s0 =	smov.u32 s13  }
0x56: {  	v9 =	vld [tilespmem:s1+$0x10410]  }
0x57: {  	v10 =	vld [tilespmem:s0+$0x410];
	v7 =	vadd.f32 v7, v1  }
0x58: {  	v11 =	vsub.f32 v2, v8  }
0x59: {  	v51 =	vsub.f32 v8, v2;
	v52 =	vsub.f32 v1, v7  }
0x5a: {  	v5 =	vsub.f32 v5, v3;
	v6 =	vsub.f32 v6, v11  }
0x5b: {  	v53 =	vsub.f32 v7, v1;
	v2 =	vmul.f32 v51, v51;
	v54 =	vsub.f32 v9, v52  }
0x5c: {  	v55 =	vsub.f32 v10, v0;
	v5 =	vadd.f32 v5, v3;
	[tilespmem:s1+$0x10400] =	vst v6  }
0x5d: {  	v1 =	vmul.f32 v53, v53;
	v2 =	vadd.f32 v2, v4;
	v56 =	vld [tilespmem:s0+$0x10400];
	[tilespmem:s1+$0x10410] =	vst v54  }
0x5e: {  	v58 =	vsub.f32 v5, v3;
	v6 =	vadd.f32 v55, v0;
	v57 =	vld [tilespmem:s0+$0x10410]  }
0x5f: {  	v1 =	vadd.f32 v1, v2  }
0x60: {  	v59 =	vsub.f32 v3, v5;
	v60 =	vmul.f32 v58, v58;
	v61 =	vsub.f32 v6, v0  }
0x61: {  	v62 =	vsub.f32 v0, v6  }
0x62: {  	v1 =	vadd.f32 v60, v1;
	v63 =	vmul.f32 v61, v61;
	v2 =	vsub.f32 v56, v59  }
0x63: {  	v0 =	vsub.f32 v57, v62  }
0x64: {  	v1 =	vadd.f32 v63, v1;
	[tilespmem:s0+$0x10400] =	vst v2  }
0x65: {  	[tilespmem:s0+$0x10410] =	vst v0  }
0x66: {  	[tilespmem:$0x18400] =	vst v1  }
0x67: {  	[hbm4b:s7+s2] =	stream.linear.scatter [tilespmem:s28], [sflag:$0x2], $0x8000, $0x38;
	[tilespmem:$0x18410] =	vst v63  }
0x68: {  	s31 =	sadd.s32 $0x1, s31;
	_ =	swait.ge [sflag:s10], $0x8000  }
0x69: {  	p0 =	sne.s32 s31, s9;
	[sflag:s10] =	ssyncset.done $0x0  }
.Ltmp1:
0x6a: {  	[sflag:s10] =	ssyncadd.s32 $0xFFFF8000;
	(pc) =	sbr.rel @p0 .LBB2_1-.Ltmp1, $4  }
0x6b: {  	[hbm4b:s8+s2] =	stream.linear.scatter [tilespmem:s30], [sflag:$0x2], $0x10, $0x38;
	[tilespmem:$0x18410] =	vst v63  }
0x6c: {  	_ =	swait.ge [sflag:s10], $0x10  }
0x6d: {  	[sflag:s10] =	ssyncset.done $0x0  }
0x6e: {  	[sflag:s10] =	ssyncadd.s32 $0xFFFFFFF0  }
0x6f: {  	_ =	sfence.sel $0x180000  }
0x70: {  	[bflag:$0x0] =	sbarrier.arrive $0xFFFF  }
0x71: {  	_ =	strace $0x90000050  }
0x72: {  	s0 =	stileid.u32;
	[bflag:$0x2] =	sbarrier.arrive $0xFFFF  }
0x73: {  	p0 =	sne.s32 s0, $0x0;
	s0 =	rddreg [dreg:$0x2]  }
0x74: {  	s0 =	sadd.s32 @!p0 $0x100000, s0  }
0x75: {  	[sflag:s0] =	ssyncadd.tile.s32 @!p0 $0x1;
	_ =	shalt  }
.Lfunc_end2:
_tile_overlayer_lowered:
.L_overlay_start_2:
0x76: {  	(tag) =	ssettag $0x2  }
0x77: {  	s0 =	rddreg [dreg:$0x0];
	s2 =	stileid.u32  }
0x78: {  	s1 =	rddreg [dreg:$0x1];
	p0 =	sne.s32 s2, $0x0  }
0x79: {  	s3 =	rddreg [dreg:$0x2];
	[bflag:$0x3] =	sbarrier.arrive $0xFFFF;
	s2 =	simm.s32 @!p0 $0x1C02  }
0x7a: {  	[timem:s3], [sflag:s2] =	dma.local @!p0 [hbm:s0], s1  }
0x7b: {  	s0 =	simm.s32 @!p0 $0x2  }
0x7c: {  	_ =	swait.ge @!p0 [sflag:s0], s1  }
0x7d: {  	s1 =	ssub.s32 @!p0 $0x0, s1;
	[sflag:s0] =	ssyncset.done @!p0 $0x0  }
0x7e: {  	[sflag:s0] =	ssyncadd.s32 @!p0 s1  }
0x7f: {  	[bflag:$0x3] =	sbarrier.arrive $0xFFFF  }
0x80: {  	_ =	shalt  }

</sc_bundles>
